<compile_context>
chip_gen: v7x
topology: tpu7x:2x2x1
jax: 0.10.2.dev20260603
libtpu: 0.0.44.dev20260713+nightly
codegen_flags: <defaults>
</compile_context>

<pallas_src>
import functools

import jax
import jax.numpy as jnp
from jax import lax
from jax.experimental import pallas as pl
from jax.experimental.pallas import tpu as pltpu
from jax.experimental.pallas import tpu_sc as plsc

A = 10240
NC = 2
NS = 16
CHUNK = 128
BN_EPS = 1e-5
FA = 0.58


def _chunk_split(e: int):
    ct = -(-e // CHUNK)
    ka = max(8, int(round(FA * ct / NS / 8)) * 8)
    kb = max(1, -(-(ct - NS * ka) // NS))
    return ka, kb, NS * (ka + kb)


def _make_deg_kernel(KA: int, KB: int):
    mesh = plsc.VectorSubcoreMesh(core_axis_name="c", subcore_axis_name="s")
    RPT = A // NS
    KM = max(KA, KB)

    @functools.partial(
        pl.kernel,
        out_type=jax.ShapeDtypeStruct((NC * A,), jnp.float32),
        mesh=mesh,
        scratch_types=[
            pltpu.VMEM((KM, CHUNK), jnp.int32),
            pltpu.VMEM((CHUNK,), jnp.float32),
            pltpu.VMEM((RPT,), jnp.float32),
            pltpu.VMEM_SHARED((A,), jnp.float32),
            pltpu.SemaphoreType.DMA,
        ],
        compiler_params=pltpu.CompilerParams(use_tc_tiling_on_sc=False),
    )
    def deg_kernel(dst_hbm, out_hbm, dst_v, ones_v, chunk_v, acc, sem):
        c = lax.axis_index("c")
        s = lax.axis_index("s")

        @pl.when(c == 0)
        def _():
            pltpu.sync_copy(dst_hbm.at[pl.ds(s * KA, KA)],
                            dst_v.at[pl.ds(0, KA)])

        @pl.when(c == 1)
        def _():
            pltpu.sync_copy(dst_hbm.at[pl.ds(NS * KA + s * KB, KB)],
                            dst_v.at[pl.ds(0, KB)])

        one16 = jnp.ones((16,), jnp.float32)
        for q in range(CHUNK // 16):
            ones_v[pl.ds(q * 16, 16)] = one16
        zero16 = jnp.zeros((16,), jnp.float32)

        def zbody(i, carry):
            chunk_v[pl.ds(i * 16, 16)] = zero16
            return carry

        lax.fori_loop(0, RPT // 16, zbody, 0)
        pltpu.sync_copy(chunk_v, acc.at[pl.ds(s * RPT, RPT)])
        plsc.subcore_barrier()
        kc = jnp.where(c == 0, KA, KB)

        def ebody(j, carry):
            pltpu.sync_copy(ones_v, acc.at[dst_v.at[j]], add=True)
            return carry

        lax.fori_loop(0, kc, ebody, 0)
        plsc.subcore_barrier()
        pltpu.sync_copy(acc.at[pl.ds(s * RPT, RPT)], chunk_v)
        pltpu.sync_copy(chunk_v, out_hbm.at[pl.ds(c * A + s * RPT, RPT)])

    return deg_kernel


def _make_agg_kernel(KA: int, KB: int, D: int):
    mesh = plsc.VectorSubcoreMesh(core_axis_name="c", subcore_axis_name="s")
    RPT = A // NS
    CW = 8192 // D
    NZ = RPT // CW
    KM = max(KA, KB)

    @functools.partial(
        pl.kernel,
        out_type=jax.ShapeDtypeStruct((NC * A, D), jnp.float32),
        mesh=mesh,
        scratch_types=[
            pltpu.VMEM((KM, CHUNK), jnp.int32),
            pltpu.VMEM((KM, CHUNK), jnp.int32),
            pltpu.VMEM((CHUNK, D), jnp.float32),
            pltpu.VMEM((CW, D), jnp.float32),
            pltpu.VMEM_SHARED((A, D), jnp.float32),
            pltpu.SemaphoreType.DMA,
        ],
        compiler_params=pltpu.CompilerParams(use_tc_tiling_on_sc=False),
    )
    def agg_kernel(y_hbm, src_hbm, dst_hbm, out_hbm,
                   src_v, dst_v, buf, chunk_v, acc, sem):
        c = lax.axis_index("c")
        s = lax.axis_index("s")

        @pl.when(c == 0)
        def _():
            pltpu.sync_copy(src_hbm.at[pl.ds(s * KA, KA)],
                            src_v.at[pl.ds(0, KA)])
            pltpu.sync_copy(dst_hbm.at[pl.ds(s * KA, KA)],
                            dst_v.at[pl.ds(0, KA)])
            for t in range(NZ):
                pltpu.sync_copy(
                    y_hbm.at[pl.ds(s * RPT + t * CW, CW)], chunk_v)
                pltpu.sync_copy(chunk_v, acc.at[pl.ds(s * RPT + t * CW, CW)])

        @pl.when(c == 1)
        def _():
            pltpu.sync_copy(src_hbm.at[pl.ds(NS * KA + s * KB, KB)],
                            src_v.at[pl.ds(0, KB)])
            pltpu.sync_copy(dst_hbm.at[pl.ds(NS * KA + s * KB, KB)],
                            dst_v.at[pl.ds(0, KB)])
            zero16 = jnp.zeros((16,), jnp.float32)

            def zbody(i, carry):
                for q in range(D // 16):
                    chunk_v[i, pl.ds(q * 16, 16)] = zero16
                return carry

            lax.fori_loop(0, CW, zbody, 0)
            for t in range(NZ):
                pltpu.sync_copy(chunk_v, acc.at[pl.ds(s * RPT + t * CW, CW)])

        plsc.subcore_barrier()
        kc = jnp.where(c == 0, KA, KB)

        def ebody(j, carry):
            pltpu.async_copy(y_hbm.at[src_v.at[j]], buf, sem).wait()
            pltpu.sync_copy(buf, acc.at[dst_v.at[j]], add=True)
            return carry

        lax.fori_loop(0, kc, ebody, 0)
        plsc.subcore_barrier()
        for t in range(NZ):
            pltpu.sync_copy(acc.at[pl.ds(s * RPT + t * CW, CW)], chunk_v)
            pltpu.sync_copy(
                chunk_v, out_hbm.at[pl.ds(c * A + s * RPT + t * CW, CW)])

    return agg_kernel


_B = 1024


def _dinv(dp_ref):
    return lax.rsqrt(dp_ref[0, :] + dp_ref[1, :] + 1.0)


def _tc_scale_mm(x_pad, W1, degp):
    def body(x_ref, w_ref, dp_ref, o_ref):
        xw = jnp.dot(x_ref[...], w_ref[...], preferred_element_type=jnp.float32)
        o_ref[...] = xw * _dinv(dp_ref)[:, None]

    return pl.pallas_call(
        body,
        grid=(A // _B,),
        in_specs=[
            pl.BlockSpec((_B, 128), lambda i: (i, 0)),
            pl.BlockSpec((128, 128), lambda i: (0, 0)),
            pl.BlockSpec((2, _B), lambda i: (0, i)),
        ],
        out_specs=pl.BlockSpec((_B, 128), lambda i: (i, 0)),
        out_shape=jax.ShapeDtypeStruct((A, 128), jnp.float32),
    )(x_pad, W1, degp)


def _tc_mid(p, degp, b1r, gr, ber, W2):
    def body(p_ref, dp_ref, b1_ref, g_ref, be_ref, w_ref, o_ref):
        dinv = _dinv(dp_ref)
        ssum = p_ref[0] + p_ref[1]
        out1 = ssum * dinv[:, None] + b1_ref[0, :]
        scale = g_ref[0, :] * lax.rsqrt(jnp.float32(1.0 + BN_EPS))
        h = jnp.maximum(out1 * scale + be_ref[0, :], 0.0)
        y2 = jnp.dot(h, w_ref[...], preferred_element_type=jnp.float32)
        o_ref[...] = y2 * dinv[:, None]

    return pl.pallas_call(
        body,
        grid=(A // _B,),
        in_specs=[
            pl.BlockSpec((2, _B, 128), lambda i: (0, i, 0)),
            pl.BlockSpec((2, _B), lambda i: (0, i)),
            pl.BlockSpec((1, 128), lambda i: (0, 0)),
            pl.BlockSpec((1, 128), lambda i: (0, 0)),
            pl.BlockSpec((1, 128), lambda i: (0, 0)),
            pl.BlockSpec((128, 64), lambda i: (0, 0)),
        ],
        out_specs=pl.BlockSpec((_B, 64), lambda i: (i, 0)),
        out_shape=jax.ShapeDtypeStruct((A, 64), jnp.float32),
    )(p, degp, b1r, gr, ber, W2)


def _tc_head(p, degp, b2r, Wc, bcr):
    def body(p_ref, dp_ref, b2_ref, w_ref, bc_ref, o_ref):
        emb = (p_ref[0] + p_ref[1]) * _dinv(dp_ref)[:, None] + b2_ref[0, :]
        o_ref[...] = jnp.dot(
            emb, w_ref[...], preferred_element_type=jnp.float32) + bc_ref[0, :]

    return pl.pallas_call(
        body,
        grid=(A // _B,),
        in_specs=[
            pl.BlockSpec((2, _B, 64), lambda i: (0, i, 0)),
            pl.BlockSpec((2, _B), lambda i: (0, i)),
            pl.BlockSpec((1, 64), lambda i: (0, 0)),
            pl.BlockSpec((64, 16), lambda i: (0, 0)),
            pl.BlockSpec((1, 16), lambda i: (0, 0)),
        ],
        out_specs=pl.BlockSpec((_B, 16), lambda i: (i, 0)),
        out_shape=jax.ShapeDtypeStruct((A, 16), jnp.float32),
    )(p, degp, b2r, Wc, bcr)


def kernel(x, edge_index, W1, b1, gamma, beta, W2, b2, Wc, bc):
    n = x.shape[0]
    e = edge_index.shape[1]
    KA, KB, totc = _chunk_split(e)
    pad = totc * CHUNK - e

    src = jnp.concatenate(
        [edge_index[0].astype(jnp.int32),
         jnp.zeros((pad,), jnp.int32)]).reshape(totc, CHUNK)
    dst = jnp.concatenate(
        [edge_index[1].astype(jnp.int32),
         jnp.full((pad,), n, jnp.int32)]).reshape(totc, CHUNK)
    x_pad = jnp.pad(x, ((0, A - n), (0, 0)))

    degp = _make_deg_kernel(KA, KB)(dst).reshape(NC, A)
    y1 = _tc_scale_mm(x_pad, W1, degp)
    p1 = _make_agg_kernel(KA, KB, 128)(y1, src, dst).reshape(NC, A, 128)
    y2 = _tc_mid(p1, degp, b1.reshape(1, -1), gamma.reshape(1, -1),
                 beta.reshape(1, -1), W2)
    p2 = _make_agg_kernel(KA, KB, 64)(y2, src, dst).reshape(NC, A, 64)
    logits = _tc_head(p2, degp, b2.reshape(1, -1), Wc, bc.reshape(1, -1))
    return logits[:n]

# --- scband reference (transcript-rebuilt; emitter-appended) ---
"""Pipeline reference for scband-community-detection-model-893353197861 (READ-ONLY COPY).

The authoritative reference and input builder live on the scoring server;
editing this copy changes nothing except your own understanding.
"""

import jax, jax.numpy as jnp
import numpy as np

N_NODES = 10000
N_EDGES = 320000
IN_DIM = 128
HID_DIM = 128
EMB_DIM = 64
N_CLASSES = 16
BN_EPS = 1e-5


def setup_inputs(seed: int = 0) -> dict:
    key = jax.random.key(seed)
    ks = jax.random.split(key, 10)
    x = jax.random.normal(ks[0], (N_NODES, IN_DIM), dtype=jnp.float32)
    edge_index = jax.random.randint(ks[1], (2, N_EDGES), 0, N_NODES, dtype=jnp.int64 if jax.config.jax_enable_x64 else jnp.int32).astype(jnp.int32)
    # GCNConv layer 1: lin weight (no bias on lin), conv bias
    W1 = jax.random.normal(ks[2], (IN_DIM, HID_DIM), dtype=jnp.float32) * (1.0 / np.sqrt(IN_DIM))
    b1 = jnp.zeros((HID_DIM,), dtype=jnp.float32)
    # BatchNorm1d(hidden_dim) params (eval mode, running_mean=0, running_var=1)
    gamma = jnp.ones((HID_DIM,), dtype=jnp.float32)
    beta = jnp.zeros((HID_DIM,), dtype=jnp.float32)
    # GCNConv layer 2
    W2 = jax.random.normal(ks[3], (HID_DIM, EMB_DIM), dtype=jnp.float32) * (1.0 / np.sqrt(HID_DIM))
    b2 = jnp.zeros((EMB_DIM,), dtype=jnp.float32)
    # classifier
    Wc = jax.random.normal(ks[4], (EMB_DIM, N_CLASSES), dtype=jnp.float32) * (1.0 / np.sqrt(EMB_DIM))
    bc = jnp.zeros((N_CLASSES,), dtype=jnp.float32)
    return {"x": x, "edge_index": edge_index, "W1": W1, "b1": b1,
            "gamma": gamma, "beta": beta, "W2": W2, "b2": b2, "Wc": Wc, "bc": bc}


def _gcn_conv(x, src, dst, W, b, n):
    # x: [N, Fin]; src/dst: [E+N] (with self-loops already appended)
    xW = x @ W  # [N, Fout]
    ones = jnp.ones(src.shape[0], dtype=jnp.float32)
    deg = jnp.zeros((n,), dtype=jnp.float32).at[dst].add(ones)
    dinv = jnp.where(deg > 0, deg ** -0.5, 0.0)
    norm = dinv[src] * dinv[dst]  # [E+N]
    msg = xW[src] * norm[:, None]  # gather + scale
    out = jnp.zeros((n, W.shape[1]), dtype=jnp.float32).at[dst].add(msg)
    return out + b


def reference(x, edge_index, W1, b1, gamma, beta, W2, b2, Wc, bc):
    n = x.shape[0]
    loop = jnp.arange(n, dtype=edge_index.dtype)
    src = jnp.concatenate([edge_index[0], loop])
    dst = jnp.concatenate([edge_index[1], loop])
    # layer 1: GCNConv -> BatchNorm(eval) -> ReLU -> Dropout(eval=identity)
    h = _gcn_conv(x, src, dst, W1, b1, n)
    h = (h - 0.0) / jnp.sqrt(1.0 + BN_EPS) * gamma + beta
    h = jax.nn.relu(h)
    # layer 2: GCNConv
    emb = _gcn_conv(h, src, dst, W2, b2, n)
    # classifier
    logits = emb @ Wc + bc
    return logits

if __name__ == "__main__":
    import jax
    _d = setup_inputs()
    print(jax.jit(kernel)(*tuple(_d.values())))

</pallas_src>

<mosaic_0001>
#map = affine_map<(d0, d1) -> (0, 0)>
#map1 = affine_map<(d0, d1) -> (0)>
module attributes {stable_mosaic.version = 14 : i64} {
  func.func @deg_kernel(%arg0: i32, %arg1: i32, %arg2: memref<2512x128xi32, #tpu.memory_space<hbm>>, %arg3: memref<20480xf32, #tpu.memory_space<hbm>>, %arg4: memref<88x128xi32, #tpu.memory_space<vmem>>, %arg5: memref<128xf32, #tpu.memory_space<vmem>>, %arg6: memref<640xf32, #tpu.memory_space<vmem>>, %arg7: memref<10240xf32, #tpu.memory_space<vmem_shared>>, %arg8: memref<!tpu.dma_semaphore, #tpu.memory_space<semaphore_mem>>) attributes {dimension_semantics = [#tpu.dimension_semantics<core_parallel>, #tpu.dimension_semantics<subcore_parallel>], iteration_bounds = array<i64: 2, 16>, scalar_prefetch = 0 : i64, scratch_operands = 5 : i64, tpu.core_type = #tpu.core_type<sc_vector_subcore>, window_params = [{transform_indices = #map}, {transform_indices = #map1}]} {
    %eq3A = arith.constant 0 : i32
    %eq3A_0 = arith.cmpi eq, %arg0, %eq3A : i32
    %convert_element_type3A = arith.extui %eq3A_0 : i1 to i32
    %cond3A = arith.constant 0 : i32
    %cond3A_1 = arith.cmpi ne, %convert_element_type3A, %cond3A : i32
    scf.if %cond3A_1 {
      %mul3A_66 = arith.constant 88 : i32
      %mul3A_67 = arith.muli %arg1, %mul3A_66 : i32
      "tpu.region"() ({
        %run_scoped3A = tpu.sem_alloc : memref<!tpu.dma_semaphore, #tpu.memory_space<semaphore_mem>>
        %dma_start3A = arith.constant 0 : i32
        %dma_start3A_68 = arith.constant 0 : i32
        %dma_start3A_69 = tpu.memref_slice %arg4[%dma_start3A, %dma_start3A_68] : memref<88x128xi32, #tpu.memory_space<vmem>> -> memref<88x128xi32, #tpu.memory_space<vmem>>
        %dma_start3A_70 = arith.constant 0 : i32
        %dma_start3A_71 = tpu.memref_slice %arg2[%mul3A_67, %dma_start3A_70] : memref<2512x128xi32, #tpu.memory_space<hbm>> -> memref<88x128xi32, #tpu.memory_space<hbm>>
        %dma_start3A_72 = arith.constant 0 : i32
        %dma_start3A_73 = arith.constant 0 : i32
        %dma_start3A_74 = tpu.memref_slice %arg4[%dma_start3A_72, %dma_start3A_73] : memref<88x128xi32, #tpu.memory_space<vmem>> -> memref<88x128xi32, #tpu.memory_space<vmem>>
        %dma_start3A_75 = arith.constant 0 : i32
        %dma_start3A_76 = tpu.memref_slice %arg2[%mul3A_67, %dma_start3A_75] : memref<2512x128xi32, #tpu.memory_space<hbm>> -> memref<88x128xi32, #tpu.memory_space<hbm>>
        tpu.enqueue_dma source(%dma_start3A_76 : memref<88x128xi32, #tpu.memory_space<hbm>>) target(%dma_start3A_74 : memref<88x128xi32, #tpu.memory_space<vmem>>) target_semaphore(%run_scoped3A : memref<!tpu.dma_semaphore, #tpu.memory_space<semaphore_mem>>)
        %dma_wait3A = arith.constant 0 : i32
        %dma_wait3A_77 = arith.constant 0 : i32
        %dma_wait3A_78 = tpu.memref_slice %arg4[%dma_wait3A, %dma_wait3A_77] : memref<88x128xi32, #tpu.memory_space<vmem>> -> memref<88x128xi32, #tpu.memory_space<vmem>>
        %dma_wait3A_79 = arith.constant 0 : i32
        %dma_wait3A_80 = tpu.memref_slice %arg2[%mul3A_67, %dma_wait3A_79] : memref<2512x128xi32, #tpu.memory_space<hbm>> -> memref<88x128xi32, #tpu.memory_space<hbm>>
        %dma_wait3A_81 = arith.constant 0 : i32
        %dma_wait3A_82 = arith.constant 0 : i32
        %dma_wait3A_83 = tpu.memref_slice %arg4[%dma_wait3A_81, %dma_wait3A_82] : memref<88x128xi32, #tpu.memory_space<vmem>> -> memref<88x128xi32, #tpu.memory_space<vmem>>
        %dma_wait3A_84 = arith.constant 0 : i32
        %dma_wait3A_85 = tpu.memref_slice %arg2[%mul3A_67, %dma_wait3A_84] : memref<2512x128xi32, #tpu.memory_space<hbm>> -> memref<88x128xi32, #tpu.memory_space<hbm>>
        tpu.wait_dma2 semaphore(%run_scoped3A : memref<!tpu.dma_semaphore, #tpu.memory_space<semaphore_mem>>) src(%dma_wait3A_85 : memref<88x128xi32, #tpu.memory_space<hbm>>) dst(%dma_wait3A_83 : memref<88x128xi32, #tpu.memory_space<vmem>>)
        tpu.yield
      }) : () -> ()
    } else {
    }
    %eq3A_2 = arith.constant 1 : i32
    %eq3A_3 = arith.cmpi eq, %arg0, %eq3A_2 : i32
    %convert_element_type3A_4 = arith.extui %eq3A_3 : i1 to i32
    %cond3A_5 = arith.constant 0 : i32
    %cond3A_6 = arith.cmpi ne, %convert_element_type3A_4, %cond3A_5 : i32
    scf.if %cond3A_6 {
      %mul3A_66 = arith.constant 69 : i32
      %mul3A_67 = arith.muli %arg1, %mul3A_66 : i32
      %add3A_68 = arith.constant 1408 : i32
      %add3A_69 = arith.addi %add3A_68, %mul3A_67 : i32
      "tpu.region"() ({
        %run_scoped3A = tpu.sem_alloc : memref<!tpu.dma_semaphore, #tpu.memory_space<semaphore_mem>>
        %dma_start3A = arith.constant 0 : i32
        %dma_start3A_70 = arith.constant 0 : i32
        %dma_start3A_71 = tpu.memref_slice %arg4[%dma_start3A, %dma_start3A_70] : memref<88x128xi32, #tpu.memory_space<vmem>> -> memref<69x128xi32, #tpu.memory_space<vmem>>
        %dma_start3A_72 = arith.constant 0 : i32
        %dma_start3A_73 = tpu.memref_slice %arg2[%add3A_69, %dma_start3A_72] : memref<2512x128xi32, #tpu.memory_space<hbm>> -> memref<69x128xi32, #tpu.memory_space<hbm>>
        %dma_start3A_74 = arith.constant 0 : i32
        %dma_start3A_75 = arith.constant 0 : i32
        %dma_start3A_76 = tpu.memref_slice %arg4[%dma_start3A_74, %dma_start3A_75] : memref<88x128xi32, #tpu.memory_space<vmem>> -> memref<69x128xi32, #tpu.memory_space<vmem>>
        %dma_start3A_77 = arith.constant 0 : i32
        %dma_start3A_78 = tpu.memref_slice %arg2[%add3A_69, %dma_start3A_77] : memref<2512x128xi32, #tpu.memory_space<hbm>> -> memref<69x128xi32, #tpu.memory_space<hbm>>
        tpu.enqueue_dma source(%dma_start3A_78 : memref<69x128xi32, #tpu.memory_space<hbm>>) target(%dma_start3A_76 : memref<69x128xi32, #tpu.memory_space<vmem>>) target_semaphore(%run_scoped3A : memref<!tpu.dma_semaphore, #tpu.memory_space<semaphore_mem>>)
        %dma_wait3A = arith.constant 0 : i32
        %dma_wait3A_79 = arith.constant 0 : i32
        %dma_wait3A_80 = tpu.memref_slice %arg4[%dma_wait3A, %dma_wait3A_79] : memref<88x128xi32, #tpu.memory_space<vmem>> -> memref<69x128xi32, #tpu.memory_space<vmem>>
        %dma_wait3A_81 = arith.constant 0 : i32
        %dma_wait3A_82 = tpu.memref_slice %arg2[%add3A_69, %dma_wait3A_81] : memref<2512x128xi32, #tpu.memory_space<hbm>> -> memref<69x128xi32, #tpu.memory_space<hbm>>
        %dma_wait3A_83 = arith.constant 0 : i32
        %dma_wait3A_84 = arith.constant 0 : i32
        %dma_wait3A_85 = tpu.memref_slice %arg4[%dma_wait3A_83, %dma_wait3A_84] : memref<88x128xi32, #tpu.memory_space<vmem>> -> memref<69x128xi32, #tpu.memory_space<vmem>>
        %dma_wait3A_86 = arith.constant 0 : i32
        %dma_wait3A_87 = tpu.memref_slice %arg2[%add3A_69, %dma_wait3A_86] : memref<2512x128xi32, #tpu.memory_space<hbm>> -> memref<69x128xi32, #tpu.memory_space<hbm>>
        tpu.wait_dma2 semaphore(%run_scoped3A : memref<!tpu.dma_semaphore, #tpu.memory_space<semaphore_mem>>) src(%dma_wait3A_87 : memref<69x128xi32, #tpu.memory_space<hbm>>) dst(%dma_wait3A_85 : memref<69x128xi32, #tpu.memory_space<vmem>>)
        tpu.yield
      }) : () -> ()
    } else {
    }
    %broadcast_in_dim3A = arith.constant 1.000000e+00 : f32
    %broadcast_in_dim3A_7 = vector.broadcast %broadcast_in_dim3A : f32 to vector<16xf32>
    %swap3A = arith.constant 0 : index
    %swap3A_8 = tpu.vector_load %arg5[%swap3A] {strides = array<i32>} : memref<128xf32, #tpu.memory_space<vmem>>, vector<16xf32>,
    %swap3A_9 = vector.shape_cast %swap3A_8 : vector<16xf32> to vector<16xf32>
    %swap3A_10 = vector.shape_cast %broadcast_in_dim3A_7 : vector<16xf32> to vector<16xf32>
    tpu.vector_store %arg5[%swap3A], %swap3A_10 {strides = array<i32>} : memref<128xf32, #tpu.memory_space<vmem>>, vector<16xf32>,
    %swap3A_11 = arith.constant 16 : index
    %swap3A_12 = tpu.vector_load %arg5[%swap3A_11] {strides = array<i32>} : memref<128xf32, #tpu.memory_space<vmem>>, vector<16xf32>,
    %swap3A_13 = vector.shape_cast %swap3A_12 : vector<16xf32> to vector<16xf32>
    %swap3A_14 = vector.shape_cast %broadcast_in_dim3A_7 : vector<16xf32> to vector<16xf32>
    tpu.vector_store %arg5[%swap3A_11], %swap3A_14 {strides = array<i32>} : memref<128xf32, #tpu.memory_space<vmem>>, vector<16xf32>,
    %swap3A_15 = arith.constant 32 : index
    %swap3A_16 = tpu.vector_load %arg5[%swap3A_15] {strides = array<i32>} : memref<128xf32, #tpu.memory_space<vmem>>, vector<16xf32>,
    %swap3A_17 = vector.shape_cast %swap3A_16 : vector<16xf32> to vector<16xf32>
    %swap3A_18 = vector.shape_cast %broadcast_in_dim3A_7 : vector<16xf32> to vector<16xf32>
    tpu.vector_store %arg5[%swap3A_15], %swap3A_18 {strides = array<i32>} : memref<128xf32, #tpu.memory_space<vmem>>, vector<16xf32>,
    %swap3A_19 = arith.constant 48 : index
    %swap3A_20 = tpu.vector_load %arg5[%swap3A_19] {strides = array<i32>} : memref<128xf32, #tpu.memory_space<vmem>>, vector<16xf32>,
    %swap3A_21 = vector.shape_cast %swap3A_20 : vector<16xf32> to vector<16xf32>
    %swap3A_22 = vector.shape_cast %broadcast_in_dim3A_7 : vector<16xf32> to vector<16xf32>
    tpu.vector_store %arg5[%swap3A_19], %swap3A_22 {strides = array<i32>} : memref<128xf32, #tpu.memory_space<vmem>>, vector<16xf32>,
    %swap3A_23 = arith.constant 64 : index
    %swap3A_24 = tpu.vector_load %arg5[%swap3A_23] {strides = array<i32>} : memref<128xf32, #tpu.memory_space<vmem>>, vector<16xf32>,
    %swap3A_25 = vector.shape_cast %swap3A_24 : vector<16xf32> to vector<16xf32>
    %swap3A_26 = vector.shape_cast %broadcast_in_dim3A_7 : vector<16xf32> to vector<16xf32>
    tpu.vector_store %arg5[%swap3A_23], %swap3A_26 {strides = array<i32>} : memref<128xf32, #tpu.memory_space<vmem>>, vector<16xf32>,
    %swap3A_27 = arith.constant 80 : index
    %swap3A_28 = tpu.vector_load %arg5[%swap3A_27] {strides = array<i32>} : memref<128xf32, #tpu.memory_space<vmem>>, vector<16xf32>,
    %swap3A_29 = vector.shape_cast %swap3A_28 : vector<16xf32> to vector<16xf32>
    %swap3A_30 = vector.shape_cast %broadcast_in_dim3A_7 : vector<16xf32> to vector<16xf32>
    tpu.vector_store %arg5[%swap3A_27], %swap3A_30 {strides = array<i32>} : memref<128xf32, #tpu.memory_space<vmem>>, vector<16xf32>,
    %swap3A_31 = arith.constant 96 : index
    %swap3A_32 = tpu.vector_load %arg5[%swap3A_31] {strides = array<i32>} : memref<128xf32, #tpu.memory_space<vmem>>, vector<16xf32>,
    %swap3A_33 = vector.shape_cast %swap3A_32 : vector<16xf32> to vector<16xf32>
    %swap3A_34 = vector.shape_cast %broadcast_in_dim3A_7 : vector<16xf32> to vector<16xf32>
    tpu.vector_store %arg5[%swap3A_31], %swap3A_34 {strides = array<i32>} : memref<128xf32, #tpu.memory_space<vmem>>, vector<16xf32>,
    %swap3A_35 = arith.constant 112 : index
    %swap3A_36 = tpu.vector_load %arg5[%swap3A_35] {strides = array<i32>} : memref<128xf32, #tpu.memory_space<vmem>>, vector<16xf32>,
    %swap3A_37 = vector.shape_cast %swap3A_36 : vector<16xf32> to vector<16xf32>
    %swap3A_38 = vector.shape_cast %broadcast_in_dim3A_7 : vector<16xf32> to vector<16xf32>
    tpu.vector_store %arg5[%swap3A_35], %swap3A_38 {strides = array<i32>} : memref<128xf32, #tpu.memory_space<vmem>>, vector<16xf32>,
    %broadcast_in_dim3A_39 = arith.constant 0.000000e+00 : f32
    %broadcast_in_dim3A_40 = vector.broadcast %broadcast_in_dim3A_39 : f32 to vector<16xf32>
    %scan3A = arith.constant 0 : i32
    %scan3A_41 = arith.constant 0 : i32
    %scan3A_42 = arith.constant 40 : i32
    %scan3A_43 = arith.addi %scan3A_41, %scan3A_42 : i32
    %scan3A_44 = arith.constant 1 : i32
    scf.for %scan3A_66 = %scan3A_41 to %scan3A_43 step %scan3A_44  : i32 {
      %mul3A_67 = arith.constant 16 : i32
      %mul3A_68 = arith.muli %scan3A_66, %mul3A_67 : i32
      %swap3A_69 = arith.index_cast %mul3A_68 : i32 to index
      %swap3A_70 = tpu.vector_load %arg6[%swap3A_69] {strides = array<i32>} : memref<640xf32, #tpu.memory_space<vmem>>, vector<16xf32>,
      %swap3A_71 = vector.shape_cast %swap3A_70 : vector<16xf32> to vector<16xf32>
      %swap3A_72 = vector.shape_cast %broadcast_in_dim3A_40 : vector<16xf32> to vector<16xf32>
      tpu.vector_store %arg6[%swap3A_69], %swap3A_72 {strides = array<i32>} : memref<640xf32, #tpu.memory_space<vmem>>, vector<16xf32>,
    }
    %scan3A_45 = arith.constant 40 : i32
    %mul3A = arith.constant 640 : i32
    %mul3A_46 = arith.muli %arg1, %mul3A : i32
    "tpu.region"() ({
      %run_scoped3A = tpu.sem_alloc : memref<!tpu.dma_semaphore, #tpu.memory_space<semaphore_mem>>
      %dma_start3A = tpu.memref_slice %arg7[%mul3A_46] : memref<10240xf32, #tpu.memory_space<vmem_shared>> -> memref<640xf32, #tpu.memory_space<vmem_shared>>
      %dma_start3A_66 = tpu.memref_slice %arg7[%mul3A_46] : memref<10240xf32, #tpu.memory_space<vmem_shared>> -> memref<640xf32, #tpu.memory_space<vmem_shared>>
      tpu.enqueue_dma source(%arg6 : memref<640xf32, #tpu.memory_space<vmem>>) target(%dma_start3A_66 : memref<640xf32, #tpu.memory_space<vmem_shared>>) target_semaphore(%run_scoped3A : memref<!tpu.dma_semaphore, #tpu.memory_space<semaphore_mem>>)
      %dma_wait3A = tpu.memref_slice %arg7[%mul3A_46] : memref<10240xf32, #tpu.memory_space<vmem_shared>> -> memref<640xf32, #tpu.memory_space<vmem_shared>>
      %dma_wait3A_67 = tpu.memref_slice %arg7[%mul3A_46] : memref<10240xf32, #tpu.memory_space<vmem_shared>> -> memref<640xf32, #tpu.memory_space<vmem_shared>>
      tpu.wait_dma2 semaphore(%run_scoped3A : memref<!tpu.dma_semaphore, #tpu.memory_space<semaphore_mem>>) src(%arg6 : memref<640xf32, #tpu.memory_space<vmem>>) dst(%dma_wait3A_67 : memref<640xf32, #tpu.memory_space<vmem_shared>>)
      tpu.yield
    }) : () -> ()
    %barrier3A = arith.constant 0 : index
    tpu.barrier barrier_id(%barrier3A)
    %eq3A_47 = arith.constant 0 : i32
    %eq3A_48 = arith.cmpi eq, %arg0, %eq3A_47 : i32
    %jit3A = arith.constant 88 : i32
    %jit3A_49 = arith.constant 69 : i32
    %select_n3A = arith.select %eq3A_48, %jit3A, %jit3A_49 : i32
    %while3A = arith.constant 0 : i32
    %while3A_50 = arith.constant 0 : i32
    %while3A_51 = arith.subi %select_n3A, %while3A_50 : i32
    %while3A_52 = arith.addi %while3A_50, %while3A_51 : i32
    %while3A_53 = arith.constant 1 : i32
    %while3A_54 = arith.divsi %while3A_51, %while3A_53 : i32
    %while3A_55 = arith.muli %while3A_54, %while3A_53 : i32
    %while3A_56 = arith.addi %while3A_50, %while3A_55 : i32
    %while3A_57 = arith.constant 1 : i32
    scf.for %while3A_66 = %while3A_50 to %while3A_56 step %while3A_57  : i32 {
      "tpu.region"() ({
        %run_scoped3A = tpu.sem_alloc : memref<!tpu.dma_semaphore, #tpu.memory_space<semaphore_mem>>
        %dma_start3A = arith.constant 0 : i32
        %dma_start3A_67 = tpu.memref_slice %arg4[%while3A_66, %dma_start3A] : memref<88x128xi32, #tpu.memory_space<vmem>> -> memref<1x128xi32, #tpu.memory_space<vmem>>
        %dma_start3A_68 = tpu.memref_squeeze %dma_start3A_67 : memref<1x128xi32, #tpu.memory_space<vmem>> -> memref<128xi32, #tpu.memory_space<vmem>>
        %dma_start3A_69 = arith.constant 0 : i32
        %dma_start3A_70 = tpu.memref_slice %arg7[%dma_start3A_69] : memref<10240xf32, #tpu.memory_space<vmem_shared>> -> memref<10240xf32, #tpu.memory_space<vmem_shared>>
        tpu.enqueue_indirect_dma source(%arg5 : memref<128xf32, #tpu.memory_space<vmem>>) target(%dma_start3A_70 : memref<10240xf32, #tpu.memory_space<vmem_shared>>) offsets(%dma_start3A_68 : memref<128xi32, #tpu.memory_space<vmem>>) semaphore(%run_scoped3A : memref<!tpu.dma_semaphore, #tpu.memory_space<semaphore_mem>>) {add = true}
        %dma_wait3A = arith.constant 0 : i32
        %dma_wait3A_71 = tpu.memref_slice %arg4[%while3A_66, %dma_wait3A] : memref<88x128xi32, #tpu.memory_space<vmem>> -> memref<1x128xi32, #tpu.memory_space<vmem>>
        %dma_wait3A_72 = tpu.memref_squeeze %dma_wait3A_71 : memref<1x128xi32, #tpu.memory_space<vmem>> -> memref<128xi32, #tpu.memory_space<vmem>>
        %dma_wait3A_73 = arith.constant 0 : i32
        %dma_wait3A_74 = tpu.memref_slice %arg7[%dma_wait3A_73] : memref<10240xf32, #tpu.memory_space<vmem_shared>> -> memref<10240xf32, #tpu.memory_space<vmem_shared>>
        tpu.wait_indirect_dma semaphore(%run_scoped3A : memref<!tpu.dma_semaphore, #tpu.memory_space<semaphore_mem>>) src(%arg5 : memref<128xf32, #tpu.memory_space<vmem>>) dst(%dma_wait3A_74 : memref<10240xf32, #tpu.memory_space<vmem_shared>>)
        tpu.yield
      }) : () -> ()
    }
    %while3A_58 = arith.constant 1 : i32
    scf.for %while3A_66 = %while3A_56 to %while3A_52 step %while3A_58  : i32 {
      "tpu.region"() ({
        %run_scoped3A = tpu.sem_alloc : memref<!tpu.dma_semaphore, #tpu.memory_space<semaphore_mem>>
        %dma_start3A = arith.constant 0 : i32
        %dma_start3A_67 = tpu.memref_slice %arg4[%while3A_66, %dma_start3A] : memref<88x128xi32, #tpu.memory_space<vmem>> -> memref<1x128xi32, #tpu.memory_space<vmem>>
        %dma_start3A_68 = tpu.memref_squeeze %dma_start3A_67 : memref<1x128xi32, #tpu.memory_space<vmem>> -> memref<128xi32, #tpu.memory_space<vmem>>
        %dma_start3A_69 = arith.constant 0 : i32
        %dma_start3A_70 = tpu.memref_slice %arg7[%dma_start3A_69] : memref<10240xf32, #tpu.memory_space<vmem_shared>> -> memref<10240xf32, #tpu.memory_space<vmem_shared>>
        tpu.enqueue_indirect_dma source(%arg5 : memref<128xf32, #tpu.memory_space<vmem>>) target(%dma_start3A_70 : memref<10240xf32, #tpu.memory_space<vmem_shared>>) offsets(%dma_start3A_68 : memref<128xi32, #tpu.memory_space<vmem>>) semaphore(%run_scoped3A : memref<!tpu.dma_semaphore, #tpu.memory_space<semaphore_mem>>) {add = true}
        %dma_wait3A = arith.constant 0 : i32
        %dma_wait3A_71 = tpu.memref_slice %arg4[%while3A_66, %dma_wait3A] : memref<88x128xi32, #tpu.memory_space<vmem>> -> memref<1x128xi32, #tpu.memory_space<vmem>>
        %dma_wait3A_72 = tpu.memref_squeeze %dma_wait3A_71 : memref<1x128xi32, #tpu.memory_space<vmem>> -> memref<128xi32, #tpu.memory_space<vmem>>
        %dma_wait3A_73 = arith.constant 0 : i32
        %dma_wait3A_74 = tpu.memref_slice %arg7[%dma_wait3A_73] : memref<10240xf32, #tpu.memory_space<vmem_shared>> -> memref<10240xf32, #tpu.memory_space<vmem_shared>>
        tpu.wait_indirect_dma semaphore(%run_scoped3A : memref<!tpu.dma_semaphore, #tpu.memory_space<semaphore_mem>>) src(%arg5 : memref<128xf32, #tpu.memory_space<vmem>>) dst(%dma_wait3A_74 : memref<10240xf32, #tpu.memory_space<vmem_shared>>)
        tpu.yield
      }) : () -> ()
    }
    %barrier3A_59 = arith.constant 0 : index
    tpu.barrier barrier_id(%barrier3A_59)
    %mul3A_60 = arith.constant 640 : i32
    %mul3A_61 = arith.muli %arg1, %mul3A_60 : i32
    "tpu.region"() ({
      %run_scoped3A = tpu.sem_alloc : memref<!tpu.dma_semaphore, #tpu.memory_space<semaphore_mem>>
      %dma_start3A = tpu.memref_slice %arg7[%mul3A_61] : memref<10240xf32, #tpu.memory_space<vmem_shared>> -> memref<640xf32, #tpu.memory_space<vmem_shared>>
      %dma_start3A_66 = tpu.memref_slice %arg7[%mul3A_61] : memref<10240xf32, #tpu.memory_space<vmem_shared>> -> memref<640xf32, #tpu.memory_space<vmem_shared>>
      tpu.enqueue_dma source(%dma_start3A_66 : memref<640xf32, #tpu.memory_space<vmem_shared>>) target(%arg6 : memref<640xf32, #tpu.memory_space<vmem>>) target_semaphore(%run_scoped3A : memref<!tpu.dma_semaphore, #tpu.memory_space<semaphore_mem>>)
      %dma_wait3A = tpu.memref_slice %arg7[%mul3A_61] : memref<10240xf32, #tpu.memory_space<vmem_shared>> -> memref<640xf32, #tpu.memory_space<vmem_shared>>
      %dma_wait3A_67 = tpu.memref_slice %arg7[%mul3A_61] : memref<10240xf32, #tpu.memory_space<vmem_shared>> -> memref<640xf32, #tpu.memory_space<vmem_shared>>
      tpu.wait_dma2 semaphore(%run_scoped3A : memref<!tpu.dma_semaphore, #tpu.memory_space<semaphore_mem>>) src(%dma_wait3A_67 : memref<640xf32, #tpu.memory_space<vmem_shared>>) dst(%arg6 : memref<640xf32, #tpu.memory_space<vmem>>)
      tpu.yield
    }) : () -> ()
    %mul3A_62 = arith.constant 10240 : i32
    %mul3A_63 = arith.muli %arg0, %mul3A_62 : i32
    %mul3A_64 = arith.constant 640 : i32
    %mul3A_65 = arith.muli %arg1, %mul3A_64 : i32
    %add3A = arith.addi %mul3A_63, %mul3A_65 : i32
    "tpu.region"() ({
      %run_scoped3A = tpu.sem_alloc : memref<!tpu.dma_semaphore, #tpu.memory_space<semaphore_mem>>
      %dma_start3A = tpu.memref_slice %arg3[%add3A] : memref<20480xf32, #tpu.memory_space<hbm>> -> memref<640xf32, #tpu.memory_space<hbm>>
      %dma_start3A_66 = tpu.memref_slice %arg3[%add3A] : memref<20480xf32, #tpu.memory_space<hbm>> -> memref<640xf32, #tpu.memory_space<hbm>>
      tpu.enqueue_dma source(%arg6 : memref<640xf32, #tpu.memory_space<vmem>>) target(%dma_start3A_66 : memref<640xf32, #tpu.memory_space<hbm>>) target_semaphore(%run_scoped3A : memref<!tpu.dma_semaphore, #tpu.memory_space<semaphore_mem>>)
      %dma_wait3A = tpu.memref_slice %arg3[%add3A] : memref<20480xf32, #tpu.memory_space<hbm>> -> memref<640xf32, #tpu.memory_space<hbm>>
      %dma_wait3A_67 = tpu.memref_slice %arg3[%add3A] : memref<20480xf32, #tpu.memory_space<hbm>> -> memref<640xf32, #tpu.memory_space<hbm>>
      tpu.wait_dma2 semaphore(%run_scoped3A : memref<!tpu.dma_semaphore, #tpu.memory_space<semaphore_mem>>) src(%arg6 : memref<640xf32, #tpu.memory_space<vmem>>) dst(%dma_wait3A_67 : memref<640xf32, #tpu.memory_space<hbm>>)
      tpu.yield
    }) : () -> ()
    return
  }
}

#map = affine_map<(d0, d1) -> (0, 0)>
module attributes {stable_mosaic.version = 14 : i64} {
  func.func @agg_kernel(%arg0: i32, %arg1: i32, %arg2: memref<10240x64xf32, #tpu.memory_space<hbm>>, %arg3: memref<2512x128xi32, #tpu.memory_space<hbm>>, %arg4: memref<2512x128xi32, #tpu.memory_space<hbm>>, %arg5: memref<20480x64xf32, #tpu.memory_space<hbm>>, %arg6: memref<88x128xi32, #tpu.memory_space<vmem>>, %arg7: memref<88x128xi32, #tpu.memory_space<vmem>>, %arg8: memref<128x64xf32, #tpu.memory_space<vmem>>, %arg9: memref<128x64xf32, #tpu.memory_space<vmem>>, %arg10: memref<10240x64xf32, #tpu.memory_space<vmem_shared>>, %arg11: memref<!tpu.dma_semaphore, #tpu.memory_space<semaphore_mem>>) attributes {dimension_semantics = [#tpu.dimension_semantics<core_parallel>, #tpu.dimension_semantics<subcore_parallel>], iteration_bounds = array<i64: 2, 16>, scalar_prefetch = 0 : i64, scratch_operands = 6 : i64, tpu.core_type = #tpu.core_type<sc_vector_subcore>, window_params = [{transform_indices = #map}, {transform_indices = #map}, {transform_indices = #map}, {transform_indices = #map}]} {
    %eq3A = arith.constant 0 : i32
    %eq3A_0 = arith.cmpi eq, %arg0, %eq3A : i32
    %convert_element_type3A = arith.extui %eq3A_0 : i1 to i32
    %cond3A = arith.constant 0 : i32
    %cond3A_1 = arith.cmpi ne, %convert_element_type3A, %cond3A : i32
    scf.if %cond3A_1 {
      %mul3A_73 = arith.constant 88 : i32
      %mul3A_74 = arith.muli %arg1, %mul3A_73 : i32
      "tpu.region"() ({
        %run_scoped3A = tpu.sem_alloc : memref<!tpu.dma_semaphore, #tpu.memory_space<semaphore_mem>>
        %dma_start3A = arith.constant 0 : i32
        %dma_start3A_117 = arith.constant 0 : i32
        %dma_start3A_118 = tpu.memref_slice %arg6[%dma_start3A, %dma_start3A_117] : memref<88x128xi32, #tpu.memory_space<vmem>> -> memref<88x128xi32, #tpu.memory_space<vmem>>
        %dma_start3A_119 = arith.constant 0 : i32
        %dma_start3A_120 = tpu.memref_slice %arg3[%mul3A_74, %dma_start3A_119] : memref<2512x128xi32, #tpu.memory_space<hbm>> -> memref<88x128xi32, #tpu.memory_space<hbm>>
        %dma_start3A_121 = arith.constant 0 : i32
        %dma_start3A_122 = arith.constant 0 : i32
        %dma_start3A_123 = tpu.memref_slice %arg6[%dma_start3A_121, %dma_start3A_122] : memref<88x128xi32, #tpu.memory_space<vmem>> -> memref<88x128xi32, #tpu.memory_space<vmem>>
        %dma_start3A_124 = arith.constant 0 : i32
        %dma_start3A_125 = tpu.memref_slice %arg3[%mul3A_74, %dma_start3A_124] : memref<2512x128xi32, #tpu.memory_space<hbm>> -> memref<88x128xi32, #tpu.memory_space<hbm>>
        tpu.enqueue_dma source(%dma_start3A_125 : memref<88x128xi32, #tpu.memory_space<hbm>>) target(%dma_start3A_123 : memref<88x128xi32, #tpu.memory_space<vmem>>) target_semaphore(%run_scoped3A : memref<!tpu.dma_semaphore, #tpu.memory_space<semaphore_mem>>)
        %dma_wait3A = arith.constant 0 : i32
        %dma_wait3A_126 = arith.constant 0 : i32
        %dma_wait3A_127 = tpu.memref_slice %arg6[%dma_wait3A, %dma_wait3A_126] : memref<88x128xi32, #tpu.memory_space<vmem>> -> memref<88x128xi32, #tpu.memory_space<vmem>>
        %dma_wait3A_128 = arith.constant 0 : i32
        %dma_wait3A_129 = tpu.memref_slice %arg3[%mul3A_74, %dma_wait3A_128] : memref<2512x128xi32, #tpu.memory_space<hbm>> -> memref<88x128xi32, #tpu.memory_space<hbm>>
        %dma_wait3A_130 = arith.constant 0 : i32
        %dma_wait3A_131 = arith.constant 0 : i32
        %dma_wait3A_132 = tpu.memref_slice %arg6[%dma_wait3A_130, %dma_wait3A_131] : memref<88x128xi32, #tpu.memory_space<vmem>> -> memref<88x128xi32, #tpu.memory_space<vmem>>
        %dma_wait3A_133 = arith.constant 0 : i32
        %dma_wait3A_134 = tpu.memref_slice %arg3[%mul3A_74, %dma_wait3A_133] : memref<2512x128xi32, #tpu.memory_space<hbm>> -> memref<88x128xi32, #tpu.memory_space<hbm>>
        tpu.wait_dma2 semaphore(%run_scoped3A : memref<!tpu.dma_semaphore, #tpu.memory_space<semaphore_mem>>) src(%dma_wait3A_134 : memref<88x128xi32, #tpu.memory_space<hbm>>) dst(%dma_wait3A_132 : memref<88x128xi32, #tpu.memory_space<vmem>>)
        tpu.yield
      }) : () -> ()
      %mul3A_75 = arith.constant 88 : i32
      %mul3A_76 = arith.muli %arg1, %mul3A_75 : i32
      "tpu.region"() ({
        %run_scoped3A = tpu.sem_alloc : memref<!tpu.dma_semaphore, #tpu.memory_space<semaphore_mem>>
        %dma_start3A = arith.constant 0 : i32
        %dma_start3A_117 = arith.constant 0 : i32
        %dma_start3A_118 = tpu.memref_slice %arg7[%dma_start3A, %dma_start3A_117] : memref<88x128xi32, #tpu.memory_space<vmem>> -> memref<88x128xi32, #tpu.memory_space<vmem>>
        %dma_start3A_119 = arith.constant 0 : i32
        %dma_start3A_120 = tpu.memref_slice %arg4[%mul3A_76, %dma_start3A_119] : memref<2512x128xi32, #tpu.memory_space<hbm>> -> memref<88x128xi32, #tpu.memory_space<hbm>>
        %dma_start3A_121 = arith.constant 0 : i32
        %dma_start3A_122 = arith.constant 0 : i32
        %dma_start3A_123 = tpu.memref_slice %arg7[%dma_start3A_121, %dma_start3A_122] : memref<88x128xi32, #tpu.memory_space<vmem>> -> memref<88x128xi32, #tpu.memory_space<vmem>>
        %dma_start3A_124 = arith.constant 0 : i32
        %dma_start3A_125 = tpu.memref_slice %arg4[%mul3A_76, %dma_start3A_124] : memref<2512x128xi32, #tpu.memory_space<hbm>> -> memref<88x128xi32, #tpu.memory_space<hbm>>
        tpu.enqueue_dma source(%dma_start3A_125 : memref<88x128xi32, #tpu.memory_space<hbm>>) target(%dma_start3A_123 : memref<88x128xi32, #tpu.memory_space<vmem>>) target_semaphore(%run_scoped3A : memref<!tpu.dma_semaphore, #tpu.memory_space<semaphore_mem>>)
        %dma_wait3A = arith.constant 0 : i32
        %dma_wait3A_126 = arith.constant 0 : i32
        %dma_wait3A_127 = tpu.memref_slice %arg7[%dma_wait3A, %dma_wait3A_126] : memref<88x128xi32, #tpu.memory_space<vmem>> -> memref<88x128xi32, #tpu.memory_space<vmem>>
        %dma_wait3A_128 = arith.constant 0 : i32
        %dma_wait3A_129 = tpu.memref_slice %arg4[%mul3A_76, %dma_wait3A_128] : memref<2512x128xi32, #tpu.memory_space<hbm>> -> memref<88x128xi32, #tpu.memory_space<hbm>>
        %dma_wait3A_130 = arith.constant 0 : i32
        %dma_wait3A_131 = arith.constant 0 : i32
        %dma_wait3A_132 = tpu.memref_slice %arg7[%dma_wait3A_130, %dma_wait3A_131] : memref<88x128xi32, #tpu.memory_space<vmem>> -> memref<88x128xi32, #tpu.memory_space<vmem>>
        %dma_wait3A_133 = arith.constant 0 : i32
        %dma_wait3A_134 = tpu.memref_slice %arg4[%mul3A_76, %dma_wait3A_133] : memref<2512x128xi32, #tpu.memory_space<hbm>> -> memref<88x128xi32, #tpu.memory_space<hbm>>
        tpu.wait_dma2 semaphore(%run_scoped3A : memref<!tpu.dma_semaphore, #tpu.memory_space<semaphore_mem>>) src(%dma_wait3A_134 : memref<88x128xi32, #tpu.memory_space<hbm>>) dst(%dma_wait3A_132 : memref<88x128xi32, #tpu.memory_space<vmem>>)
        tpu.yield
      }) : () -> ()
      %mul3A_77 = arith.constant 640 : i32
      %mul3A_78 = arith.muli %arg1, %mul3A_77 : i32
      %add3A_79 = arith.constant 0 : i32
      %add3A_80 = arith.addi %mul3A_78, %add3A_79 : i32
      "tpu.region"() ({
        %run_scoped3A = tpu.sem_alloc : memref<!tpu.dma_semaphore, #tpu.memory_space<semaphore_mem>>
        %dma_start3A = arith.constant 0 : i32
        %dma_start3A_117 = tpu.memref_slice %arg2[%add3A_80, %dma_start3A] : memref<10240x64xf32, #tpu.memory_space<hbm>> -> memref<128x64xf32, #tpu.memory_space<hbm>>
        %dma_start3A_118 = arith.constant 0 : i32
        %dma_start3A_119 = tpu.memref_slice %arg2[%add3A_80, %dma_start3A_118] : memref<10240x64xf32, #tpu.memory_space<hbm>> -> memref<128x64xf32, #tpu.memory_space<hbm>>
        tpu.enqueue_dma source(%dma_start3A_119 : memref<128x64xf32, #tpu.memory_space<hbm>>) target(%arg9 : memref<128x64xf32, #tpu.memory_space<vmem>>) target_semaphore(%run_scoped3A : memref<!tpu.dma_semaphore, #tpu.memory_space<semaphore_mem>>)
        %dma_wait3A = arith.constant 0 : i32
        %dma_wait3A_120 = tpu.memref_slice %arg2[%add3A_80, %dma_wait3A] : memref<10240x64xf32, #tpu.memory_space<hbm>> -> memref<128x64xf32, #tpu.memory_space<hbm>>
        %dma_wait3A_121 = arith.constant 0 : i32
        %dma_wait3A_122 = tpu.memref_slice %arg2[%add3A_80, %dma_wait3A_121] : memref<10240x64xf32, #tpu.memory_space<hbm>> -> memref<128x64xf32, #tpu.memory_space<hbm>>
        tpu.wait_dma2 semaphore(%run_scoped3A : memref<!tpu.dma_semaphore, #tpu.memory_space<semaphore_mem>>) src(%dma_wait3A_122 : memref<128x64xf32, #tpu.memory_space<hbm>>) dst(%arg9 : memref<128x64xf32, #tpu.memory_space<vmem>>)
        tpu.yield
      }) : () -> ()
      %mul3A_81 = arith.constant 640 : i32
      %mul3A_82 = arith.muli %arg1, %mul3A_81 : i32
      %add3A_83 = arith.constant 0 : i32
      %add3A_84 = arith.addi %mul3A_82, %add3A_83 : i32
      "tpu.region"() ({
        %run_scoped3A = tpu.sem_alloc : memref<!tpu.dma_semaphore, #tpu.memory_space<semaphore_mem>>
        %dma_start3A = arith.constant 0 : i32
        %dma_start3A_117 = tpu.memref_slice %arg10[%add3A_84, %dma_start3A] : memref<10240x64xf32, #tpu.memory_space<vmem_shared>> -> memref<128x64xf32, #tpu.memory_space<vmem_shared>>
        %dma_start3A_118 = arith.constant 0 : i32
        %dma_start3A_119 = tpu.memref_slice %arg10[%add3A_84, %dma_start3A_118] : memref<10240x64xf32, #tpu.memory_space<vmem_shared>> -> memref<128x64xf32, #tpu.memory_space<vmem_shared>>
        tpu.enqueue_dma source(%arg9 : memref<128x64xf32, #tpu.memory_space<vmem>>) target(%dma_start3A_119 : memref<128x64xf32, #tpu.memory_space<vmem_shared>>) target_semaphore(%run_scoped3A : memref<!tpu.dma_semaphore, #tpu.memory_space<semaphore_mem>>)
        %dma_wait3A = arith.constant 0 : i32
        %dma_wait3A_120 = tpu.memref_slice %arg10[%add3A_84, %dma_wait3A] : memref<10240x64xf32, #tpu.memory_space<vmem_shared>> -> memref<128x64xf32, #tpu.memory_space<vmem_shared>>
        %dma_wait3A_121 = arith.constant 0 : i32
        %dma_wait3A_122 = tpu.memref_slice %arg10[%add3A_84, %dma_wait3A_121] : memref<10240x64xf32, #tpu.memory_space<vmem_shared>> -> memref<128x64xf32, #tpu.memory_space<vmem_shared>>
        tpu.wait_dma2 semaphore(%run_scoped3A : memref<!tpu.dma_semaphore, #tpu.memory_space<semaphore_mem>>) src(%arg9 : memref<128x64xf32, #tpu.memory_space<vmem>>) dst(%dma_wait3A_122 : memref<128x64xf32, #tpu.memory_space<vmem_shared>>)
        tpu.yield
      }) : () -> ()
      %mul3A_85 = arith.constant 640 : i32
      %mul3A_86 = arith.muli %arg1, %mul3A_85 : i32
      %add3A_87 = arith.constant 128 : i32
      %add3A_88 = arith.addi %mul3A_86, %add3A_87 : i32
      "tpu.region"() ({
        %run_scoped3A = tpu.sem_alloc : memref<!tpu.dma_semaphore, #tpu.memory_space<semaphore_mem>>
        %dma_start3A = arith.constant 0 : i32
        %dma_start3A_117 = tpu.memref_slice %arg2[%add3A_88, %dma_start3A] : memref<10240x64xf32, #tpu.memory_space<hbm>> -> memref<128x64xf32, #tpu.memory_space<hbm>>
        %dma_start3A_118 = arith.constant 0 : i32
        %dma_start3A_119 = tpu.memref_slice %arg2[%add3A_88, %dma_start3A_118] : memref<10240x64xf32, #tpu.memory_space<hbm>> -> memref<128x64xf32, #tpu.memory_space<hbm>>
        tpu.enqueue_dma source(%dma_start3A_119 : memref<128x64xf32, #tpu.memory_space<hbm>>) target(%arg9 : memref<128x64xf32, #tpu.memory_space<vmem>>) target_semaphore(%run_scoped3A : memref<!tpu.dma_semaphore, #tpu.memory_space<semaphore_mem>>)
        %dma_wait3A = arith.constant 0 : i32
        %dma_wait3A_120 = tpu.memref_slice %arg2[%add3A_88, %dma_wait3A] : memref<10240x64xf32, #tpu.memory_space<hbm>> -> memref<128x64xf32, #tpu.memory_space<hbm>>
        %dma_wait3A_121 = arith.constant 0 : i32
        %dma_wait3A_122 = tpu.memref_slice %arg2[%add3A_88, %dma_wait3A_121] : memref<10240x64xf32, #tpu.memory_space<hbm>> -> memref<128x64xf32, #tpu.memory_space<hbm>>
        tpu.wait_dma2 semaphore(%run_scoped3A : memref<!tpu.dma_semaphore, #tpu.memory_space<semaphore_mem>>) src(%dma_wait3A_122 : memref<128x64xf32, #tpu.memory_space<hbm>>) dst(%arg9 : memref<128x64xf32, #tpu.memory_space<vmem>>)
        tpu.yield
      }) : () -> ()
      %mul3A_89 = arith.constant 640 : i32
      %mul3A_90 = arith.muli %arg1, %mul3A_89 : i32
      %add3A_91 = arith.constant 128 : i32
      %add3A_92 = arith.addi %mul3A_90, %add3A_91 : i32
      "tpu.region"() ({
        %run_scoped3A = tpu.sem_alloc : memref<!tpu.dma_semaphore, #tpu.memory_space<semaphore_mem>>
        %dma_start3A = arith.constant 0 : i32
        %dma_start3A_117 = tpu.memref_slice %arg10[%add3A_92, %dma_start3A] : memref<10240x64xf32, #tpu.memory_space<vmem_shared>> -> memref<128x64xf32, #tpu.memory_space<vmem_shared>>
        %dma_start3A_118 = arith.constant 0 : i32
        %dma_start3A_119 = tpu.memref_slice %arg10[%add3A_92, %dma_start3A_118] : memref<10240x64xf32, #tpu.memory_space<vmem_shared>> -> memref<128x64xf32, #tpu.memory_space<vmem_shared>>
        tpu.enqueue_dma source(%arg9 : memref<128x64xf32, #tpu.memory_space<vmem>>) target(%dma_start3A_119 : memref<128x64xf32, #tpu.memory_space<vmem_shared>>) target_semaphore(%run_scoped3A : memref<!tpu.dma_semaphore, #tpu.memory_space<semaphore_mem>>)
        %dma_wait3A = arith.constant 0 : i32
        %dma_wait3A_120 = tpu.memref_slice %arg10[%add3A_92, %dma_wait3A] : memref<10240x64xf32, #tpu.memory_space<vmem_shared>> -> memref<128x64xf32, #tpu.memory_space<vmem_shared>>
        %dma_wait3A_121 = arith.constant 0 : i32
        %dma_wait3A_122 = tpu.memref_slice %arg10[%add3A_92, %dma_wait3A_121] : memref<10240x64xf32, #tpu.memory_space<vmem_shared>> -> memref<128x64xf32, #tpu.memory_space<vmem_shared>>
        tpu.wait_dma2 semaphore(%run_scoped3A : memref<!tpu.dma_semaphore, #tpu.memory_space<semaphore_mem>>) src(%arg9 : memref<128x64xf32, #tpu.memory_space<vmem>>) dst(%dma_wait3A_122 : memref<128x64xf32, #tpu.memory_space<vmem_shared>>)
        tpu.yield
      }) : () -> ()
      %mul3A_93 = arith.constant 640 : i32
      %mul3A_94 = arith.muli %arg1, %mul3A_93 : i32
      %add3A_95 = arith.constant 256 : i32
      %add3A_96 = arith.addi %mul3A_94, %add3A_95 : i32
      "tpu.region"() ({
        %run_scoped3A = tpu.sem_alloc : memref<!tpu.dma_semaphore, #tpu.memory_space<semaphore_mem>>
        %dma_start3A = arith.constant 0 : i32
        %dma_start3A_117 = tpu.memref_slice %arg2[%add3A_96, %dma_start3A] : memref<10240x64xf32, #tpu.memory_space<hbm>> -> memref<128x64xf32, #tpu.memory_space<hbm>>
        %dma_start3A_118 = arith.constant 0 : i32
        %dma_start3A_119 = tpu.memref_slice %arg2[%add3A_96, %dma_start3A_118] : memref<10240x64xf32, #tpu.memory_space<hbm>> -> memref<128x64xf32, #tpu.memory_space<hbm>>
        tpu.enqueue_dma source(%dma_start3A_119 : memref<128x64xf32, #tpu.memory_space<hbm>>) target(%arg9 : memref<128x64xf32, #tpu.memory_space<vmem>>) target_semaphore(%run_scoped3A : memref<!tpu.dma_semaphore, #tpu.memory_space<semaphore_mem>>)
        %dma_wait3A = arith.constant 0 : i32
        %dma_wait3A_120 = tpu.memref_slice %arg2[%add3A_96, %dma_wait3A] : memref<10240x64xf32, #tpu.memory_space<hbm>> -> memref<128x64xf32, #tpu.memory_space<hbm>>
        %dma_wait3A_121 = arith.constant 0 : i32
        %dma_wait3A_122 = tpu.memref_slice %arg2[%add3A_96, %dma_wait3A_121] : memref<10240x64xf32, #tpu.memory_space<hbm>> -> memref<128x64xf32, #tpu.memory_space<hbm>>
        tpu.wait_dma2 semaphore(%run_scoped3A : memref<!tpu.dma_semaphore, #tpu.memory_space<semaphore_mem>>) src(%dma_wait3A_122 : memref<128x64xf32, #tpu.memory_space<hbm>>) dst(%arg9 : memref<128x64xf32, #tpu.memory_space<vmem>>)
        tpu.yield
      }) : () -> ()
      %mul3A_97 = arith.constant 640 : i32
      %mul3A_98 = arith.muli %arg1, %mul3A_97 : i32
      %add3A_99 = arith.constant 256 : i32
      %add3A_100 = arith.addi %mul3A_98, %add3A_99 : i32
      "tpu.region"() ({
        %run_scoped3A = tpu.sem_alloc : memref<!tpu.dma_semaphore, #tpu.memory_space<semaphore_mem>>
        %dma_start3A = arith.constant 0 : i32
        %dma_start3A_117 = tpu.memref_slice %arg10[%add3A_100, %dma_start3A] : memref<10240x64xf32, #tpu.memory_space<vmem_shared>> -> memref<128x64xf32, #tpu.memory_space<vmem_shared>>
        %dma_start3A_118 = arith.constant 0 : i32
        %dma_start3A_119 = tpu.memref_slice %arg10[%add3A_100, %dma_start3A_118] : memref<10240x64xf32, #tpu.memory_space<vmem_shared>> -> memref<128x64xf32, #tpu.memory_space<vmem_shared>>
        tpu.enqueue_dma source(%arg9 : memref<128x64xf32, #tpu.memory_space<vmem>>) target(%dma_start3A_119 : memref<128x64xf32, #tpu.memory_space<vmem_shared>>) target_semaphore(%run_scoped3A : memref<!tpu.dma_semaphore, #tpu.memory_space<semaphore_mem>>)
        %dma_wait3A = arith.constant 0 : i32
        %dma_wait3A_120 = tpu.memref_slice %arg10[%add3A_100, %dma_wait3A] : memref<10240x64xf32, #tpu.memory_space<vmem_shared>> -> memref<128x64xf32, #tpu.memory_space<vmem_shared>>
        %dma_wait3A_121 = arith.constant 0 : i32
        %dma_wait3A_122 = tpu.memref_slice %arg10[%add3A_100, %dma_wait3A_121] : memref<10240x64xf32, #tpu.memory_space<vmem_shared>> -> memref<128x64xf32, #tpu.memory_space<vmem_shared>>
        tpu.wait_dma2 semaphore(%run_scoped3A : memref<!tpu.dma_semaphore, #tpu.memory_space<semaphore_mem>>) src(%arg9 : memref<128x64xf32, #tpu.memory_space<vmem>>) dst(%dma_wait3A_122 : memref<128x64xf32, #tpu.memory_space<vmem_shared>>)
        tpu.yield
      }) : () -> ()
      %mul3A_101 = arith.constant 640 : i32
      %mul3A_102 = arith.muli %arg1, %mul3A_101 : i32
      %add3A_103 = arith.constant 384 : i32
      %add3A_104 = arith.addi %mul3A_102, %add3A_103 : i32
      "tpu.region"() ({
        %run_scoped3A = tpu.sem_alloc : memref<!tpu.dma_semaphore, #tpu.memory_space<semaphore_mem>>
        %dma_start3A = arith.constant 0 : i32
        %dma_start3A_117 = tpu.memref_slice %arg2[%add3A_104, %dma_start3A] : memref<10240x64xf32, #tpu.memory_space<hbm>> -> memref<128x64xf32, #tpu.memory_space<hbm>>
        %dma_start3A_118 = arith.constant 0 : i32
        %dma_start3A_119 = tpu.memref_slice %arg2[%add3A_104, %dma_start3A_118] : memref<10240x64xf32, #tpu.memory_space<hbm>> -> memref<128x64xf32, #tpu.memory_space<hbm>>
        tpu.enqueue_dma source(%dma_start3A_119 : memref<128x64xf32, #tpu.memory_space<hbm>>) target(%arg9 : memref<128x64xf32, #tpu.memory_space<vmem>>) target_semaphore(%run_scoped3A : memref<!tpu.dma_semaphore, #tpu.memory_space<semaphore_mem>>)
        %dma_wait3A = arith.constant 0 : i32
        %dma_wait3A_120 = tpu.memref_slice %arg2[%add3A_104, %dma_wait3A] : memref<10240x64xf32, #tpu.memory_space<hbm>> -> memref<128x64xf32, #tpu.memory_space<hbm>>
        %dma_wait3A_121 = arith.constant 0 : i32
        %dma_wait3A_122 = tpu.memref_slice %arg2[%add3A_104, %dma_wait3A_121] : memref<10240x64xf32, #tpu.memory_space<hbm>> -> memref<128x64xf32, #tpu.memory_space<hbm>>
        tpu.wait_dma2 semaphore(%run_scoped3A : memref<!tpu.dma_semaphore, #tpu.memory_space<semaphore_mem>>) src(%dma_wait3A_122 : memref<128x64xf32, #tpu.memory_space<hbm>>) dst(%arg9 : memref<128x64xf32, #tpu.memory_space<vmem>>)
        tpu.yield
      }) : () -> ()
      %mul3A_105 = arith.constant 640 : i32
      %mul3A_106 = arith.muli %arg1, %mul3A_105 : i32
      %add3A_107 = arith.constant 384 : i32
      %add3A_108 = arith.addi %mul3A_106, %add3A_107 : i32
      "tpu.region"() ({
        %run_scoped3A = tpu.sem_alloc : memref<!tpu.dma_semaphore, #tpu.memory_space<semaphore_mem>>
        %dma_start3A = arith.constant 0 : i32
        %dma_start3A_117 = tpu.memref_slice %arg10[%add3A_108, %dma_start3A] : memref<10240x64xf32, #tpu.memory_space<vmem_shared>> -> memref<128x64xf32, #tpu.memory_space<vmem_shared>>
        %dma_start3A_118 = arith.constant 0 : i32
        %dma_start3A_119 = tpu.memref_slice %arg10[%add3A_108, %dma_start3A_118] : memref<10240x64xf32, #tpu.memory_space<vmem_shared>> -> memref<128x64xf32, #tpu.memory_space<vmem_shared>>
        tpu.enqueue_dma source(%arg9 : memref<128x64xf32, #tpu.memory_space<vmem>>) target(%dma_start3A_119 : memref<128x64xf32, #tpu.memory_space<vmem_shared>>) target_semaphore(%run_scoped3A : memref<!tpu.dma_semaphore, #tpu.memory_space<semaphore_mem>>)
        %dma_wait3A = arith.constant 0 : i32
        %dma_wait3A_120 = tpu.memref_slice %arg10[%add3A_108, %dma_wait3A] : memref<10240x64xf32, #tpu.memory_space<vmem_shared>> -> memref<128x64xf32, #tpu.memory_space<vmem_shared>>
        %dma_wait3A_121 = arith.constant 0 : i32
        %dma_wait3A_122 = tpu.memref_slice %arg10[%add3A_108, %dma_wait3A_121] : memref<10240x64xf32, #tpu.memory_space<vmem_shared>> -> memref<128x64xf32, #tpu.memory_space<vmem_shared>>
        tpu.wait_dma2 semaphore(%run_scoped3A : memref<!tpu.dma_semaphore, #tpu.memory_space<semaphore_mem>>) src(%arg9 : memref<128x64xf32, #tpu.memory_space<vmem>>) dst(%dma_wait3A_122 : memref<128x64xf32, #tpu.memory_space<vmem_shared>>)
        tpu.yield
      }) : () -> ()
      %mul3A_109 = arith.constant 640 : i32
      %mul3A_110 = arith.muli %arg1, %mul3A_109 : i32
      %add3A_111 = arith.constant 512 : i32
      %add3A_112 = arith.addi %mul3A_110, %add3A_111 : i32
      "tpu.region"() ({
        %run_scoped3A = tpu.sem_alloc : memref<!tpu.dma_semaphore, #tpu.memory_space<semaphore_mem>>
        %dma_start3A = arith.constant 0 : i32
        %dma_start3A_117 = tpu.memref_slice %arg2[%add3A_112, %dma_start3A] : memref<10240x64xf32, #tpu.memory_space<hbm>> -> memref<128x64xf32, #tpu.memory_space<hbm>>
        %dma_start3A_118 = arith.constant 0 : i32
        %dma_start3A_119 = tpu.memref_slice %arg2[%add3A_112, %dma_start3A_118] : memref<10240x64xf32, #tpu.memory_space<hbm>> -> memref<128x64xf32, #tpu.memory_space<hbm>>
        tpu.enqueue_dma source(%dma_start3A_119 : memref<128x64xf32, #tpu.memory_space<hbm>>) target(%arg9 : memref<128x64xf32, #tpu.memory_space<vmem>>) target_semaphore(%run_scoped3A : memref<!tpu.dma_semaphore, #tpu.memory_space<semaphore_mem>>)
        %dma_wait3A = arith.constant 0 : i32
        %dma_wait3A_120 = tpu.memref_slice %arg2[%add3A_112, %dma_wait3A] : memref<10240x64xf32, #tpu.memory_space<hbm>> -> memref<128x64xf32, #tpu.memory_space<hbm>>
        %dma_wait3A_121 = arith.constant 0 : i32
        %dma_wait3A_122 = tpu.memref_slice %arg2[%add3A_112, %dma_wait3A_121] : memref<10240x64xf32, #tpu.memory_space<hbm>> -> memref<128x64xf32, #tpu.memory_space<hbm>>
        tpu.wait_dma2 semaphore(%run_scoped3A : memref<!tpu.dma_semaphore, #tpu.memory_space<semaphore_mem>>) src(%dma_wait3A_122 : memref<128x64xf32, #tpu.memory_space<hbm>>) dst(%arg9 : memref<128x64xf32, #tpu.memory_space<vmem>>)
        tpu.yield
      }) : () -> ()
      %mul3A_113 = arith.constant 640 : i32
      %mul3A_114 = arith.muli %arg1, %mul3A_113 : i32
      %add3A_115 = arith.constant 512 : i32
      %add3A_116 = arith.addi %mul3A_114, %add3A_115 : i32
      "tpu.region"() ({
        %run_scoped3A = tpu.sem_alloc : memref<!tpu.dma_semaphore, #tpu.memory_space<semaphore_mem>>
        %dma_start3A = arith.constant 0 : i32
        %dma_start3A_117 = tpu.memref_slice %arg10[%add3A_116, %dma_start3A] : memref<10240x64xf32, #tpu.memory_space<vmem_shared>> -> memref<128x64xf32, #tpu.memory_space<vmem_shared>>
        %dma_start3A_118 = arith.constant 0 : i32
        %dma_start3A_119 = tpu.memref_slice %arg10[%add3A_116, %dma_start3A_118] : memref<10240x64xf32, #tpu.memory_space<vmem_shared>> -> memref<128x64xf32, #tpu.memory_space<vmem_shared>>
        tpu.enqueue_dma source(%arg9 : memref<128x64xf32, #tpu.memory_space<vmem>>) target(%dma_start3A_119 : memref<128x64xf32, #tpu.memory_space<vmem_shared>>) target_semaphore(%run_scoped3A : memref<!tpu.dma_semaphore, #tpu.memory_space<semaphore_mem>>)
        %dma_wait3A = arith.constant 0 : i32
        %dma_wait3A_120 = tpu.memref_slice %arg10[%add3A_116, %dma_wait3A] : memref<10240x64xf32, #tpu.memory_space<vmem_shared>> -> memref<128x64xf32, #tpu.memory_space<vmem_shared>>
        %dma_wait3A_121 = arith.constant 0 : i32
        %dma_wait3A_122 = tpu.memref_slice %arg10[%add3A_116, %dma_wait3A_121] : memref<10240x64xf32, #tpu.memory_space<vmem_shared>> -> memref<128x64xf32, #tpu.memory_space<vmem_shared>>
        tpu.wait_dma2 semaphore(%run_scoped3A : memref<!tpu.dma_semaphore, #tpu.memory_space<semaphore_mem>>) src(%arg9 : memref<128x64xf32, #tpu.memory_space<vmem>>) dst(%dma_wait3A_122 : memref<128x64xf32, #tpu.memory_space<vmem_shared>>)
        tpu.yield
      }) : () -> ()
    } else {
    }
    %eq3A_2 = arith.constant 1 : i32
    %eq3A_3 = arith.cmpi eq, %arg0, %eq3A_2 : i32
    %convert_element_type3A_4 = arith.extui %eq3A_3 : i1 to i32
    %cond3A_5 = arith.constant 0 : i32
    %cond3A_6 = arith.cmpi ne, %convert_element_type3A_4, %cond3A_5 : i32
    scf.if %cond3A_6 {
      %mul3A_73 = arith.constant 69 : i32
      %mul3A_74 = arith.muli %arg1, %mul3A_73 : i32
      %add3A_75 = arith.constant 1408 : i32
      %add3A_76 = arith.addi %add3A_75, %mul3A_74 : i32
      "tpu.region"() ({
        %run_scoped3A = tpu.sem_alloc : memref<!tpu.dma_semaphore, #tpu.memory_space<semaphore_mem>>
        %dma_start3A = arith.constant 0 : i32
        %dma_start3A_107 = arith.constant 0 : i32
        %dma_start3A_108 = tpu.memref_slice %arg6[%dma_start3A, %dma_start3A_107] : memref<88x128xi32, #tpu.memory_space<vmem>> -> memref<69x128xi32, #tpu.memory_space<vmem>>
        %dma_start3A_109 = arith.constant 0 : i32
        %dma_start3A_110 = tpu.memref_slice %arg3[%add3A_76, %dma_start3A_109] : memref<2512x128xi32, #tpu.memory_space<hbm>> -> memref<69x128xi32, #tpu.memory_space<hbm>>
        %dma_start3A_111 = arith.constant 0 : i32
        %dma_start3A_112 = arith.constant 0 : i32
        %dma_start3A_113 = tpu.memref_slice %arg6[%dma_start3A_111, %dma_start3A_112] : memref<88x128xi32, #tpu.memory_space<vmem>> -> memref<69x128xi32, #tpu.memory_space<vmem>>
        %dma_start3A_114 = arith.constant 0 : i32
        %dma_start3A_115 = tpu.memref_slice %arg3[%add3A_76, %dma_start3A_114] : memref<2512x128xi32, #tpu.memory_space<hbm>> -> memref<69x128xi32, #tpu.memory_space<hbm>>
        tpu.enqueue_dma source(%dma_start3A_115 : memref<69x128xi32, #tpu.memory_space<hbm>>) target(%dma_start3A_113 : memref<69x128xi32, #tpu.memory_space<vmem>>) target_semaphore(%run_scoped3A : memref<!tpu.dma_semaphore, #tpu.memory_space<semaphore_mem>>)
        %dma_wait3A = arith.constant 0 : i32
        %dma_wait3A_116 = arith.constant 0 : i32
        %dma_wait3A_117 = tpu.memref_slice %arg6[%dma_wait3A, %dma_wait3A_116] : memref<88x128xi32, #tpu.memory_space<vmem>> -> memref<69x128xi32, #tpu.memory_space<vmem>>
        %dma_wait3A_118 = arith.constant 0 : i32
        %dma_wait3A_119 = tpu.memref_slice %arg3[%add3A_76, %dma_wait3A_118] : memref<2512x128xi32, #tpu.memory_space<hbm>> -> memref<69x128xi32, #tpu.memory_space<hbm>>
        %dma_wait3A_120 = arith.constant 0 : i32
        %dma_wait3A_121 = arith.constant 0 : i32
        %dma_wait3A_122 = tpu.memref_slice %arg6[%dma_wait3A_120, %dma_wait3A_121] : memref<88x128xi32, #tpu.memory_space<vmem>> -> memref<69x128xi32, #tpu.memory_space<vmem>>
        %dma_wait3A_123 = arith.constant 0 : i32
        %dma_wait3A_124 = tpu.memref_slice %arg3[%add3A_76, %dma_wait3A_123] : memref<2512x128xi32, #tpu.memory_space<hbm>> -> memref<69x128xi32, #tpu.memory_space<hbm>>
        tpu.wait_dma2 semaphore(%run_scoped3A : memref<!tpu.dma_semaphore, #tpu.memory_space<semaphore_mem>>) src(%dma_wait3A_124 : memref<69x128xi32, #tpu.memory_space<hbm>>) dst(%dma_wait3A_122 : memref<69x128xi32, #tpu.memory_space<vmem>>)
        tpu.yield
      }) : () -> ()
      %mul3A_77 = arith.constant 69 : i32
      %mul3A_78 = arith.muli %arg1, %mul3A_77 : i32
      %add3A_79 = arith.constant 1408 : i32
      %add3A_80 = arith.addi %add3A_79, %mul3A_78 : i32
      "tpu.region"() ({
        %run_scoped3A = tpu.sem_alloc : memref<!tpu.dma_semaphore, #tpu.memory_space<semaphore_mem>>
        %dma_start3A = arith.constant 0 : i32
        %dma_start3A_107 = arith.constant 0 : i32
        %dma_start3A_108 = tpu.memref_slice %arg7[%dma_start3A, %dma_start3A_107] : memref<88x128xi32, #tpu.memory_space<vmem>> -> memref<69x128xi32, #tpu.memory_space<vmem>>
        %dma_start3A_109 = arith.constant 0 : i32
        %dma_start3A_110 = tpu.memref_slice %arg4[%add3A_80, %dma_start3A_109] : memref<2512x128xi32, #tpu.memory_space<hbm>> -> memref<69x128xi32, #tpu.memory_space<hbm>>
        %dma_start3A_111 = arith.constant 0 : i32
        %dma_start3A_112 = arith.constant 0 : i32
        %dma_start3A_113 = tpu.memref_slice %arg7[%dma_start3A_111, %dma_start3A_112] : memref<88x128xi32, #tpu.memory_space<vmem>> -> memref<69x128xi32, #tpu.memory_space<vmem>>
        %dma_start3A_114 = arith.constant 0 : i32
        %dma_start3A_115 = tpu.memref_slice %arg4[%add3A_80, %dma_start3A_114] : memref<2512x128xi32, #tpu.memory_space<hbm>> -> memref<69x128xi32, #tpu.memory_space<hbm>>
        tpu.enqueue_dma source(%dma_start3A_115 : memref<69x128xi32, #tpu.memory_space<hbm>>) target(%dma_start3A_113 : memref<69x128xi32, #tpu.memory_space<vmem>>) target_semaphore(%run_scoped3A : memref<!tpu.dma_semaphore, #tpu.memory_space<semaphore_mem>>)
        %dma_wait3A = arith.constant 0 : i32
        %dma_wait3A_116 = arith.constant 0 : i32
        %dma_wait3A_117 = tpu.memref_slice %arg7[%dma_wait3A, %dma_wait3A_116] : memref<88x128xi32, #tpu.memory_space<vmem>> -> memref<69x128xi32, #tpu.memory_space<vmem>>
        %dma_wait3A_118 = arith.constant 0 : i32
        %dma_wait3A_119 = tpu.memref_slice %arg4[%add3A_80, %dma_wait3A_118] : memref<2512x128xi32, #tpu.memory_space<hbm>> -> memref<69x128xi32, #tpu.memory_space<hbm>>
        %dma_wait3A_120 = arith.constant 0 : i32
        %dma_wait3A_121 = arith.constant 0 : i32
        %dma_wait3A_122 = tpu.memref_slice %arg7[%dma_wait3A_120, %dma_wait3A_121] : memref<88x128xi32, #tpu.memory_space<vmem>> -> memref<69x128xi32, #tpu.memory_space<vmem>>
        %dma_wait3A_123 = arith.constant 0 : i32
        %dma_wait3A_124 = tpu.memref_slice %arg4[%add3A_80, %dma_wait3A_123] : memref<2512x128xi32, #tpu.memory_space<hbm>> -> memref<69x128xi32, #tpu.memory_space<hbm>>
        tpu.wait_dma2 semaphore(%run_scoped3A : memref<!tpu.dma_semaphore, #tpu.memory_space<semaphore_mem>>) src(%dma_wait3A_124 : memref<69x128xi32, #tpu.memory_space<hbm>>) dst(%dma_wait3A_122 : memref<69x128xi32, #tpu.memory_space<vmem>>)
        tpu.yield
      }) : () -> ()
      %broadcast_in_dim3A = arith.constant 0.000000e+00 : f32
      %broadcast_in_dim3A_81 = vector.broadcast %broadcast_in_dim3A : f32 to vector<16xf32>
      %scan3A = arith.constant 0 : i32
      %scan3A_82 = arith.constant 0 : i32
      %scan3A_83 = arith.constant 128 : i32
      %scan3A_84 = arith.addi %scan3A_82, %scan3A_83 : i32
      %scan3A_85 = arith.constant 1 : i32
      scf.for %scan3A_107 = %scan3A_82 to %scan3A_84 step %scan3A_85  : i32 {
        %swap3A = arith.index_cast %scan3A_107 : i32 to index
        %swap3A_108 = arith.constant 0 : index
        %swap3A_109 = tpu.vector_load %arg9[%swap3A, %swap3A_108] {strides = array<i32>} : memref<128x64xf32, #tpu.memory_space<vmem>>, vector<1x16xf32>,
        %swap3A_110 = vector.shape_cast %swap3A_109 : vector<1x16xf32> to vector<16xf32>
        %swap3A_111 = vector.shape_cast %broadcast_in_dim3A_81 : vector<16xf32> to vector<1x16xf32>
        tpu.vector_store %arg9[%swap3A, %swap3A_108], %swap3A_111 {strides = array<i32>} : memref<128x64xf32, #tpu.memory_space<vmem>>, vector<1x16xf32>,
        %swap3A_112 = arith.index_cast %scan3A_107 : i32 to index
        %swap3A_113 = arith.constant 16 : index
        %swap3A_114 = tpu.vector_load %arg9[%swap3A_112, %swap3A_113] {strides = array<i32>} : memref<128x64xf32, #tpu.memory_space<vmem>>, vector<1x16xf32>,
        %swap3A_115 = vector.shape_cast %swap3A_114 : vector<1x16xf32> to vector<16xf32>
        %swap3A_116 = vector.shape_cast %broadcast_in_dim3A_81 : vector<16xf32> to vector<1x16xf32>
        tpu.vector_store %arg9[%swap3A_112, %swap3A_113], %swap3A_116 {strides = array<i32>} : memref<128x64xf32, #tpu.memory_space<vmem>>, vector<1x16xf32>,
        %swap3A_117 = arith.index_cast %scan3A_107 : i32 to index
        %swap3A_118 = arith.constant 32 : index
        %swap3A_119 = tpu.vector_load %arg9[%swap3A_117, %swap3A_118] {strides = array<i32>} : memref<128x64xf32, #tpu.memory_space<vmem>>, vector<1x16xf32>,
        %swap3A_120 = vector.shape_cast %swap3A_119 : vector<1x16xf32> to vector<16xf32>
        %swap3A_121 = vector.shape_cast %broadcast_in_dim3A_81 : vector<16xf32> to vector<1x16xf32>
        tpu.vector_store %arg9[%swap3A_117, %swap3A_118], %swap3A_121 {strides = array<i32>} : memref<128x64xf32, #tpu.memory_space<vmem>>, vector<1x16xf32>,
        %swap3A_122 = arith.index_cast %scan3A_107 : i32 to index
        %swap3A_123 = arith.constant 48 : index
        %swap3A_124 = tpu.vector_load %arg9[%swap3A_122, %swap3A_123] {strides = array<i32>} : memref<128x64xf32, #tpu.memory_space<vmem>>, vector<1x16xf32>,
        %swap3A_125 = vector.shape_cast %swap3A_124 : vector<1x16xf32> to vector<16xf32>
        %swap3A_126 = vector.shape_cast %broadcast_in_dim3A_81 : vector<16xf32> to vector<1x16xf32>
        tpu.vector_store %arg9[%swap3A_122, %swap3A_123], %swap3A_126 {strides = array<i32>} : memref<128x64xf32, #tpu.memory_space<vmem>>, vector<1x16xf32>,
      }
      %scan3A_86 = arith.constant 128 : i32
      %mul3A_87 = arith.constant 640 : i32
      %mul3A_88 = arith.muli %arg1, %mul3A_87 : i32
      %add3A_89 = arith.constant 0 : i32
      %add3A_90 = arith.addi %mul3A_88, %add3A_89 : i32
      "tpu.region"() ({
        %run_scoped3A = tpu.sem_alloc : memref<!tpu.dma_semaphore, #tpu.memory_space<semaphore_mem>>
        %dma_start3A = arith.constant 0 : i32
        %dma_start3A_107 = tpu.memref_slice %arg10[%add3A_90, %dma_start3A] : memref<10240x64xf32, #tpu.memory_space<vmem_shared>> -> memref<128x64xf32, #tpu.memory_space<vmem_shared>>
        %dma_start3A_108 = arith.constant 0 : i32
        %dma_start3A_109 = tpu.memref_slice %arg10[%add3A_90, %dma_start3A_108] : memref<10240x64xf32, #tpu.memory_space<vmem_shared>> -> memref<128x64xf32, #tpu.memory_space<vmem_shared>>
        tpu.enqueue_dma source(%arg9 : memref<128x64xf32, #tpu.memory_space<vmem>>) target(%dma_start3A_109 : memref<128x64xf32, #tpu.memory_space<vmem_shared>>) target_semaphore(%run_scoped3A : memref<!tpu.dma_semaphore, #tpu.memory_space<semaphore_mem>>)
        %dma_wait3A = arith.constant 0 : i32
        %dma_wait3A_110 = tpu.memref_slice %arg10[%add3A_90, %dma_wait3A] : memref<10240x64xf32, #tpu.memory_space<vmem_shared>> -> memref<128x64xf32, #tpu.memory_space<vmem_shared>>
        %dma_wait3A_111 = arith.constant 0 : i32
        %dma_wait3A_112 = tpu.memref_slice %arg10[%add3A_90, %dma_wait3A_111] : memref<10240x64xf32, #tpu.memory_space<vmem_shared>> -> memref<128x64xf32, #tpu.memory_space<vmem_shared>>
        tpu.wait_dma2 semaphore(%run_scoped3A : memref<!tpu.dma_semaphore, #tpu.memory_space<semaphore_mem>>) src(%arg9 : memref<128x64xf32, #tpu.memory_space<vmem>>) dst(%dma_wait3A_112 : memref<128x64xf32, #tpu.memory_space<vmem_shared>>)
        tpu.yield
      }) : () -> ()
      %mul3A_91 = arith.constant 640 : i32
      %mul3A_92 = arith.muli %arg1, %mul3A_91 : i32
      %add3A_93 = arith.constant 128 : i32
      %add3A_94 = arith.addi %mul3A_92, %add3A_93 : i32
      "tpu.region"() ({
        %run_scoped3A = tpu.sem_alloc : memref<!tpu.dma_semaphore, #tpu.memory_space<semaphore_mem>>
        %dma_start3A = arith.constant 0 : i32
        %dma_start3A_107 = tpu.memref_slice %arg10[%add3A_94, %dma_start3A] : memref<10240x64xf32, #tpu.memory_space<vmem_shared>> -> memref<128x64xf32, #tpu.memory_space<vmem_shared>>
        %dma_start3A_108 = arith.constant 0 : i32
        %dma_start3A_109 = tpu.memref_slice %arg10[%add3A_94, %dma_start3A_108] : memref<10240x64xf32, #tpu.memory_space<vmem_shared>> -> memref<128x64xf32, #tpu.memory_space<vmem_shared>>
        tpu.enqueue_dma source(%arg9 : memref<128x64xf32, #tpu.memory_space<vmem>>) target(%dma_start3A_109 : memref<128x64xf32, #tpu.memory_space<vmem_shared>>) target_semaphore(%run_scoped3A : memref<!tpu.dma_semaphore, #tpu.memory_space<semaphore_mem>>)
        %dma_wait3A = arith.constant 0 : i32
        %dma_wait3A_110 = tpu.memref_slice %arg10[%add3A_94, %dma_wait3A] : memref<10240x64xf32, #tpu.memory_space<vmem_shared>> -> memref<128x64xf32, #tpu.memory_space<vmem_shared>>
        %dma_wait3A_111 = arith.constant 0 : i32
        %dma_wait3A_112 = tpu.memref_slice %arg10[%add3A_94, %dma_wait3A_111] : memref<10240x64xf32, #tpu.memory_space<vmem_shared>> -> memref<128x64xf32, #tpu.memory_space<vmem_shared>>
        tpu.wait_dma2 semaphore(%run_scoped3A : memref<!tpu.dma_semaphore, #tpu.memory_space<semaphore_mem>>) src(%arg9 : memref<128x64xf32, #tpu.memory_space<vmem>>) dst(%dma_wait3A_112 : memref<128x64xf32, #tpu.memory_space<vmem_shared>>)
        tpu.yield
      }) : () -> ()
      %mul3A_95 = arith.constant 640 : i32
      %mul3A_96 = arith.muli %arg1, %mul3A_95 : i32
      %add3A_97 = arith.constant 256 : i32
      %add3A_98 = arith.addi %mul3A_96, %add3A_97 : i32
      "tpu.region"() ({
        %run_scoped3A = tpu.sem_alloc : memref<!tpu.dma_semaphore, #tpu.memory_space<semaphore_mem>>
        %dma_start3A = arith.constant 0 : i32
        %dma_start3A_107 = tpu.memref_slice %arg10[%add3A_98, %dma_start3A] : memref<10240x64xf32, #tpu.memory_space<vmem_shared>> -> memref<128x64xf32, #tpu.memory_space<vmem_shared>>
        %dma_start3A_108 = arith.constant 0 : i32
        %dma_start3A_109 = tpu.memref_slice %arg10[%add3A_98, %dma_start3A_108] : memref<10240x64xf32, #tpu.memory_space<vmem_shared>> -> memref<128x64xf32, #tpu.memory_space<vmem_shared>>
        tpu.enqueue_dma source(%arg9 : memref<128x64xf32, #tpu.memory_space<vmem>>) target(%dma_start3A_109 : memref<128x64xf32, #tpu.memory_space<vmem_shared>>) target_semaphore(%run_scoped3A : memref<!tpu.dma_semaphore, #tpu.memory_space<semaphore_mem>>)
        %dma_wait3A = arith.constant 0 : i32
        %dma_wait3A_110 = tpu.memref_slice %arg10[%add3A_98, %dma_wait3A] : memref<10240x64xf32, #tpu.memory_space<vmem_shared>> -> memref<128x64xf32, #tpu.memory_space<vmem_shared>>
        %dma_wait3A_111 = arith.constant 0 : i32
        %dma_wait3A_112 = tpu.memref_slice %arg10[%add3A_98, %dma_wait3A_111] : memref<10240x64xf32, #tpu.memory_space<vmem_shared>> -> memref<128x64xf32, #tpu.memory_space<vmem_shared>>
        tpu.wait_dma2 semaphore(%run_scoped3A : memref<!tpu.dma_semaphore, #tpu.memory_space<semaphore_mem>>) src(%arg9 : memref<128x64xf32, #tpu.memory_space<vmem>>) dst(%dma_wait3A_112 : memref<128x64xf32, #tpu.memory_space<vmem_shared>>)
        tpu.yield
      }) : () -> ()
      %mul3A_99 = arith.constant 640 : i32
      %mul3A_100 = arith.muli %arg1, %mul3A_99 : i32
      %add3A_101 = arith.constant 384 : i32
      %add3A_102 = arith.addi %mul3A_100, %add3A_101 : i32
      "tpu.region"() ({
        %run_scoped3A = tpu.sem_alloc : memref<!tpu.dma_semaphore, #tpu.memory_space<semaphore_mem>>
        %dma_start3A = arith.constant 0 : i32
        %dma_start3A_107 = tpu.memref_slice %arg10[%add3A_102, %dma_start3A] : memref<10240x64xf32, #tpu.memory_space<vmem_shared>> -> memref<128x64xf32, #tpu.memory_space<vmem_shared>>
        %dma_start3A_108 = arith.constant 0 : i32
        %dma_start3A_109 = tpu.memref_slice %arg10[%add3A_102, %dma_start3A_108] : memref<10240x64xf32, #tpu.memory_space<vmem_shared>> -> memref<128x64xf32, #tpu.memory_space<vmem_shared>>
        tpu.enqueue_dma source(%arg9 : memref<128x64xf32, #tpu.memory_space<vmem>>) target(%dma_start3A_109 : memref<128x64xf32, #tpu.memory_space<vmem_shared>>) target_semaphore(%run_scoped3A : memref<!tpu.dma_semaphore, #tpu.memory_space<semaphore_mem>>)
        %dma_wait3A = arith.constant 0 : i32
        %dma_wait3A_110 = tpu.memref_slice %arg10[%add3A_102, %dma_wait3A] : memref<10240x64xf32, #tpu.memory_space<vmem_shared>> -> memref<128x64xf32, #tpu.memory_space<vmem_shared>>
        %dma_wait3A_111 = arith.constant 0 : i32
        %dma_wait3A_112 = tpu.memref_slice %arg10[%add3A_102, %dma_wait3A_111] : memref<10240x64xf32, #tpu.memory_space<vmem_shared>> -> memref<128x64xf32, #tpu.memory_space<vmem_shared>>
        tpu.wait_dma2 semaphore(%run_scoped3A : memref<!tpu.dma_semaphore, #tpu.memory_space<semaphore_mem>>) src(%arg9 : memref<128x64xf32, #tpu.memory_space<vmem>>) dst(%dma_wait3A_112 : memref<128x64xf32, #tpu.memory_space<vmem_shared>>)
        tpu.yield
      }) : () -> ()
      %mul3A_103 = arith.constant 640 : i32
      %mul3A_104 = arith.muli %arg1, %mul3A_103 : i32
      %add3A_105 = arith.constant 512 : i32
      %add3A_106 = arith.addi %mul3A_104, %add3A_105 : i32
      "tpu.region"() ({
        %run_scoped3A = tpu.sem_alloc : memref<!tpu.dma_semaphore, #tpu.memory_space<semaphore_mem>>
        %dma_start3A = arith.constant 0 : i32
        %dma_start3A_107 = tpu.memref_slice %arg10[%add3A_106, %dma_start3A] : memref<10240x64xf32, #tpu.memory_space<vmem_shared>> -> memref<128x64xf32, #tpu.memory_space<vmem_shared>>
        %dma_start3A_108 = arith.constant 0 : i32
        %dma_start3A_109 = tpu.memref_slice %arg10[%add3A_106, %dma_start3A_108] : memref<10240x64xf32, #tpu.memory_space<vmem_shared>> -> memref<128x64xf32, #tpu.memory_space<vmem_shared>>
        tpu.enqueue_dma source(%arg9 : memref<128x64xf32, #tpu.memory_space<vmem>>) target(%dma_start3A_109 : memref<128x64xf32, #tpu.memory_space<vmem_shared>>) target_semaphore(%run_scoped3A : memref<!tpu.dma_semaphore, #tpu.memory_space<semaphore_mem>>)
        %dma_wait3A = arith.constant 0 : i32
        %dma_wait3A_110 = tpu.memref_slice %arg10[%add3A_106, %dma_wait3A] : memref<10240x64xf32, #tpu.memory_space<vmem_shared>> -> memref<128x64xf32, #tpu.memory_space<vmem_shared>>
        %dma_wait3A_111 = arith.constant 0 : i32
        %dma_wait3A_112 = tpu.memref_slice %arg10[%add3A_106, %dma_wait3A_111] : memref<10240x64xf32, #tpu.memory_space<vmem_shared>> -> memref<128x64xf32, #tpu.memory_space<vmem_shared>>
        tpu.wait_dma2 semaphore(%run_scoped3A : memref<!tpu.dma_semaphore, #tpu.memory_space<semaphore_mem>>) src(%arg9 : memref<128x64xf32, #tpu.memory_space<vmem>>) dst(%dma_wait3A_112 : memref<128x64xf32, #tpu.memory_space<vmem_shared>>)
        tpu.yield
      }) : () -> ()
    } else {
    }
    %barrier3A = arith.constant 0 : index
    tpu.barrier barrier_id(%barrier3A)
    %eq3A_7 = arith.constant 0 : i32
    %eq3A_8 = arith.cmpi eq, %arg0, %eq3A_7 : i32
    %jit3A = arith.constant 88 : i32
    %jit3A_9 = arith.constant 69 : i32
    %select_n3A = arith.select %eq3A_8, %jit3A, %jit3A_9 : i32
    %while3A = arith.constant 0 : i32
    %while3A_10 = arith.constant 0 : i32
    %while3A_11 = arith.subi %select_n3A, %while3A_10 : i32
    %while3A_12 = arith.addi %while3A_10, %while3A_11 : i32
    %while3A_13 = arith.constant 1 : i32
    %while3A_14 = arith.divsi %while3A_11, %while3A_13 : i32
    %while3A_15 = arith.muli %while3A_14, %while3A_13 : i32
    %while3A_16 = arith.addi %while3A_10, %while3A_15 : i32
    %while3A_17 = arith.constant 1 : i32
    scf.for %while3A_73 = %while3A_10 to %while3A_16 step %while3A_17  : i32 {
      %dma_start3A = arith.constant 0 : i32
      %dma_start3A_74 = tpu.memref_slice %arg6[%while3A_73, %dma_start3A] : memref<88x128xi32, #tpu.memory_space<vmem>> -> memref<1x128xi32, #tpu.memory_space<vmem>>
      %dma_start3A_75 = tpu.memref_squeeze %dma_start3A_74 : memref<1x128xi32, #tpu.memory_space<vmem>> -> memref<128xi32, #tpu.memory_space<vmem>>
      %dma_start3A_76 = arith.constant 0 : i32
      %dma_start3A_77 = arith.constant 0 : i32
      %dma_start3A_78 = tpu.memref_slice %arg2[%dma_start3A_76, %dma_start3A_77] : memref<10240x64xf32, #tpu.memory_space<hbm>> -> memref<10240x64xf32, #tpu.memory_space<hbm>>
      tpu.enqueue_indirect_dma source(%dma_start3A_78 : memref<10240x64xf32, #tpu.memory_space<hbm>>) target(%arg8 : memref<128x64xf32, #tpu.memory_space<vmem>>) offsets(%dma_start3A_75 : memref<128xi32, #tpu.memory_space<vmem>>) semaphore(%arg11 : memref<!tpu.dma_semaphore, #tpu.memory_space<semaphore_mem>>)
      %dma_wait3A = arith.constant 0 : i32
      %dma_wait3A_79 = tpu.memref_slice %arg6[%while3A_73, %dma_wait3A] : memref<88x128xi32, #tpu.memory_space<vmem>> -> memref<1x128xi32, #tpu.memory_space<vmem>>
      %dma_wait3A_80 = tpu.memref_squeeze %dma_wait3A_79 : memref<1x128xi32, #tpu.memory_space<vmem>> -> memref<128xi32, #tpu.memory_space<vmem>>
      %dma_wait3A_81 = arith.constant 0 : i32
      %dma_wait3A_82 = arith.constant 0 : i32
      %dma_wait3A_83 = tpu.memref_slice %arg2[%dma_wait3A_81, %dma_wait3A_82] : memref<10240x64xf32, #tpu.memory_space<hbm>> -> memref<10240x64xf32, #tpu.memory_space<hbm>>
      tpu.wait_indirect_dma semaphore(%arg11 : memref<!tpu.dma_semaphore, #tpu.memory_space<semaphore_mem>>) src(%dma_wait3A_83 : memref<10240x64xf32, #tpu.memory_space<hbm>>) dst(%arg8 : memref<128x64xf32, #tpu.memory_space<vmem>>)
      "tpu.region"() ({
        %run_scoped3A = tpu.sem_alloc : memref<!tpu.dma_semaphore, #tpu.memory_space<semaphore_mem>>
        %dma_start3A_84 = arith.constant 0 : i32
        %dma_start3A_85 = tpu.memref_slice %arg7[%while3A_73, %dma_start3A_84] : memref<88x128xi32, #tpu.memory_space<vmem>> -> memref<1x128xi32, #tpu.memory_space<vmem>>
        %dma_start3A_86 = tpu.memref_squeeze %dma_start3A_85 : memref<1x128xi32, #tpu.memory_space<vmem>> -> memref<128xi32, #tpu.memory_space<vmem>>
        %dma_start3A_87 = arith.constant 0 : i32
        %dma_start3A_88 = arith.constant 0 : i32
        %dma_start3A_89 = tpu.memref_slice %arg10[%dma_start3A_87, %dma_start3A_88] : memref<10240x64xf32, #tpu.memory_space<vmem_shared>> -> memref<10240x64xf32, #tpu.memory_space<vmem_shared>>
        tpu.enqueue_indirect_dma source(%arg8 : memref<128x64xf32, #tpu.memory_space<vmem>>) target(%dma_start3A_89 : memref<10240x64xf32, #tpu.memory_space<vmem_shared>>) offsets(%dma_start3A_86 : memref<128xi32, #tpu.memory_space<vmem>>) semaphore(%run_scoped3A : memref<!tpu.dma_semaphore, #tpu.memory_space<semaphore_mem>>) {add = true}
        %dma_wait3A_90 = arith.constant 0 : i32
        %dma_wait3A_91 = tpu.memref_slice %arg7[%while3A_73, %dma_wait3A_90] : memref<88x128xi32, #tpu.memory_space<vmem>> -> memref<1x128xi32, #tpu.memory_space<vmem>>
        %dma_wait3A_92 = tpu.memref_squeeze %dma_wait3A_91 : memref<1x128xi32, #tpu.memory_space<vmem>> -> memref<128xi32, #tpu.memory_space<vmem>>
        %dma_wait3A_93 = arith.constant 0 : i32
        %dma_wait3A_94 = arith.constant 0 : i32
        %dma_wait3A_95 = tpu.memref_slice %arg10[%dma_wait3A_93, %dma_wait3A_94] : memref<10240x64xf32, #tpu.memory_space<vmem_shared>> -> memref<10240x64xf32, #tpu.memory_space<vmem_shared>>
        tpu.wait_indirect_dma semaphore(%run_scoped3A : memref<!tpu.dma_semaphore, #tpu.memory_space<semaphore_mem>>) src(%arg8 : memref<128x64xf32, #tpu.memory_space<vmem>>) dst(%dma_wait3A_95 : memref<10240x64xf32, #tpu.memory_space<vmem_shared>>)
        tpu.yield
      }) : () -> ()
    }
    %while3A_18 = arith.constant 1 : i32
    scf.for %while3A_73 = %while3A_16 to %while3A_12 step %while3A_18  : i32 {
      %dma_start3A = arith.constant 0 : i32
      %dma_start3A_74 = tpu.memref_slice %arg6[%while3A_73, %dma_start3A] : memref<88x128xi32, #tpu.memory_space<vmem>> -> memref<1x128xi32, #tpu.memory_space<vmem>>
      %dma_start3A_75 = tpu.memref_squeeze %dma_start3A_74 : memref<1x128xi32, #tpu.memory_space<vmem>> -> memref<128xi32, #tpu.memory_space<vmem>>
      %dma_start3A_76 = arith.constant 0 : i32
      %dma_start3A_77 = arith.constant 0 : i32
      %dma_start3A_78 = tpu.memref_slice %arg2[%dma_start3A_76, %dma_start3A_77] : memref<10240x64xf32, #tpu.memory_space<hbm>> -> memref<10240x64xf32, #tpu.memory_space<hbm>>
      tpu.enqueue_indirect_dma source(%dma_start3A_78 : memref<10240x64xf32, #tpu.memory_space<hbm>>) target(%arg8 : memref<128x64xf32, #tpu.memory_space<vmem>>) offsets(%dma_start3A_75 : memref<128xi32, #tpu.memory_space<vmem>>) semaphore(%arg11 : memref<!tpu.dma_semaphore, #tpu.memory_space<semaphore_mem>>)
      %dma_wait3A = arith.constant 0 : i32
      %dma_wait3A_79 = tpu.memref_slice %arg6[%while3A_73, %dma_wait3A] : memref<88x128xi32, #tpu.memory_space<vmem>> -> memref<1x128xi32, #tpu.memory_space<vmem>>
      %dma_wait3A_80 = tpu.memref_squeeze %dma_wait3A_79 : memref<1x128xi32, #tpu.memory_space<vmem>> -> memref<128xi32, #tpu.memory_space<vmem>>
      %dma_wait3A_81 = arith.constant 0 : i32
      %dma_wait3A_82 = arith.constant 0 : i32
      %dma_wait3A_83 = tpu.memref_slice %arg2[%dma_wait3A_81, %dma_wait3A_82] : memref<10240x64xf32, #tpu.memory_space<hbm>> -> memref<10240x64xf32, #tpu.memory_space<hbm>>
      tpu.wait_indirect_dma semaphore(%arg11 : memref<!tpu.dma_semaphore, #tpu.memory_space<semaphore_mem>>) src(%dma_wait3A_83 : memref<10240x64xf32, #tpu.memory_space<hbm>>) dst(%arg8 : memref<128x64xf32, #tpu.memory_space<vmem>>)
      "tpu.region"() ({
        %run_scoped3A = tpu.sem_alloc : memref<!tpu.dma_semaphore, #tpu.memory_space<semaphore_mem>>
        %dma_start3A_84 = arith.constant 0 : i32
        %dma_start3A_85 = tpu.memref_slice %arg7[%while3A_73, %dma_start3A_84] : memref<88x128xi32, #tpu.memory_space<vmem>> -> memref<1x128xi32, #tpu.memory_space<vmem>>
        %dma_start3A_86 = tpu.memref_squeeze %dma_start3A_85 : memref<1x128xi32, #tpu.memory_space<vmem>> -> memref<128xi32, #tpu.memory_space<vmem>>
        %dma_start3A_87 = arith.constant 0 : i32
        %dma_start3A_88 = arith.constant 0 : i32
        %dma_start3A_89 = tpu.memref_slice %arg10[%dma_start3A_87, %dma_start3A_88] : memref<10240x64xf32, #tpu.memory_space<vmem_shared>> -> memref<10240x64xf32, #tpu.memory_space<vmem_shared>>
        tpu.enqueue_indirect_dma source(%arg8 : memref<128x64xf32, #tpu.memory_space<vmem>>) target(%dma_start3A_89 : memref<10240x64xf32, #tpu.memory_space<vmem_shared>>) offsets(%dma_start3A_86 : memref<128xi32, #tpu.memory_space<vmem>>) semaphore(%run_scoped3A : memref<!tpu.dma_semaphore, #tpu.memory_space<semaphore_mem>>) {add = true}
        %dma_wait3A_90 = arith.constant 0 : i32
        %dma_wait3A_91 = tpu.memref_slice %arg7[%while3A_73, %dma_wait3A_90] : memref<88x128xi32, #tpu.memory_space<vmem>> -> memref<1x128xi32, #tpu.memory_space<vmem>>
        %dma_wait3A_92 = tpu.memref_squeeze %dma_wait3A_91 : memref<1x128xi32, #tpu.memory_space<vmem>> -> memref<128xi32, #tpu.memory_space<vmem>>
        %dma_wait3A_93 = arith.constant 0 : i32
        %dma_wait3A_94 = arith.constant 0 : i32
        %dma_wait3A_95 = tpu.memref_slice %arg10[%dma_wait3A_93, %dma_wait3A_94] : memref<10240x64xf32, #tpu.memory_space<vmem_shared>> -> memref<10240x64xf32, #tpu.memory_space<vmem_shared>>
        tpu.wait_indirect_dma semaphore(%run_scoped3A : memref<!tpu.dma_semaphore, #tpu.memory_space<semaphore_mem>>) src(%arg8 : memref<128x64xf32, #tpu.memory_space<vmem>>) dst(%dma_wait3A_95 : memref<10240x64xf32, #tpu.memory_space<vmem_shared>>)
        tpu.yield
      }) : () -> ()
    }
    %barrier3A_19 = arith.constant 0 : index
    tpu.barrier barrier_id(%barrier3A_19)
    %mul3A = arith.constant 640 : i32
    %mul3A_20 = arith.muli %arg1, %mul3A : i32
    %add3A = arith.constant 0 : i32
    %add3A_21 = arith.addi %mul3A_20, %add3A : i32
    "tpu.region"() ({
      %run_scoped3A = tpu.sem_alloc : memref<!tpu.dma_semaphore, #tpu.memory_space<semaphore_mem>>
      %dma_start3A = arith.constant 0 : i32
      %dma_start3A_73 = tpu.memref_slice %arg10[%add3A_21, %dma_start3A] : memref<10240x64xf32, #tpu.memory_space<vmem_shared>> -> memref<128x64xf32, #tpu.memory_space<vmem_shared>>
      %dma_start3A_74 = arith.constant 0 : i32
      %dma_start3A_75 = tpu.memref_slice %arg10[%add3A_21, %dma_start3A_74] : memref<10240x64xf32, #tpu.memory_space<vmem_shared>> -> memref<128x64xf32, #tpu.memory_space<vmem_shared>>
      tpu.enqueue_dma source(%dma_start3A_75 : memref<128x64xf32, #tpu.memory_space<vmem_shared>>) target(%arg9 : memref<128x64xf32, #tpu.memory_space<vmem>>) target_semaphore(%run_scoped3A : memref<!tpu.dma_semaphore, #tpu.memory_space<semaphore_mem>>)
      %dma_wait3A = arith.constant 0 : i32
      %dma_wait3A_76 = tpu.memref_slice %arg10[%add3A_21, %dma_wait3A] : memref<10240x64xf32, #tpu.memory_space<vmem_shared>> -> memref<128x64xf32, #tpu.memory_space<vmem_shared>>
      %dma_wait3A_77 = arith.constant 0 : i32
      %dma_wait3A_78 = tpu.memref_slice %arg10[%add3A_21, %dma_wait3A_77] : memref<10240x64xf32, #tpu.memory_space<vmem_shared>> -> memref<128x64xf32, #tpu.memory_space<vmem_shared>>
      tpu.wait_dma2 semaphore(%run_scoped3A : memref<!tpu.dma_semaphore, #tpu.memory_space<semaphore_mem>>) src(%dma_wait3A_78 : memref<128x64xf32, #tpu.memory_space<vmem_shared>>) dst(%arg9 : memref<128x64xf32, #tpu.memory_space<vmem>>)
      tpu.yield
    }) : () -> ()
    %mul3A_22 = arith.constant 10240 : i32
    %mul3A_23 = arith.muli %arg0, %mul3A_22 : i32
    %mul3A_24 = arith.constant 640 : i32
    %mul3A_25 = arith.muli %arg1, %mul3A_24 : i32
    %add3A_26 = arith.addi %mul3A_23, %mul3A_25 : i32
    %add3A_27 = arith.constant 0 : i32
    %add3A_28 = arith.addi %add3A_26, %add3A_27 : i32
    "tpu.region"() ({
      %run_scoped3A = tpu.sem_alloc : memref<!tpu.dma_semaphore, #tpu.memory_space<semaphore_mem>>
      %dma_start3A = arith.constant 0 : i32
      %dma_start3A_73 = tpu.memref_slice %arg5[%add3A_28, %dma_start3A] : memref<20480x64xf32, #tpu.memory_space<hbm>> -> memref<128x64xf32, #tpu.memory_space<hbm>>
      %dma_start3A_74 = arith.constant 0 : i32
      %dma_start3A_75 = tpu.memref_slice %arg5[%add3A_28, %dma_start3A_74] : memref<20480x64xf32, #tpu.memory_space<hbm>> -> memref<128x64xf32, #tpu.memory_space<hbm>>
      tpu.enqueue_dma source(%arg9 : memref<128x64xf32, #tpu.memory_space<vmem>>) target(%dma_start3A_75 : memref<128x64xf32, #tpu.memory_space<hbm>>) target_semaphore(%run_scoped3A : memref<!tpu.dma_semaphore, #tpu.memory_space<semaphore_mem>>)
      %dma_wait3A = arith.constant 0 : i32
      %dma_wait3A_76 = tpu.memref_slice %arg5[%add3A_28, %dma_wait3A] : memref<20480x64xf32, #tpu.memory_space<hbm>> -> memref<128x64xf32, #tpu.memory_space<hbm>>
      %dma_wait3A_77 = arith.constant 0 : i32
      %dma_wait3A_78 = tpu.memref_slice %arg5[%add3A_28, %dma_wait3A_77] : memref<20480x64xf32, #tpu.memory_space<hbm>> -> memref<128x64xf32, #tpu.memory_space<hbm>>
      tpu.wait_dma2 semaphore(%run_scoped3A : memref<!tpu.dma_semaphore, #tpu.memory_space<semaphore_mem>>) src(%arg9 : memref<128x64xf32, #tpu.memory_space<vmem>>) dst(%dma_wait3A_78 : memref<128x64xf32, #tpu.memory_space<hbm>>)
      tpu.yield
    }) : () -> ()
    %mul3A_29 = arith.constant 640 : i32
    %mul3A_30 = arith.muli %arg1, %mul3A_29 : i32
    %add3A_31 = arith.constant 128 : i32
    %add3A_32 = arith.addi %mul3A_30, %add3A_31 : i32
    "tpu.region"() ({
      %run_scoped3A = tpu.sem_alloc : memref<!tpu.dma_semaphore, #tpu.memory_space<semaphore_mem>>
      %dma_start3A = arith.constant 0 : i32
      %dma_start3A_73 = tpu.memref_slice %arg10[%add3A_32, %dma_start3A] : memref<10240x64xf32, #tpu.memory_space<vmem_shared>> -> memref<128x64xf32, #tpu.memory_space<vmem_shared>>
      %dma_start3A_74 = arith.constant 0 : i32
      %dma_start3A_75 = tpu.memref_slice %arg10[%add3A_32, %dma_start3A_74] : memref<10240x64xf32, #tpu.memory_space<vmem_shared>> -> memref<128x64xf32, #tpu.memory_space<vmem_shared>>
      tpu.enqueue_dma source(%dma_start3A_75 : memref<128x64xf32, #tpu.memory_space<vmem_shared>>) target(%arg9 : memref<128x64xf32, #tpu.memory_space<vmem>>) target_semaphore(%run_scoped3A : memref<!tpu.dma_semaphore, #tpu.memory_space<semaphore_mem>>)
      %dma_wait3A = arith.constant 0 : i32
      %dma_wait3A_76 = tpu.memref_slice %arg10[%add3A_32, %dma_wait3A] : memref<10240x64xf32, #tpu.memory_space<vmem_shared>> -> memref<128x64xf32, #tpu.memory_space<vmem_shared>>
      %dma_wait3A_77 = arith.constant 0 : i32
      %dma_wait3A_78 = tpu.memref_slice %arg10[%add3A_32, %dma_wait3A_77] : memref<10240x64xf32, #tpu.memory_space<vmem_shared>> -> memref<128x64xf32, #tpu.memory_space<vmem_shared>>
      tpu.wait_dma2 semaphore(%run_scoped3A : memref<!tpu.dma_semaphore, #tpu.memory_space<semaphore_mem>>) src(%dma_wait3A_78 : memref<128x64xf32, #tpu.memory_space<vmem_shared>>) dst(%arg9 : memref<128x64xf32, #tpu.memory_space<vmem>>)
      tpu.yield
    }) : () -> ()
    %mul3A_33 = arith.constant 10240 : i32
    %mul3A_34 = arith.muli %arg0, %mul3A_33 : i32
    %mul3A_35 = arith.constant 640 : i32
    %mul3A_36 = arith.muli %arg1, %mul3A_35 : i32
    %add3A_37 = arith.addi %mul3A_34, %mul3A_36 : i32
    %add3A_38 = arith.constant 128 : i32
    %add3A_39 = arith.addi %add3A_37, %add3A_38 : i32
    "tpu.region"() ({
      %run_scoped3A = tpu.sem_alloc : memref<!tpu.dma_semaphore, #tpu.memory_space<semaphore_mem>>
      %dma_start3A = arith.constant 0 : i32
      %dma_start3A_73 = tpu.memref_slice %arg5[%add3A_39, %dma_start3A] : memref<20480x64xf32, #tpu.memory_space<hbm>> -> memref<128x64xf32, #tpu.memory_space<hbm>>
      %dma_start3A_74 = arith.constant 0 : i32
      %dma_start3A_75 = tpu.memref_slice %arg5[%add3A_39, %dma_start3A_74] : memref<20480x64xf32, #tpu.memory_space<hbm>> -> memref<128x64xf32, #tpu.memory_space<hbm>>
      tpu.enqueue_dma source(%arg9 : memref<128x64xf32, #tpu.memory_space<vmem>>) target(%dma_start3A_75 : memref<128x64xf32, #tpu.memory_space<hbm>>) target_semaphore(%run_scoped3A : memref<!tpu.dma_semaphore, #tpu.memory_space<semaphore_mem>>)
      %dma_wait3A = arith.constant 0 : i32
      %dma_wait3A_76 = tpu.memref_slice %arg5[%add3A_39, %dma_wait3A] : memref<20480x64xf32, #tpu.memory_space<hbm>> -> memref<128x64xf32, #tpu.memory_space<hbm>>
      %dma_wait3A_77 = arith.constant 0 : i32
      %dma_wait3A_78 = tpu.memref_slice %arg5[%add3A_39, %dma_wait3A_77] : memref<20480x64xf32, #tpu.memory_space<hbm>> -> memref<128x64xf32, #tpu.memory_space<hbm>>
      tpu.wait_dma2 semaphore(%run_scoped3A : memref<!tpu.dma_semaphore, #tpu.memory_space<semaphore_mem>>) src(%arg9 : memref<128x64xf32, #tpu.memory_space<vmem>>) dst(%dma_wait3A_78 : memref<128x64xf32, #tpu.memory_space<hbm>>)
      tpu.yield
    }) : () -> ()
    %mul3A_40 = arith.constant 640 : i32
    %mul3A_41 = arith.muli %arg1, %mul3A_40 : i32
    %add3A_42 = arith.constant 256 : i32
    %add3A_43 = arith.addi %mul3A_41, %add3A_42 : i32
    "tpu.region"() ({
      %run_scoped3A = tpu.sem_alloc : memref<!tpu.dma_semaphore, #tpu.memory_space<semaphore_mem>>
      %dma_start3A = arith.constant 0 : i32
      %dma_start3A_73 = tpu.memref_slice %arg10[%add3A_43, %dma_start3A] : memref<10240x64xf32, #tpu.memory_space<vmem_shared>> -> memref<128x64xf32, #tpu.memory_space<vmem_shared>>
      %dma_start3A_74 = arith.constant 0 : i32
      %dma_start3A_75 = tpu.memref_slice %arg10[%add3A_43, %dma_start3A_74] : memref<10240x64xf32, #tpu.memory_space<vmem_shared>> -> memref<128x64xf32, #tpu.memory_space<vmem_shared>>
      tpu.enqueue_dma source(%dma_start3A_75 : memref<128x64xf32, #tpu.memory_space<vmem_shared>>) target(%arg9 : memref<128x64xf32, #tpu.memory_space<vmem>>) target_semaphore(%run_scoped3A : memref<!tpu.dma_semaphore, #tpu.memory_space<semaphore_mem>>)
      %dma_wait3A = arith.constant 0 : i32
      %dma_wait3A_76 = tpu.memref_slice %arg10[%add3A_43, %dma_wait3A] : memref<10240x64xf32, #tpu.memory_space<vmem_shared>> -> memref<128x64xf32, #tpu.memory_space<vmem_shared>>
      %dma_wait3A_77 = arith.constant 0 : i32
      %dma_wait3A_78 = tpu.memref_slice %arg10[%add3A_43, %dma_wait3A_77] : memref<10240x64xf32, #tpu.memory_space<vmem_shared>> -> memref<128x64xf32, #tpu.memory_space<vmem_shared>>
      tpu.wait_dma2 semaphore(%run_scoped3A : memref<!tpu.dma_semaphore, #tpu.memory_space<semaphore_mem>>) src(%dma_wait3A_78 : memref<128x64xf32, #tpu.memory_space<vmem_shared>>) dst(%arg9 : memref<128x64xf32, #tpu.memory_space<vmem>>)
      tpu.yield
    }) : () -> ()
    %mul3A_44 = arith.constant 10240 : i32
    %mul3A_45 = arith.muli %arg0, %mul3A_44 : i32
    %mul3A_46 = arith.constant 640 : i32
    %mul3A_47 = arith.muli %arg1, %mul3A_46 : i32
    %add3A_48 = arith.addi %mul3A_45, %mul3A_47 : i32
    %add3A_49 = arith.constant 256 : i32
    %add3A_50 = arith.addi %add3A_48, %add3A_49 : i32
    "tpu.region"() ({
      %run_scoped3A = tpu.sem_alloc : memref<!tpu.dma_semaphore, #tpu.memory_space<semaphore_mem>>
      %dma_start3A = arith.constant 0 : i32
      %dma_start3A_73 = tpu.memref_slice %arg5[%add3A_50, %dma_start3A] : memref<20480x64xf32, #tpu.memory_space<hbm>> -> memref<128x64xf32, #tpu.memory_space<hbm>>
      %dma_start3A_74 = arith.constant 0 : i32
      %dma_start3A_75 = tpu.memref_slice %arg5[%add3A_50, %dma_start3A_74] : memref<20480x64xf32, #tpu.memory_space<hbm>> -> memref<128x64xf32, #tpu.memory_space<hbm>>
      tpu.enqueue_dma source(%arg9 : memref<128x64xf32, #tpu.memory_space<vmem>>) target(%dma_start3A_75 : memref<128x64xf32, #tpu.memory_space<hbm>>) target_semaphore(%run_scoped3A : memref<!tpu.dma_semaphore, #tpu.memory_space<semaphore_mem>>)
      %dma_wait3A = arith.constant 0 : i32
      %dma_wait3A_76 = tpu.memref_slice %arg5[%add3A_50, %dma_wait3A] : memref<20480x64xf32, #tpu.memory_space<hbm>> -> memref<128x64xf32, #tpu.memory_space<hbm>>
      %dma_wait3A_77 = arith.constant 0 : i32
      %dma_wait3A_78 = tpu.memref_slice %arg5[%add3A_50, %dma_wait3A_77] : memref<20480x64xf32, #tpu.memory_space<hbm>> -> memref<128x64xf32, #tpu.memory_space<hbm>>
      tpu.wait_dma2 semaphore(%run_scoped3A : memref<!tpu.dma_semaphore, #tpu.memory_space<semaphore_mem>>) src(%arg9 : memref<128x64xf32, #tpu.memory_space<vmem>>) dst(%dma_wait3A_78 : memref<128x64xf32, #tpu.memory_space<hbm>>)
      tpu.yield
    }) : () -> ()
    %mul3A_51 = arith.constant 640 : i32
    %mul3A_52 = arith.muli %arg1, %mul3A_51 : i32
    %add3A_53 = arith.constant 384 : i32
    %add3A_54 = arith.addi %mul3A_52, %add3A_53 : i32
    "tpu.region"() ({
      %run_scoped3A = tpu.sem_alloc : memref<!tpu.dma_semaphore, #tpu.memory_space<semaphore_mem>>
      %dma_start3A = arith.constant 0 : i32
      %dma_start3A_73 = tpu.memref_slice %arg10[%add3A_54, %dma_start3A] : memref<10240x64xf32, #tpu.memory_space<vmem_shared>> -> memref<128x64xf32, #tpu.memory_space<vmem_shared>>
      %dma_start3A_74 = arith.constant 0 : i32
      %dma_start3A_75 = tpu.memref_slice %arg10[%add3A_54, %dma_start3A_74] : memref<10240x64xf32, #tpu.memory_space<vmem_shared>> -> memref<128x64xf32, #tpu.memory_space<vmem_shared>>
      tpu.enqueue_dma source(%dma_start3A_75 : memref<128x64xf32, #tpu.memory_space<vmem_shared>>) target(%arg9 : memref<128x64xf32, #tpu.memory_space<vmem>>) target_semaphore(%run_scoped3A : memref<!tpu.dma_semaphore, #tpu.memory_space<semaphore_mem>>)
      %dma_wait3A = arith.constant 0 : i32
      %dma_wait3A_76 = tpu.memref_slice %arg10[%add3A_54, %dma_wait3A] : memref<10240x64xf32, #tpu.memory_space<vmem_shared>> -> memref<128x64xf32, #tpu.memory_space<vmem_shared>>
      %dma_wait3A_77 = arith.constant 0 : i32
      %dma_wait3A_78 = tpu.memref_slice %arg10[%add3A_54, %dma_wait3A_77] : memref<10240x64xf32, #tpu.memory_space<vmem_shared>> -> memref<128x64xf32, #tpu.memory_space<vmem_shared>>
      tpu.wait_dma2 semaphore(%run_scoped3A : memref<!tpu.dma_semaphore, #tpu.memory_space<semaphore_mem>>) src(%dma_wait3A_78 : memref<128x64xf32, #tpu.memory_space<vmem_shared>>) dst(%arg9 : memref<128x64xf32, #tpu.memory_space<vmem>>)
      tpu.yield
    }) : () -> ()
    %mul3A_55 = arith.constant 10240 : i32
    %mul3A_56 = arith.muli %arg0, %mul3A_55 : i32
    %mul3A_57 = arith.constant 640 : i32
    %mul3A_58 = arith.muli %arg1, %mul3A_57 : i32
    %add3A_59 = arith.addi %mul3A_56, %mul3A_58 : i32
    %add3A_60 = arith.constant 384 : i32
    %add3A_61 = arith.addi %add3A_59, %add3A_60 : i32
    "tpu.region"() ({
      %run_scoped3A = tpu.sem_alloc : memref<!tpu.dma_semaphore, #tpu.memory_space<semaphore_mem>>
      %dma_start3A = arith.constant 0 : i32
      %dma_start3A_73 = tpu.memref_slice %arg5[%add3A_61, %dma_start3A] : memref<20480x64xf32, #tpu.memory_space<hbm>> -> memref<128x64xf32, #tpu.memory_space<hbm>>
      %dma_start3A_74 = arith.constant 0 : i32
      %dma_start3A_75 = tpu.memref_slice %arg5[%add3A_61, %dma_start3A_74] : memref<20480x64xf32, #tpu.memory_space<hbm>> -> memref<128x64xf32, #tpu.memory_space<hbm>>
      tpu.enqueue_dma source(%arg9 : memref<128x64xf32, #tpu.memory_space<vmem>>) target(%dma_start3A_75 : memref<128x64xf32, #tpu.memory_space<hbm>>) target_semaphore(%run_scoped3A : memref<!tpu.dma_semaphore, #tpu.memory_space<semaphore_mem>>)
      %dma_wait3A = arith.constant 0 : i32
      %dma_wait3A_76 = tpu.memref_slice %arg5[%add3A_61, %dma_wait3A] : memref<20480x64xf32, #tpu.memory_space<hbm>> -> memref<128x64xf32, #tpu.memory_space<hbm>>
      %dma_wait3A_77 = arith.constant 0 : i32
      %dma_wait3A_78 = tpu.memref_slice %arg5[%add3A_61, %dma_wait3A_77] : memref<20480x64xf32, #tpu.memory_space<hbm>> -> memref<128x64xf32, #tpu.memory_space<hbm>>
      tpu.wait_dma2 semaphore(%run_scoped3A : memref<!tpu.dma_semaphore, #tpu.memory_space<semaphore_mem>>) src(%arg9 : memref<128x64xf32, #tpu.memory_space<vmem>>) dst(%dma_wait3A_78 : memref<128x64xf32, #tpu.memory_space<hbm>>)
      tpu.yield
    }) : () -> ()
    %mul3A_62 = arith.constant 640 : i32
    %mul3A_63 = arith.muli %arg1, %mul3A_62 : i32
    %add3A_64 = arith.constant 512 : i32
    %add3A_65 = arith.addi %mul3A_63, %add3A_64 : i32
    "tpu.region"() ({
      %run_scoped3A = tpu.sem_alloc : memref<!tpu.dma_semaphore, #tpu.memory_space<semaphore_mem>>
      %dma_start3A = arith.constant 0 : i32
      %dma_start3A_73 = tpu.memref_slice %arg10[%add3A_65, %dma_start3A] : memref<10240x64xf32, #tpu.memory_space<vmem_shared>> -> memref<128x64xf32, #tpu.memory_space<vmem_shared>>
      %dma_start3A_74 = arith.constant 0 : i32
      %dma_start3A_75 = tpu.memref_slice %arg10[%add3A_65, %dma_start3A_74] : memref<10240x64xf32, #tpu.memory_space<vmem_shared>> -> memref<128x64xf32, #tpu.memory_space<vmem_shared>>
      tpu.enqueue_dma source(%dma_start3A_75 : memref<128x64xf32, #tpu.memory_space<vmem_shared>>) target(%arg9 : memref<128x64xf32, #tpu.memory_space<vmem>>) target_semaphore(%run_scoped3A : memref<!tpu.dma_semaphore, #tpu.memory_space<semaphore_mem>>)
      %dma_wait3A = arith.constant 0 : i32
      %dma_wait3A_76 = tpu.memref_slice %arg10[%add3A_65, %dma_wait3A] : memref<10240x64xf32, #tpu.memory_space<vmem_shared>> -> memref<128x64xf32, #tpu.memory_space<vmem_shared>>
      %dma_wait3A_77 = arith.constant 0 : i32
      %dma_wait3A_78 = tpu.memref_slice %arg10[%add3A_65, %dma_wait3A_77] : memref<10240x64xf32, #tpu.memory_space<vmem_shared>> -> memref<128x64xf32, #tpu.memory_space<vmem_shared>>
      tpu.wait_dma2 semaphore(%run_scoped3A : memref<!tpu.dma_semaphore, #tpu.memory_space<semaphore_mem>>) src(%dma_wait3A_78 : memref<128x64xf32, #tpu.memory_space<vmem_shared>>) dst(%arg9 : memref<128x64xf32, #tpu.memory_space<vmem>>)
      tpu.yield
    }) : () -> ()
    %mul3A_66 = arith.constant 10240 : i32
    %mul3A_67 = arith.muli %arg0, %mul3A_66 : i32
    %mul3A_68 = arith.constant 640 : i32
    %mul3A_69 = arith.muli %arg1, %mul3A_68 : i32
    %add3A_70 = arith.addi %mul3A_67, %mul3A_69 : i32
    %add3A_71 = arith.constant 512 : i32
    %add3A_72 = arith.addi %add3A_70, %add3A_71 : i32
    "tpu.region"() ({
      %run_scoped3A = tpu.sem_alloc : memref<!tpu.dma_semaphore, #tpu.memory_space<semaphore_mem>>
      %dma_start3A = arith.constant 0 : i32
      %dma_start3A_73 = tpu.memref_slice %arg5[%add3A_72, %dma_start3A] : memref<20480x64xf32, #tpu.memory_space<hbm>> -> memref<128x64xf32, #tpu.memory_space<hbm>>
      %dma_start3A_74 = arith.constant 0 : i32
      %dma_start3A_75 = tpu.memref_slice %arg5[%add3A_72, %dma_start3A_74] : memref<20480x64xf32, #tpu.memory_space<hbm>> -> memref<128x64xf32, #tpu.memory_space<hbm>>
      tpu.enqueue_dma source(%arg9 : memref<128x64xf32, #tpu.memory_space<vmem>>) target(%dma_start3A_75 : memref<128x64xf32, #tpu.memory_space<hbm>>) target_semaphore(%run_scoped3A : memref<!tpu.dma_semaphore, #tpu.memory_space<semaphore_mem>>)
      %dma_wait3A = arith.constant 0 : i32
      %dma_wait3A_76 = tpu.memref_slice %arg5[%add3A_72, %dma_wait3A] : memref<20480x64xf32, #tpu.memory_space<hbm>> -> memref<128x64xf32, #tpu.memory_space<hbm>>
      %dma_wait3A_77 = arith.constant 0 : i32
      %dma_wait3A_78 = tpu.memref_slice %arg5[%add3A_72, %dma_wait3A_77] : memref<20480x64xf32, #tpu.memory_space<hbm>> -> memref<128x64xf32, #tpu.memory_space<hbm>>
      tpu.wait_dma2 semaphore(%run_scoped3A : memref<!tpu.dma_semaphore, #tpu.memory_space<semaphore_mem>>) src(%arg9 : memref<128x64xf32, #tpu.memory_space<vmem>>) dst(%dma_wait3A_78 : memref<128x64xf32, #tpu.memory_space<hbm>>)
      tpu.yield
    }) : () -> ()
    return
  }
}

#map = affine_map<(d0, d1) -> (0, 0)>
module attributes {stable_mosaic.version = 14 : i64} {
  func.func @agg_kernel(%arg0: i32, %arg1: i32, %arg2: memref<10240x128xf32, #tpu.memory_space<hbm>>, %arg3: memref<2512x128xi32, #tpu.memory_space<hbm>>, %arg4: memref<2512x128xi32, #tpu.memory_space<hbm>>, %arg5: memref<20480x128xf32, #tpu.memory_space<hbm>>, %arg6: memref<88x128xi32, #tpu.memory_space<vmem>>, %arg7: memref<88x128xi32, #tpu.memory_space<vmem>>, %arg8: memref<128x128xf32, #tpu.memory_space<vmem>>, %arg9: memref<64x128xf32, #tpu.memory_space<vmem>>, %arg10: memref<10240x128xf32, #tpu.memory_space<vmem_shared>>, %arg11: memref<!tpu.dma_semaphore, #tpu.memory_space<semaphore_mem>>) attributes {dimension_semantics = [#tpu.dimension_semantics<core_parallel>, #tpu.dimension_semantics<subcore_parallel>], iteration_bounds = array<i64: 2, 16>, scalar_prefetch = 0 : i64, scratch_operands = 6 : i64, tpu.core_type = #tpu.core_type<sc_vector_subcore>, window_params = [{transform_indices = #map}, {transform_indices = #map}, {transform_indices = #map}, {transform_indices = #map}]} {
    %eq3A = arith.constant 0 : i32
    %eq3A_0 = arith.cmpi eq, %arg0, %eq3A : i32
    %convert_element_type3A = arith.extui %eq3A_0 : i1 to i32
    %cond3A = arith.constant 0 : i32
    %cond3A_1 = arith.cmpi ne, %convert_element_type3A, %cond3A : i32
    scf.if %cond3A_1 {
      %mul3A_128 = arith.constant 88 : i32
      %mul3A_129 = arith.muli %arg1, %mul3A_128 : i32
      "tpu.region"() ({
        %run_scoped3A = tpu.sem_alloc : memref<!tpu.dma_semaphore, #tpu.memory_space<semaphore_mem>>
        %dma_start3A = arith.constant 0 : i32
        %dma_start3A_212 = arith.constant 0 : i32
        %dma_start3A_213 = tpu.memref_slice %arg6[%dma_start3A, %dma_start3A_212] : memref<88x128xi32, #tpu.memory_space<vmem>> -> memref<88x128xi32, #tpu.memory_space<vmem>>
        %dma_start3A_214 = arith.constant 0 : i32
        %dma_start3A_215 = tpu.memref_slice %arg3[%mul3A_129, %dma_start3A_214] : memref<2512x128xi32, #tpu.memory_space<hbm>> -> memref<88x128xi32, #tpu.memory_space<hbm>>
        %dma_start3A_216 = arith.constant 0 : i32
        %dma_start3A_217 = arith.constant 0 : i32
        %dma_start3A_218 = tpu.memref_slice %arg6[%dma_start3A_216, %dma_start3A_217] : memref<88x128xi32, #tpu.memory_space<vmem>> -> memref<88x128xi32, #tpu.memory_space<vmem>>
        %dma_start3A_219 = arith.constant 0 : i32
        %dma_start3A_220 = tpu.memref_slice %arg3[%mul3A_129, %dma_start3A_219] : memref<2512x128xi32, #tpu.memory_space<hbm>> -> memref<88x128xi32, #tpu.memory_space<hbm>>
        tpu.enqueue_dma source(%dma_start3A_220 : memref<88x128xi32, #tpu.memory_space<hbm>>) target(%dma_start3A_218 : memref<88x128xi32, #tpu.memory_space<vmem>>) target_semaphore(%run_scoped3A : memref<!tpu.dma_semaphore, #tpu.memory_space<semaphore_mem>>)
        %dma_wait3A = arith.constant 0 : i32
        %dma_wait3A_221 = arith.constant 0 : i32
        %dma_wait3A_222 = tpu.memref_slice %arg6[%dma_wait3A, %dma_wait3A_221] : memref<88x128xi32, #tpu.memory_space<vmem>> -> memref<88x128xi32, #tpu.memory_space<vmem>>
        %dma_wait3A_223 = arith.constant 0 : i32
        %dma_wait3A_224 = tpu.memref_slice %arg3[%mul3A_129, %dma_wait3A_223] : memref<2512x128xi32, #tpu.memory_space<hbm>> -> memref<88x128xi32, #tpu.memory_space<hbm>>
        %dma_wait3A_225 = arith.constant 0 : i32
        %dma_wait3A_226 = arith.constant 0 : i32
        %dma_wait3A_227 = tpu.memref_slice %arg6[%dma_wait3A_225, %dma_wait3A_226] : memref<88x128xi32, #tpu.memory_space<vmem>> -> memref<88x128xi32, #tpu.memory_space<vmem>>
        %dma_wait3A_228 = arith.constant 0 : i32
        %dma_wait3A_229 = tpu.memref_slice %arg3[%mul3A_129, %dma_wait3A_228] : memref<2512x128xi32, #tpu.memory_space<hbm>> -> memref<88x128xi32, #tpu.memory_space<hbm>>
        tpu.wait_dma2 semaphore(%run_scoped3A : memref<!tpu.dma_semaphore, #tpu.memory_space<semaphore_mem>>) src(%dma_wait3A_229 : memref<88x128xi32, #tpu.memory_space<hbm>>) dst(%dma_wait3A_227 : memref<88x128xi32, #tpu.memory_space<vmem>>)
        tpu.yield
      }) : () -> ()
      %mul3A_130 = arith.constant 88 : i32
      %mul3A_131 = arith.muli %arg1, %mul3A_130 : i32
      "tpu.region"() ({
        %run_scoped3A = tpu.sem_alloc : memref<!tpu.dma_semaphore, #tpu.memory_space<semaphore_mem>>
        %dma_start3A = arith.constant 0 : i32
        %dma_start3A_212 = arith.constant 0 : i32
        %dma_start3A_213 = tpu.memref_slice %arg7[%dma_start3A, %dma_start3A_212] : memref<88x128xi32, #tpu.memory_space<vmem>> -> memref<88x128xi32, #tpu.memory_space<vmem>>
        %dma_start3A_214 = arith.constant 0 : i32
        %dma_start3A_215 = tpu.memref_slice %arg4[%mul3A_131, %dma_start3A_214] : memref<2512x128xi32, #tpu.memory_space<hbm>> -> memref<88x128xi32, #tpu.memory_space<hbm>>
        %dma_start3A_216 = arith.constant 0 : i32
        %dma_start3A_217 = arith.constant 0 : i32
        %dma_start3A_218 = tpu.memref_slice %arg7[%dma_start3A_216, %dma_start3A_217] : memref<88x128xi32, #tpu.memory_space<vmem>> -> memref<88x128xi32, #tpu.memory_space<vmem>>
        %dma_start3A_219 = arith.constant 0 : i32
        %dma_start3A_220 = tpu.memref_slice %arg4[%mul3A_131, %dma_start3A_219] : memref<2512x128xi32, #tpu.memory_space<hbm>> -> memref<88x128xi32, #tpu.memory_space<hbm>>
        tpu.enqueue_dma source(%dma_start3A_220 : memref<88x128xi32, #tpu.memory_space<hbm>>) target(%dma_start3A_218 : memref<88x128xi32, #tpu.memory_space<vmem>>) target_semaphore(%run_scoped3A : memref<!tpu.dma_semaphore, #tpu.memory_space<semaphore_mem>>)
        %dma_wait3A = arith.constant 0 : i32
        %dma_wait3A_221 = arith.constant 0 : i32
        %dma_wait3A_222 = tpu.memref_slice %arg7[%dma_wait3A, %dma_wait3A_221] : memref<88x128xi32, #tpu.memory_space<vmem>> -> memref<88x128xi32, #tpu.memory_space<vmem>>
        %dma_wait3A_223 = arith.constant 0 : i32
        %dma_wait3A_224 = tpu.memref_slice %arg4[%mul3A_131, %dma_wait3A_223] : memref<2512x128xi32, #tpu.memory_space<hbm>> -> memref<88x128xi32, #tpu.memory_space<hbm>>
        %dma_wait3A_225 = arith.constant 0 : i32
        %dma_wait3A_226 = arith.constant 0 : i32
        %dma_wait3A_227 = tpu.memref_slice %arg7[%dma_wait3A_225, %dma_wait3A_226] : memref<88x128xi32, #tpu.memory_space<vmem>> -> memref<88x128xi32, #tpu.memory_space<vmem>>
        %dma_wait3A_228 = arith.constant 0 : i32
        %dma_wait3A_229 = tpu.memref_slice %arg4[%mul3A_131, %dma_wait3A_228] : memref<2512x128xi32, #tpu.memory_space<hbm>> -> memref<88x128xi32, #tpu.memory_space<hbm>>
        tpu.wait_dma2 semaphore(%run_scoped3A : memref<!tpu.dma_semaphore, #tpu.memory_space<semaphore_mem>>) src(%dma_wait3A_229 : memref<88x128xi32, #tpu.memory_space<hbm>>) dst(%dma_wait3A_227 : memref<88x128xi32, #tpu.memory_space<vmem>>)
        tpu.yield
      }) : () -> ()
      %mul3A_132 = arith.constant 640 : i32
      %mul3A_133 = arith.muli %arg1, %mul3A_132 : i32
      %add3A_134 = arith.constant 0 : i32
      %add3A_135 = arith.addi %mul3A_133, %add3A_134 : i32
      "tpu.region"() ({
        %run_scoped3A = tpu.sem_alloc : memref<!tpu.dma_semaphore, #tpu.memory_space<semaphore_mem>>
        %dma_start3A = arith.constant 0 : i32
        %dma_start3A_212 = tpu.memref_slice %arg2[%add3A_135, %dma_start3A] : memref<10240x128xf32, #tpu.memory_space<hbm>> -> memref<64x128xf32, #tpu.memory_space<hbm>>
        %dma_start3A_213 = arith.constant 0 : i32
        %dma_start3A_214 = tpu.memref_slice %arg2[%add3A_135, %dma_start3A_213] : memref<10240x128xf32, #tpu.memory_space<hbm>> -> memref<64x128xf32, #tpu.memory_space<hbm>>
        tpu.enqueue_dma source(%dma_start3A_214 : memref<64x128xf32, #tpu.memory_space<hbm>>) target(%arg9 : memref<64x128xf32, #tpu.memory_space<vmem>>) target_semaphore(%run_scoped3A : memref<!tpu.dma_semaphore, #tpu.memory_space<semaphore_mem>>)
        %dma_wait3A = arith.constant 0 : i32
        %dma_wait3A_215 = tpu.memref_slice %arg2[%add3A_135, %dma_wait3A] : memref<10240x128xf32, #tpu.memory_space<hbm>> -> memref<64x128xf32, #tpu.memory_space<hbm>>
        %dma_wait3A_216 = arith.constant 0 : i32
        %dma_wait3A_217 = tpu.memref_slice %arg2[%add3A_135, %dma_wait3A_216] : memref<10240x128xf32, #tpu.memory_space<hbm>> -> memref<64x128xf32, #tpu.memory_space<hbm>>
        tpu.wait_dma2 semaphore(%run_scoped3A : memref<!tpu.dma_semaphore, #tpu.memory_space<semaphore_mem>>) src(%dma_wait3A_217 : memref<64x128xf32, #tpu.memory_space<hbm>>) dst(%arg9 : memref<64x128xf32, #tpu.memory_space<vmem>>)
        tpu.yield
      }) : () -> ()
      %mul3A_136 = arith.constant 640 : i32
      %mul3A_137 = arith.muli %arg1, %mul3A_136 : i32
      %add3A_138 = arith.constant 0 : i32
      %add3A_139 = arith.addi %mul3A_137, %add3A_138 : i32
      "tpu.region"() ({
        %run_scoped3A = tpu.sem_alloc : memref<!tpu.dma_semaphore, #tpu.memory_space<semaphore_mem>>
        %dma_start3A = arith.constant 0 : i32
        %dma_start3A_212 = tpu.memref_slice %arg10[%add3A_139, %dma_start3A] : memref<10240x128xf32, #tpu.memory_space<vmem_shared>> -> memref<64x128xf32, #tpu.memory_space<vmem_shared>>
        %dma_start3A_213 = arith.constant 0 : i32
        %dma_start3A_214 = tpu.memref_slice %arg10[%add3A_139, %dma_start3A_213] : memref<10240x128xf32, #tpu.memory_space<vmem_shared>> -> memref<64x128xf32, #tpu.memory_space<vmem_shared>>
        tpu.enqueue_dma source(%arg9 : memref<64x128xf32, #tpu.memory_space<vmem>>) target(%dma_start3A_214 : memref<64x128xf32, #tpu.memory_space<vmem_shared>>) target_semaphore(%run_scoped3A : memref<!tpu.dma_semaphore, #tpu.memory_space<semaphore_mem>>)
        %dma_wait3A = arith.constant 0 : i32
        %dma_wait3A_215 = tpu.memref_slice %arg10[%add3A_139, %dma_wait3A] : memref<10240x128xf32, #tpu.memory_space<vmem_shared>> -> memref<64x128xf32, #tpu.memory_space<vmem_shared>>
        %dma_wait3A_216 = arith.constant 0 : i32
        %dma_wait3A_217 = tpu.memref_slice %arg10[%add3A_139, %dma_wait3A_216] : memref<10240x128xf32, #tpu.memory_space<vmem_shared>> -> memref<64x128xf32, #tpu.memory_space<vmem_shared>>
        tpu.wait_dma2 semaphore(%run_scoped3A : memref<!tpu.dma_semaphore, #tpu.memory_space<semaphore_mem>>) src(%arg9 : memref<64x128xf32, #tpu.memory_space<vmem>>) dst(%dma_wait3A_217 : memref<64x128xf32, #tpu.memory_space<vmem_shared>>)
        tpu.yield
      }) : () -> ()
      %mul3A_140 = arith.constant 640 : i32
      %mul3A_141 = arith.muli %arg1, %mul3A_140 : i32
      %add3A_142 = arith.constant 64 : i32
      %add3A_143 = arith.addi %mul3A_141, %add3A_142 : i32
      "tpu.region"() ({
        %run_scoped3A = tpu.sem_alloc : memref<!tpu.dma_semaphore, #tpu.memory_space<semaphore_mem>>
        %dma_start3A = arith.constant 0 : i32
        %dma_start3A_212 = tpu.memref_slice %arg2[%add3A_143, %dma_start3A] : memref<10240x128xf32, #tpu.memory_space<hbm>> -> memref<64x128xf32, #tpu.memory_space<hbm>>
        %dma_start3A_213 = arith.constant 0 : i32
        %dma_start3A_214 = tpu.memref_slice %arg2[%add3A_143, %dma_start3A_213] : memref<10240x128xf32, #tpu.memory_space<hbm>> -> memref<64x128xf32, #tpu.memory_space<hbm>>
        tpu.enqueue_dma source(%dma_start3A_214 : memref<64x128xf32, #tpu.memory_space<hbm>>) target(%arg9 : memref<64x128xf32, #tpu.memory_space<vmem>>) target_semaphore(%run_scoped3A : memref<!tpu.dma_semaphore, #tpu.memory_space<semaphore_mem>>)
        %dma_wait3A = arith.constant 0 : i32
        %dma_wait3A_215 = tpu.memref_slice %arg2[%add3A_143, %dma_wait3A] : memref<10240x128xf32, #tpu.memory_space<hbm>> -> memref<64x128xf32, #tpu.memory_space<hbm>>
        %dma_wait3A_216 = arith.constant 0 : i32
        %dma_wait3A_217 = tpu.memref_slice %arg2[%add3A_143, %dma_wait3A_216] : memref<10240x128xf32, #tpu.memory_space<hbm>> -> memref<64x128xf32, #tpu.memory_space<hbm>>
        tpu.wait_dma2 semaphore(%run_scoped3A : memref<!tpu.dma_semaphore, #tpu.memory_space<semaphore_mem>>) src(%dma_wait3A_217 : memref<64x128xf32, #tpu.memory_space<hbm>>) dst(%arg9 : memref<64x128xf32, #tpu.memory_space<vmem>>)
        tpu.yield
      }) : () -> ()
      %mul3A_144 = arith.constant 640 : i32
      %mul3A_145 = arith.muli %arg1, %mul3A_144 : i32
      %add3A_146 = arith.constant 64 : i32
      %add3A_147 = arith.addi %mul3A_145, %add3A_146 : i32
      "tpu.region"() ({
        %run_scoped3A = tpu.sem_alloc : memref<!tpu.dma_semaphore, #tpu.memory_space<semaphore_mem>>
        %dma_start3A = arith.constant 0 : i32
        %dma_start3A_212 = tpu.memref_slice %arg10[%add3A_147, %dma_start3A] : memref<10240x128xf32, #tpu.memory_space<vmem_shared>> -> memref<64x128xf32, #tpu.memory_space<vmem_shared>>
        %dma_start3A_213 = arith.constant 0 : i32
        %dma_start3A_214 = tpu.memref_slice %arg10[%add3A_147, %dma_start3A_213] : memref<10240x128xf32, #tpu.memory_space<vmem_shared>> -> memref<64x128xf32, #tpu.memory_space<vmem_shared>>
        tpu.enqueue_dma source(%arg9 : memref<64x128xf32, #tpu.memory_space<vmem>>) target(%dma_start3A_214 : memref<64x128xf32, #tpu.memory_space<vmem_shared>>) target_semaphore(%run_scoped3A : memref<!tpu.dma_semaphore, #tpu.memory_space<semaphore_mem>>)
        %dma_wait3A = arith.constant 0 : i32
        %dma_wait3A_215 = tpu.memref_slice %arg10[%add3A_147, %dma_wait3A] : memref<10240x128xf32, #tpu.memory_space<vmem_shared>> -> memref<64x128xf32, #tpu.memory_space<vmem_shared>>
        %dma_wait3A_216 = arith.constant 0 : i32
        %dma_wait3A_217 = tpu.memref_slice %arg10[%add3A_147, %dma_wait3A_216] : memref<10240x128xf32, #tpu.memory_space<vmem_shared>> -> memref<64x128xf32, #tpu.memory_space<vmem_shared>>
        tpu.wait_dma2 semaphore(%run_scoped3A : memref<!tpu.dma_semaphore, #tpu.memory_space<semaphore_mem>>) src(%arg9 : memref<64x128xf32, #tpu.memory_space<vmem>>) dst(%dma_wait3A_217 : memref<64x128xf32, #tpu.memory_space<vmem_shared>>)
        tpu.yield
      }) : () -> ()
      %mul3A_148 = arith.constant 640 : i32
      %mul3A_149 = arith.muli %arg1, %mul3A_148 : i32
      %add3A_150 = arith.constant 128 : i32
      %add3A_151 = arith.addi %mul3A_149, %add3A_150 : i32
      "tpu.region"() ({
        %run_scoped3A = tpu.sem_alloc : memref<!tpu.dma_semaphore, #tpu.memory_space<semaphore_mem>>
        %dma_start3A = arith.constant 0 : i32
        %dma_start3A_212 = tpu.memref_slice %arg2[%add3A_151, %dma_start3A] : memref<10240x128xf32, #tpu.memory_space<hbm>> -> memref<64x128xf32, #tpu.memory_space<hbm>>
        %dma_start3A_213 = arith.constant 0 : i32
        %dma_start3A_214 = tpu.memref_slice %arg2[%add3A_151, %dma_start3A_213] : memref<10240x128xf32, #tpu.memory_space<hbm>> -> memref<64x128xf32, #tpu.memory_space<hbm>>
        tpu.enqueue_dma source(%dma_start3A_214 : memref<64x128xf32, #tpu.memory_space<hbm>>) target(%arg9 : memref<64x128xf32, #tpu.memory_space<vmem>>) target_semaphore(%run_scoped3A : memref<!tpu.dma_semaphore, #tpu.memory_space<semaphore_mem>>)
        %dma_wait3A = arith.constant 0 : i32
        %dma_wait3A_215 = tpu.memref_slice %arg2[%add3A_151, %dma_wait3A] : memref<10240x128xf32, #tpu.memory_space<hbm>> -> memref<64x128xf32, #tpu.memory_space<hbm>>
        %dma_wait3A_216 = arith.constant 0 : i32
        %dma_wait3A_217 = tpu.memref_slice %arg2[%add3A_151, %dma_wait3A_216] : memref<10240x128xf32, #tpu.memory_space<hbm>> -> memref<64x128xf32, #tpu.memory_space<hbm>>
        tpu.wait_dma2 semaphore(%run_scoped3A : memref<!tpu.dma_semaphore, #tpu.memory_space<semaphore_mem>>) src(%dma_wait3A_217 : memref<64x128xf32, #tpu.memory_space<hbm>>) dst(%arg9 : memref<64x128xf32, #tpu.memory_space<vmem>>)
        tpu.yield
      }) : () -> ()
      %mul3A_152 = arith.constant 640 : i32
      %mul3A_153 = arith.muli %arg1, %mul3A_152 : i32
      %add3A_154 = arith.constant 128 : i32
      %add3A_155 = arith.addi %mul3A_153, %add3A_154 : i32
      "tpu.region"() ({
        %run_scoped3A = tpu.sem_alloc : memref<!tpu.dma_semaphore, #tpu.memory_space<semaphore_mem>>
        %dma_start3A = arith.constant 0 : i32
        %dma_start3A_212 = tpu.memref_slice %arg10[%add3A_155, %dma_start3A] : memref<10240x128xf32, #tpu.memory_space<vmem_shared>> -> memref<64x128xf32, #tpu.memory_space<vmem_shared>>
        %dma_start3A_213 = arith.constant 0 : i32
        %dma_start3A_214 = tpu.memref_slice %arg10[%add3A_155, %dma_start3A_213] : memref<10240x128xf32, #tpu.memory_space<vmem_shared>> -> memref<64x128xf32, #tpu.memory_space<vmem_shared>>
        tpu.enqueue_dma source(%arg9 : memref<64x128xf32, #tpu.memory_space<vmem>>) target(%dma_start3A_214 : memref<64x128xf32, #tpu.memory_space<vmem_shared>>) target_semaphore(%run_scoped3A : memref<!tpu.dma_semaphore, #tpu.memory_space<semaphore_mem>>)
        %dma_wait3A = arith.constant 0 : i32
        %dma_wait3A_215 = tpu.memref_slice %arg10[%add3A_155, %dma_wait3A] : memref<10240x128xf32, #tpu.memory_space<vmem_shared>> -> memref<64x128xf32, #tpu.memory_space<vmem_shared>>
        %dma_wait3A_216 = arith.constant 0 : i32
        %dma_wait3A_217 = tpu.memref_slice %arg10[%add3A_155, %dma_wait3A_216] : memref<10240x128xf32, #tpu.memory_space<vmem_shared>> -> memref<64x128xf32, #tpu.memory_space<vmem_shared>>
        tpu.wait_dma2 semaphore(%run_scoped3A : memref<!tpu.dma_semaphore, #tpu.memory_space<semaphore_mem>>) src(%arg9 : memref<64x128xf32, #tpu.memory_space<vmem>>) dst(%dma_wait3A_217 : memref<64x128xf32, #tpu.memory_space<vmem_shared>>)
        tpu.yield
      }) : () -> ()
      %mul3A_156 = arith.constant 640 : i32
      %mul3A_157 = arith.muli %arg1, %mul3A_156 : i32
      %add3A_158 = arith.constant 192 : i32
      %add3A_159 = arith.addi %mul3A_157, %add3A_158 : i32
      "tpu.region"() ({
        %run_scoped3A = tpu.sem_alloc : memref<!tpu.dma_semaphore, #tpu.memory_space<semaphore_mem>>
        %dma_start3A = arith.constant 0 : i32
        %dma_start3A_212 = tpu.memref_slice %arg2[%add3A_159, %dma_start3A] : memref<10240x128xf32, #tpu.memory_space<hbm>> -> memref<64x128xf32, #tpu.memory_space<hbm>>
        %dma_start3A_213 = arith.constant 0 : i32
        %dma_start3A_214 = tpu.memref_slice %arg2[%add3A_159, %dma_start3A_213] : memref<10240x128xf32, #tpu.memory_space<hbm>> -> memref<64x128xf32, #tpu.memory_space<hbm>>
        tpu.enqueue_dma source(%dma_start3A_214 : memref<64x128xf32, #tpu.memory_space<hbm>>) target(%arg9 : memref<64x128xf32, #tpu.memory_space<vmem>>) target_semaphore(%run_scoped3A : memref<!tpu.dma_semaphore, #tpu.memory_space<semaphore_mem>>)
        %dma_wait3A = arith.constant 0 : i32
        %dma_wait3A_215 = tpu.memref_slice %arg2[%add3A_159, %dma_wait3A] : memref<10240x128xf32, #tpu.memory_space<hbm>> -> memref<64x128xf32, #tpu.memory_space<hbm>>
        %dma_wait3A_216 = arith.constant 0 : i32
        %dma_wait3A_217 = tpu.memref_slice %arg2[%add3A_159, %dma_wait3A_216] : memref<10240x128xf32, #tpu.memory_space<hbm>> -> memref<64x128xf32, #tpu.memory_space<hbm>>
        tpu.wait_dma2 semaphore(%run_scoped3A : memref<!tpu.dma_semaphore, #tpu.memory_space<semaphore_mem>>) src(%dma_wait3A_217 : memref<64x128xf32, #tpu.memory_space<hbm>>) dst(%arg9 : memref<64x128xf32, #tpu.memory_space<vmem>>)
        tpu.yield
      }) : () -> ()
      %mul3A_160 = arith.constant 640 : i32
      %mul3A_161 = arith.muli %arg1, %mul3A_160 : i32
      %add3A_162 = arith.constant 192 : i32
      %add3A_163 = arith.addi %mul3A_161, %add3A_162 : i32
      "tpu.region"() ({
        %run_scoped3A = tpu.sem_alloc : memref<!tpu.dma_semaphore, #tpu.memory_space<semaphore_mem>>
        %dma_start3A = arith.constant 0 : i32
        %dma_start3A_212 = tpu.memref_slice %arg10[%add3A_163, %dma_start3A] : memref<10240x128xf32, #tpu.memory_space<vmem_shared>> -> memref<64x128xf32, #tpu.memory_space<vmem_shared>>
        %dma_start3A_213 = arith.constant 0 : i32
        %dma_start3A_214 = tpu.memref_slice %arg10[%add3A_163, %dma_start3A_213] : memref<10240x128xf32, #tpu.memory_space<vmem_shared>> -> memref<64x128xf32, #tpu.memory_space<vmem_shared>>
        tpu.enqueue_dma source(%arg9 : memref<64x128xf32, #tpu.memory_space<vmem>>) target(%dma_start3A_214 : memref<64x128xf32, #tpu.memory_space<vmem_shared>>) target_semaphore(%run_scoped3A : memref<!tpu.dma_semaphore, #tpu.memory_space<semaphore_mem>>)
        %dma_wait3A = arith.constant 0 : i32
        %dma_wait3A_215 = tpu.memref_slice %arg10[%add3A_163, %dma_wait3A] : memref<10240x128xf32, #tpu.memory_space<vmem_shared>> -> memref<64x128xf32, #tpu.memory_space<vmem_shared>>
        %dma_wait3A_216 = arith.constant 0 : i32
        %dma_wait3A_217 = tpu.memref_slice %arg10[%add3A_163, %dma_wait3A_216] : memref<10240x128xf32, #tpu.memory_space<vmem_shared>> -> memref<64x128xf32, #tpu.memory_space<vmem_shared>>
        tpu.wait_dma2 semaphore(%run_scoped3A : memref<!tpu.dma_semaphore, #tpu.memory_space<semaphore_mem>>) src(%arg9 : memref<64x128xf32, #tpu.memory_space<vmem>>) dst(%dma_wait3A_217 : memref<64x128xf32, #tpu.memory_space<vmem_shared>>)
        tpu.yield
      }) : () -> ()
      %mul3A_164 = arith.constant 640 : i32
      %mul3A_165 = arith.muli %arg1, %mul3A_164 : i32
      %add3A_166 = arith.constant 256 : i32
      %add3A_167 = arith.addi %mul3A_165, %add3A_166 : i32
      "tpu.region"() ({
        %run_scoped3A = tpu.sem_alloc : memref<!tpu.dma_semaphore, #tpu.memory_space<semaphore_mem>>
        %dma_start3A = arith.constant 0 : i32
        %dma_start3A_212 = tpu.memref_slice %arg2[%add3A_167, %dma_start3A] : memref<10240x128xf32, #tpu.memory_space<hbm>> -> memref<64x128xf32, #tpu.memory_space<hbm>>
        %dma_start3A_213 = arith.constant 0 : i32
        %dma_start3A_214 = tpu.memref_slice %arg2[%add3A_167, %dma_start3A_213] : memref<10240x128xf32, #tpu.memory_space<hbm>> -> memref<64x128xf32, #tpu.memory_space<hbm>>
        tpu.enqueue_dma source(%dma_start3A_214 : memref<64x128xf32, #tpu.memory_space<hbm>>) target(%arg9 : memref<64x128xf32, #tpu.memory_space<vmem>>) target_semaphore(%run_scoped3A : memref<!tpu.dma_semaphore, #tpu.memory_space<semaphore_mem>>)
        %dma_wait3A = arith.constant 0 : i32
        %dma_wait3A_215 = tpu.memref_slice %arg2[%add3A_167, %dma_wait3A] : memref<10240x128xf32, #tpu.memory_space<hbm>> -> memref<64x128xf32, #tpu.memory_space<hbm>>
        %dma_wait3A_216 = arith.constant 0 : i32
        %dma_wait3A_217 = tpu.memref_slice %arg2[%add3A_167, %dma_wait3A_216] : memref<10240x128xf32, #tpu.memory_space<hbm>> -> memref<64x128xf32, #tpu.memory_space<hbm>>
        tpu.wait_dma2 semaphore(%run_scoped3A : memref<!tpu.dma_semaphore, #tpu.memory_space<semaphore_mem>>) src(%dma_wait3A_217 : memref<64x128xf32, #tpu.memory_space<hbm>>) dst(%arg9 : memref<64x128xf32, #tpu.memory_space<vmem>>)
        tpu.yield
      }) : () -> ()
      %mul3A_168 = arith.constant 640 : i32
      %mul3A_169 = arith.muli %arg1, %mul3A_168 : i32
      %add3A_170 = arith.constant 256 : i32
      %add3A_171 = arith.addi %mul3A_169, %add3A_170 : i32
      "tpu.region"() ({
        %run_scoped3A = tpu.sem_alloc : memref<!tpu.dma_semaphore, #tpu.memory_space<semaphore_mem>>
        %dma_start3A = arith.constant 0 : i32
        %dma_start3A_212 = tpu.memref_slice %arg10[%add3A_171, %dma_start3A] : memref<10240x128xf32, #tpu.memory_space<vmem_shared>> -> memref<64x128xf32, #tpu.memory_space<vmem_shared>>
        %dma_start3A_213 = arith.constant 0 : i32
        %dma_start3A_214 = tpu.memref_slice %arg10[%add3A_171, %dma_start3A_213] : memref<10240x128xf32, #tpu.memory_space<vmem_shared>> -> memref<64x128xf32, #tpu.memory_space<vmem_shared>>
        tpu.enqueue_dma source(%arg9 : memref<64x128xf32, #tpu.memory_space<vmem>>) target(%dma_start3A_214 : memref<64x128xf32, #tpu.memory_space<vmem_shared>>) target_semaphore(%run_scoped3A : memref<!tpu.dma_semaphore, #tpu.memory_space<semaphore_mem>>)
        %dma_wait3A = arith.constant 0 : i32
        %dma_wait3A_215 = tpu.memref_slice %arg10[%add3A_171, %dma_wait3A] : memref<10240x128xf32, #tpu.memory_space<vmem_shared>> -> memref<64x128xf32, #tpu.memory_space<vmem_shared>>
        %dma_wait3A_216 = arith.constant 0 : i32
        %dma_wait3A_217 = tpu.memref_slice %arg10[%add3A_171, %dma_wait3A_216] : memref<10240x128xf32, #tpu.memory_space<vmem_shared>> -> memref<64x128xf32, #tpu.memory_space<vmem_shared>>
        tpu.wait_dma2 semaphore(%run_scoped3A : memref<!tpu.dma_semaphore, #tpu.memory_space<semaphore_mem>>) src(%arg9 : memref<64x128xf32, #tpu.memory_space<vmem>>) dst(%dma_wait3A_217 : memref<64x128xf32, #tpu.memory_space<vmem_shared>>)
        tpu.yield
      }) : () -> ()
      %mul3A_172 = arith.constant 640 : i32
      %mul3A_173 = arith.muli %arg1, %mul3A_172 : i32
      %add3A_174 = arith.constant 320 : i32
      %add3A_175 = arith.addi %mul3A_173, %add3A_174 : i32
      "tpu.region"() ({
        %run_scoped3A = tpu.sem_alloc : memref<!tpu.dma_semaphore, #tpu.memory_space<semaphore_mem>>
        %dma_start3A = arith.constant 0 : i32
        %dma_start3A_212 = tpu.memref_slice %arg2[%add3A_175, %dma_start3A] : memref<10240x128xf32, #tpu.memory_space<hbm>> -> memref<64x128xf32, #tpu.memory_space<hbm>>
        %dma_start3A_213 = arith.constant 0 : i32
        %dma_start3A_214 = tpu.memref_slice %arg2[%add3A_175, %dma_start3A_213] : memref<10240x128xf32, #tpu.memory_space<hbm>> -> memref<64x128xf32, #tpu.memory_space<hbm>>
        tpu.enqueue_dma source(%dma_start3A_214 : memref<64x128xf32, #tpu.memory_space<hbm>>) target(%arg9 : memref<64x128xf32, #tpu.memory_space<vmem>>) target_semaphore(%run_scoped3A : memref<!tpu.dma_semaphore, #tpu.memory_space<semaphore_mem>>)
        %dma_wait3A = arith.constant 0 : i32
        %dma_wait3A_215 = tpu.memref_slice %arg2[%add3A_175, %dma_wait3A] : memref<10240x128xf32, #tpu.memory_space<hbm>> -> memref<64x128xf32, #tpu.memory_space<hbm>>
        %dma_wait3A_216 = arith.constant 0 : i32
        %dma_wait3A_217 = tpu.memref_slice %arg2[%add3A_175, %dma_wait3A_216] : memref<10240x128xf32, #tpu.memory_space<hbm>> -> memref<64x128xf32, #tpu.memory_space<hbm>>
        tpu.wait_dma2 semaphore(%run_scoped3A : memref<!tpu.dma_semaphore, #tpu.memory_space<semaphore_mem>>) src(%dma_wait3A_217 : memref<64x128xf32, #tpu.memory_space<hbm>>) dst(%arg9 : memref<64x128xf32, #tpu.memory_space<vmem>>)
        tpu.yield
      }) : () -> ()
      %mul3A_176 = arith.constant 640 : i32
      %mul3A_177 = arith.muli %arg1, %mul3A_176 : i32
      %add3A_178 = arith.constant 320 : i32
      %add3A_179 = arith.addi %mul3A_177, %add3A_178 : i32
      "tpu.region"() ({
        %run_scoped3A = tpu.sem_alloc : memref<!tpu.dma_semaphore, #tpu.memory_space<semaphore_mem>>
        %dma_start3A = arith.constant 0 : i32
        %dma_start3A_212 = tpu.memref_slice %arg10[%add3A_179, %dma_start3A] : memref<10240x128xf32, #tpu.memory_space<vmem_shared>> -> memref<64x128xf32, #tpu.memory_space<vmem_shared>>
        %dma_start3A_213 = arith.constant 0 : i32
        %dma_start3A_214 = tpu.memref_slice %arg10[%add3A_179, %dma_start3A_213] : memref<10240x128xf32, #tpu.memory_space<vmem_shared>> -> memref<64x128xf32, #tpu.memory_space<vmem_shared>>
        tpu.enqueue_dma source(%arg9 : memref<64x128xf32, #tpu.memory_space<vmem>>) target(%dma_start3A_214 : memref<64x128xf32, #tpu.memory_space<vmem_shared>>) target_semaphore(%run_scoped3A : memref<!tpu.dma_semaphore, #tpu.memory_space<semaphore_mem>>)
        %dma_wait3A = arith.constant 0 : i32
        %dma_wait3A_215 = tpu.memref_slice %arg10[%add3A_179, %dma_wait3A] : memref<10240x128xf32, #tpu.memory_space<vmem_shared>> -> memref<64x128xf32, #tpu.memory_space<vmem_shared>>
        %dma_wait3A_216 = arith.constant 0 : i32
        %dma_wait3A_217 = tpu.memref_slice %arg10[%add3A_179, %dma_wait3A_216] : memref<10240x128xf32, #tpu.memory_space<vmem_shared>> -> memref<64x128xf32, #tpu.memory_space<vmem_shared>>
        tpu.wait_dma2 semaphore(%run_scoped3A : memref<!tpu.dma_semaphore, #tpu.memory_space<semaphore_mem>>) src(%arg9 : memref<64x128xf32, #tpu.memory_space<vmem>>) dst(%dma_wait3A_217 : memref<64x128xf32, #tpu.memory_space<vmem_shared>>)
        tpu.yield
      }) : () -> ()
      %mul3A_180 = arith.constant 640 : i32
      %mul3A_181 = arith.muli %arg1, %mul3A_180 : i32
      %add3A_182 = arith.constant 384 : i32
      %add3A_183 = arith.addi %mul3A_181, %add3A_182 : i32
      "tpu.region"() ({
        %run_scoped3A = tpu.sem_alloc : memref<!tpu.dma_semaphore, #tpu.memory_space<semaphore_mem>>
        %dma_start3A = arith.constant 0 : i32
        %dma_start3A_212 = tpu.memref_slice %arg2[%add3A_183, %dma_start3A] : memref<10240x128xf32, #tpu.memory_space<hbm>> -> memref<64x128xf32, #tpu.memory_space<hbm>>
        %dma_start3A_213 = arith.constant 0 : i32
        %dma_start3A_214 = tpu.memref_slice %arg2[%add3A_183, %dma_start3A_213] : memref<10240x128xf32, #tpu.memory_space<hbm>> -> memref<64x128xf32, #tpu.memory_space<hbm>>
        tpu.enqueue_dma source(%dma_start3A_214 : memref<64x128xf32, #tpu.memory_space<hbm>>) target(%arg9 : memref<64x128xf32, #tpu.memory_space<vmem>>) target_semaphore(%run_scoped3A : memref<!tpu.dma_semaphore, #tpu.memory_space<semaphore_mem>>)
        %dma_wait3A = arith.constant 0 : i32
        %dma_wait3A_215 = tpu.memref_slice %arg2[%add3A_183, %dma_wait3A] : memref<10240x128xf32, #tpu.memory_space<hbm>> -> memref<64x128xf32, #tpu.memory_space<hbm>>
        %dma_wait3A_216 = arith.constant 0 : i32
        %dma_wait3A_217 = tpu.memref_slice %arg2[%add3A_183, %dma_wait3A_216] : memref<10240x128xf32, #tpu.memory_space<hbm>> -> memref<64x128xf32, #tpu.memory_space<hbm>>
        tpu.wait_dma2 semaphore(%run_scoped3A : memref<!tpu.dma_semaphore, #tpu.memory_space<semaphore_mem>>) src(%dma_wait3A_217 : memref<64x128xf32, #tpu.memory_space<hbm>>) dst(%arg9 : memref<64x128xf32, #tpu.memory_space<vmem>>)
        tpu.yield
      }) : () -> ()
      %mul3A_184 = arith.constant 640 : i32
      %mul3A_185 = arith.muli %arg1, %mul3A_184 : i32
      %add3A_186 = arith.constant 384 : i32
      %add3A_187 = arith.addi %mul3A_185, %add3A_186 : i32
      "tpu.region"() ({
        %run_scoped3A = tpu.sem_alloc : memref<!tpu.dma_semaphore, #tpu.memory_space<semaphore_mem>>
        %dma_start3A = arith.constant 0 : i32
        %dma_start3A_212 = tpu.memref_slice %arg10[%add3A_187, %dma_start3A] : memref<10240x128xf32, #tpu.memory_space<vmem_shared>> -> memref<64x128xf32, #tpu.memory_space<vmem_shared>>
        %dma_start3A_213 = arith.constant 0 : i32
        %dma_start3A_214 = tpu.memref_slice %arg10[%add3A_187, %dma_start3A_213] : memref<10240x128xf32, #tpu.memory_space<vmem_shared>> -> memref<64x128xf32, #tpu.memory_space<vmem_shared>>
        tpu.enqueue_dma source(%arg9 : memref<64x128xf32, #tpu.memory_space<vmem>>) target(%dma_start3A_214 : memref<64x128xf32, #tpu.memory_space<vmem_shared>>) target_semaphore(%run_scoped3A : memref<!tpu.dma_semaphore, #tpu.memory_space<semaphore_mem>>)
        %dma_wait3A = arith.constant 0 : i32
        %dma_wait3A_215 = tpu.memref_slice %arg10[%add3A_187, %dma_wait3A] : memref<10240x128xf32, #tpu.memory_space<vmem_shared>> -> memref<64x128xf32, #tpu.memory_space<vmem_shared>>
        %dma_wait3A_216 = arith.constant 0 : i32
        %dma_wait3A_217 = tpu.memref_slice %arg10[%add3A_187, %dma_wait3A_216] : memref<10240x128xf32, #tpu.memory_space<vmem_shared>> -> memref<64x128xf32, #tpu.memory_space<vmem_shared>>
        tpu.wait_dma2 semaphore(%run_scoped3A : memref<!tpu.dma_semaphore, #tpu.memory_space<semaphore_mem>>) src(%arg9 : memref<64x128xf32, #tpu.memory_space<vmem>>) dst(%dma_wait3A_217 : memref<64x128xf32, #tpu.memory_space<vmem_shared>>)
        tpu.yield
      }) : () -> ()
      %mul3A_188 = arith.constant 640 : i32
      %mul3A_189 = arith.muli %arg1, %mul3A_188 : i32
      %add3A_190 = arith.constant 448 : i32
      %add3A_191 = arith.addi %mul3A_189, %add3A_190 : i32
      "tpu.region"() ({
        %run_scoped3A = tpu.sem_alloc : memref<!tpu.dma_semaphore, #tpu.memory_space<semaphore_mem>>
        %dma_start3A = arith.constant 0 : i32
        %dma_start3A_212 = tpu.memref_slice %arg2[%add3A_191, %dma_start3A] : memref<10240x128xf32, #tpu.memory_space<hbm>> -> memref<64x128xf32, #tpu.memory_space<hbm>>
        %dma_start3A_213 = arith.constant 0 : i32
        %dma_start3A_214 = tpu.memref_slice %arg2[%add3A_191, %dma_start3A_213] : memref<10240x128xf32, #tpu.memory_space<hbm>> -> memref<64x128xf32, #tpu.memory_space<hbm>>
        tpu.enqueue_dma source(%dma_start3A_214 : memref<64x128xf32, #tpu.memory_space<hbm>>) target(%arg9 : memref<64x128xf32, #tpu.memory_space<vmem>>) target_semaphore(%run_scoped3A : memref<!tpu.dma_semaphore, #tpu.memory_space<semaphore_mem>>)
        %dma_wait3A = arith.constant 0 : i32
        %dma_wait3A_215 = tpu.memref_slice %arg2[%add3A_191, %dma_wait3A] : memref<10240x128xf32, #tpu.memory_space<hbm>> -> memref<64x128xf32, #tpu.memory_space<hbm>>
        %dma_wait3A_216 = arith.constant 0 : i32
        %dma_wait3A_217 = tpu.memref_slice %arg2[%add3A_191, %dma_wait3A_216] : memref<10240x128xf32, #tpu.memory_space<hbm>> -> memref<64x128xf32, #tpu.memory_space<hbm>>
        tpu.wait_dma2 semaphore(%run_scoped3A : memref<!tpu.dma_semaphore, #tpu.memory_space<semaphore_mem>>) src(%dma_wait3A_217 : memref<64x128xf32, #tpu.memory_space<hbm>>) dst(%arg9 : memref<64x128xf32, #tpu.memory_space<vmem>>)
        tpu.yield
      }) : () -> ()
      %mul3A_192 = arith.constant 640 : i32
      %mul3A_193 = arith.muli %arg1, %mul3A_192 : i32
      %add3A_194 = arith.constant 448 : i32
      %add3A_195 = arith.addi %mul3A_193, %add3A_194 : i32
      "tpu.region"() ({
        %run_scoped3A = tpu.sem_alloc : memref<!tpu.dma_semaphore, #tpu.memory_space<semaphore_mem>>
        %dma_start3A = arith.constant 0 : i32
        %dma_start3A_212 = tpu.memref_slice %arg10[%add3A_195, %dma_start3A] : memref<10240x128xf32, #tpu.memory_space<vmem_shared>> -> memref<64x128xf32, #tpu.memory_space<vmem_shared>>
        %dma_start3A_213 = arith.constant 0 : i32
        %dma_start3A_214 = tpu.memref_slice %arg10[%add3A_195, %dma_start3A_213] : memref<10240x128xf32, #tpu.memory_space<vmem_shared>> -> memref<64x128xf32, #tpu.memory_space<vmem_shared>>
        tpu.enqueue_dma source(%arg9 : memref<64x128xf32, #tpu.memory_space<vmem>>) target(%dma_start3A_214 : memref<64x128xf32, #tpu.memory_space<vmem_shared>>) target_semaphore(%run_scoped3A : memref<!tpu.dma_semaphore, #tpu.memory_space<semaphore_mem>>)
        %dma_wait3A = arith.constant 0 : i32
        %dma_wait3A_215 = tpu.memref_slice %arg10[%add3A_195, %dma_wait3A] : memref<10240x128xf32, #tpu.memory_space<vmem_shared>> -> memref<64x128xf32, #tpu.memory_space<vmem_shared>>
        %dma_wait3A_216 = arith.constant 0 : i32
        %dma_wait3A_217 = tpu.memref_slice %arg10[%add3A_195, %dma_wait3A_216] : memref<10240x128xf32, #tpu.memory_space<vmem_shared>> -> memref<64x128xf32, #tpu.memory_space<vmem_shared>>
        tpu.wait_dma2 semaphore(%run_scoped3A : memref<!tpu.dma_semaphore, #tpu.memory_space<semaphore_mem>>) src(%arg9 : memref<64x128xf32, #tpu.memory_space<vmem>>) dst(%dma_wait3A_217 : memref<64x128xf32, #tpu.memory_space<vmem_shared>>)
        tpu.yield
      }) : () -> ()
      %mul3A_196 = arith.constant 640 : i32
      %mul3A_197 = arith.muli %arg1, %mul3A_196 : i32
      %add3A_198 = arith.constant 512 : i32
      %add3A_199 = arith.addi %mul3A_197, %add3A_198 : i32
      "tpu.region"() ({
        %run_scoped3A = tpu.sem_alloc : memref<!tpu.dma_semaphore, #tpu.memory_space<semaphore_mem>>
        %dma_start3A = arith.constant 0 : i32
        %dma_start3A_212 = tpu.memref_slice %arg2[%add3A_199, %dma_start3A] : memref<10240x128xf32, #tpu.memory_space<hbm>> -> memref<64x128xf32, #tpu.memory_space<hbm>>
        %dma_start3A_213 = arith.constant 0 : i32
        %dma_start3A_214 = tpu.memref_slice %arg2[%add3A_199, %dma_start3A_213] : memref<10240x128xf32, #tpu.memory_space<hbm>> -> memref<64x128xf32, #tpu.memory_space<hbm>>
        tpu.enqueue_dma source(%dma_start3A_214 : memref<64x128xf32, #tpu.memory_space<hbm>>) target(%arg9 : memref<64x128xf32, #tpu.memory_space<vmem>>) target_semaphore(%run_scoped3A : memref<!tpu.dma_semaphore, #tpu.memory_space<semaphore_mem>>)
        %dma_wait3A = arith.constant 0 : i32
        %dma_wait3A_215 = tpu.memref_slice %arg2[%add3A_199, %dma_wait3A] : memref<10240x128xf32, #tpu.memory_space<hbm>> -> memref<64x128xf32, #tpu.memory_space<hbm>>
        %dma_wait3A_216 = arith.constant 0 : i32
        %dma_wait3A_217 = tpu.memref_slice %arg2[%add3A_199, %dma_wait3A_216] : memref<10240x128xf32, #tpu.memory_space<hbm>> -> memref<64x128xf32, #tpu.memory_space<hbm>>
        tpu.wait_dma2 semaphore(%run_scoped3A : memref<!tpu.dma_semaphore, #tpu.memory_space<semaphore_mem>>) src(%dma_wait3A_217 : memref<64x128xf32, #tpu.memory_space<hbm>>) dst(%arg9 : memref<64x128xf32, #tpu.memory_space<vmem>>)
        tpu.yield
      }) : () -> ()
      %mul3A_200 = arith.constant 640 : i32
      %mul3A_201 = arith.muli %arg1, %mul3A_200 : i32
      %add3A_202 = arith.constant 512 : i32
      %add3A_203 = arith.addi %mul3A_201, %add3A_202 : i32
      "tpu.region"() ({
        %run_scoped3A = tpu.sem_alloc : memref<!tpu.dma_semaphore, #tpu.memory_space<semaphore_mem>>
        %dma_start3A = arith.constant 0 : i32
        %dma_start3A_212 = tpu.memref_slice %arg10[%add3A_203, %dma_start3A] : memref<10240x128xf32, #tpu.memory_space<vmem_shared>> -> memref<64x128xf32, #tpu.memory_space<vmem_shared>>
        %dma_start3A_213 = arith.constant 0 : i32
        %dma_start3A_214 = tpu.memref_slice %arg10[%add3A_203, %dma_start3A_213] : memref<10240x128xf32, #tpu.memory_space<vmem_shared>> -> memref<64x128xf32, #tpu.memory_space<vmem_shared>>
        tpu.enqueue_dma source(%arg9 : memref<64x128xf32, #tpu.memory_space<vmem>>) target(%dma_start3A_214 : memref<64x128xf32, #tpu.memory_space<vmem_shared>>) target_semaphore(%run_scoped3A : memref<!tpu.dma_semaphore, #tpu.memory_space<semaphore_mem>>)
        %dma_wait3A = arith.constant 0 : i32
        %dma_wait3A_215 = tpu.memref_slice %arg10[%add3A_203, %dma_wait3A] : memref<10240x128xf32, #tpu.memory_space<vmem_shared>> -> memref<64x128xf32, #tpu.memory_space<vmem_shared>>
        %dma_wait3A_216 = arith.constant 0 : i32
        %dma_wait3A_217 = tpu.memref_slice %arg10[%add3A_203, %dma_wait3A_216] : memref<10240x128xf32, #tpu.memory_space<vmem_shared>> -> memref<64x128xf32, #tpu.memory_space<vmem_shared>>
        tpu.wait_dma2 semaphore(%run_scoped3A : memref<!tpu.dma_semaphore, #tpu.memory_space<semaphore_mem>>) src(%arg9 : memref<64x128xf32, #tpu.memory_space<vmem>>) dst(%dma_wait3A_217 : memref<64x128xf32, #tpu.memory_space<vmem_shared>>)
        tpu.yield
      }) : () -> ()
      %mul3A_204 = arith.constant 640 : i32
      %mul3A_205 = arith.muli %arg1, %mul3A_204 : i32
      %add3A_206 = arith.constant 576 : i32
      %add3A_207 = arith.addi %mul3A_205, %add3A_206 : i32
      "tpu.region"() ({
        %run_scoped3A = tpu.sem_alloc : memref<!tpu.dma_semaphore, #tpu.memory_space<semaphore_mem>>
        %dma_start3A = arith.constant 0 : i32
        %dma_start3A_212 = tpu.memref_slice %arg2[%add3A_207, %dma_start3A] : memref<10240x128xf32, #tpu.memory_space<hbm>> -> memref<64x128xf32, #tpu.memory_space<hbm>>
        %dma_start3A_213 = arith.constant 0 : i32
        %dma_start3A_214 = tpu.memref_slice %arg2[%add3A_207, %dma_start3A_213] : memref<10240x128xf32, #tpu.memory_space<hbm>> -> memref<64x128xf32, #tpu.memory_space<hbm>>
        tpu.enqueue_dma source(%dma_start3A_214 : memref<64x128xf32, #tpu.memory_space<hbm>>) target(%arg9 : memref<64x128xf32, #tpu.memory_space<vmem>>) target_semaphore(%run_scoped3A : memref<!tpu.dma_semaphore, #tpu.memory_space<semaphore_mem>>)
        %dma_wait3A = arith.constant 0 : i32
        %dma_wait3A_215 = tpu.memref_slice %arg2[%add3A_207, %dma_wait3A] : memref<10240x128xf32, #tpu.memory_space<hbm>> -> memref<64x128xf32, #tpu.memory_space<hbm>>
        %dma_wait3A_216 = arith.constant 0 : i32
        %dma_wait3A_217 = tpu.memref_slice %arg2[%add3A_207, %dma_wait3A_216] : memref<10240x128xf32, #tpu.memory_space<hbm>> -> memref<64x128xf32, #tpu.memory_space<hbm>>
        tpu.wait_dma2 semaphore(%run_scoped3A : memref<!tpu.dma_semaphore, #tpu.memory_space<semaphore_mem>>) src(%dma_wait3A_217 : memref<64x128xf32, #tpu.memory_space<hbm>>) dst(%arg9 : memref<64x128xf32, #tpu.memory_space<vmem>>)
        tpu.yield
      }) : () -> ()
      %mul3A_208 = arith.constant 640 : i32
      %mul3A_209 = arith.muli %arg1, %mul3A_208 : i32
      %add3A_210 = arith.constant 576 : i32
      %add3A_211 = arith.addi %mul3A_209, %add3A_210 : i32
      "tpu.region"() ({
        %run_scoped3A = tpu.sem_alloc : memref<!tpu.dma_semaphore, #tpu.memory_space<semaphore_mem>>
        %dma_start3A = arith.constant 0 : i32
        %dma_start3A_212 = tpu.memref_slice %arg10[%add3A_211, %dma_start3A] : memref<10240x128xf32, #tpu.memory_space<vmem_shared>> -> memref<64x128xf32, #tpu.memory_space<vmem_shared>>
        %dma_start3A_213 = arith.constant 0 : i32
        %dma_start3A_214 = tpu.memref_slice %arg10[%add3A_211, %dma_start3A_213] : memref<10240x128xf32, #tpu.memory_space<vmem_shared>> -> memref<64x128xf32, #tpu.memory_space<vmem_shared>>
        tpu.enqueue_dma source(%arg9 : memref<64x128xf32, #tpu.memory_space<vmem>>) target(%dma_start3A_214 : memref<64x128xf32, #tpu.memory_space<vmem_shared>>) target_semaphore(%run_scoped3A : memref<!tpu.dma_semaphore, #tpu.memory_space<semaphore_mem>>)
        %dma_wait3A = arith.constant 0 : i32
        %dma_wait3A_215 = tpu.memref_slice %arg10[%add3A_211, %dma_wait3A] : memref<10240x128xf32, #tpu.memory_space<vmem_shared>> -> memref<64x128xf32, #tpu.memory_space<vmem_shared>>
        %dma_wait3A_216 = arith.constant 0 : i32
        %dma_wait3A_217 = tpu.memref_slice %arg10[%add3A_211, %dma_wait3A_216] : memref<10240x128xf32, #tpu.memory_space<vmem_shared>> -> memref<64x128xf32, #tpu.memory_space<vmem_shared>>
        tpu.wait_dma2 semaphore(%run_scoped3A : memref<!tpu.dma_semaphore, #tpu.memory_space<semaphore_mem>>) src(%arg9 : memref<64x128xf32, #tpu.memory_space<vmem>>) dst(%dma_wait3A_217 : memref<64x128xf32, #tpu.memory_space<vmem_shared>>)
        tpu.yield
      }) : () -> ()
    } else {
    }
    %eq3A_2 = arith.constant 1 : i32
    %eq3A_3 = arith.cmpi eq, %arg0, %eq3A_2 : i32
    %convert_element_type3A_4 = arith.extui %eq3A_3 : i1 to i32
    %cond3A_5 = arith.constant 0 : i32
    %cond3A_6 = arith.cmpi ne, %convert_element_type3A_4, %cond3A_5 : i32
    scf.if %cond3A_6 {
      %mul3A_128 = arith.constant 69 : i32
      %mul3A_129 = arith.muli %arg1, %mul3A_128 : i32
      %add3A_130 = arith.constant 1408 : i32
      %add3A_131 = arith.addi %add3A_130, %mul3A_129 : i32
      "tpu.region"() ({
        %run_scoped3A = tpu.sem_alloc : memref<!tpu.dma_semaphore, #tpu.memory_space<semaphore_mem>>
        %dma_start3A = arith.constant 0 : i32
        %dma_start3A_182 = arith.constant 0 : i32
        %dma_start3A_183 = tpu.memref_slice %arg6[%dma_start3A, %dma_start3A_182] : memref<88x128xi32, #tpu.memory_space<vmem>> -> memref<69x128xi32, #tpu.memory_space<vmem>>
        %dma_start3A_184 = arith.constant 0 : i32
        %dma_start3A_185 = tpu.memref_slice %arg3[%add3A_131, %dma_start3A_184] : memref<2512x128xi32, #tpu.memory_space<hbm>> -> memref<69x128xi32, #tpu.memory_space<hbm>>
        %dma_start3A_186 = arith.constant 0 : i32
        %dma_start3A_187 = arith.constant 0 : i32
        %dma_start3A_188 = tpu.memref_slice %arg6[%dma_start3A_186, %dma_start3A_187] : memref<88x128xi32, #tpu.memory_space<vmem>> -> memref<69x128xi32, #tpu.memory_space<vmem>>
        %dma_start3A_189 = arith.constant 0 : i32
        %dma_start3A_190 = tpu.memref_slice %arg3[%add3A_131, %dma_start3A_189] : memref<2512x128xi32, #tpu.memory_space<hbm>> -> memref<69x128xi32, #tpu.memory_space<hbm>>
        tpu.enqueue_dma source(%dma_start3A_190 : memref<69x128xi32, #tpu.memory_space<hbm>>) target(%dma_start3A_188 : memref<69x128xi32, #tpu.memory_space<vmem>>) target_semaphore(%run_scoped3A : memref<!tpu.dma_semaphore, #tpu.memory_space<semaphore_mem>>)
        %dma_wait3A = arith.constant 0 : i32
        %dma_wait3A_191 = arith.constant 0 : i32
        %dma_wait3A_192 = tpu.memref_slice %arg6[%dma_wait3A, %dma_wait3A_191] : memref<88x128xi32, #tpu.memory_space<vmem>> -> memref<69x128xi32, #tpu.memory_space<vmem>>
        %dma_wait3A_193 = arith.constant 0 : i32
        %dma_wait3A_194 = tpu.memref_slice %arg3[%add3A_131, %dma_wait3A_193] : memref<2512x128xi32, #tpu.memory_space<hbm>> -> memref<69x128xi32, #tpu.memory_space<hbm>>
        %dma_wait3A_195 = arith.constant 0 : i32
        %dma_wait3A_196 = arith.constant 0 : i32
        %dma_wait3A_197 = tpu.memref_slice %arg6[%dma_wait3A_195, %dma_wait3A_196] : memref<88x128xi32, #tpu.memory_space<vmem>> -> memref<69x128xi32, #tpu.memory_space<vmem>>
        %dma_wait3A_198 = arith.constant 0 : i32
        %dma_wait3A_199 = tpu.memref_slice %arg3[%add3A_131, %dma_wait3A_198] : memref<2512x128xi32, #tpu.memory_space<hbm>> -> memref<69x128xi32, #tpu.memory_space<hbm>>
        tpu.wait_dma2 semaphore(%run_scoped3A : memref<!tpu.dma_semaphore, #tpu.memory_space<semaphore_mem>>) src(%dma_wait3A_199 : memref<69x128xi32, #tpu.memory_space<hbm>>) dst(%dma_wait3A_197 : memref<69x128xi32, #tpu.memory_space<vmem>>)
        tpu.yield
      }) : () -> ()
      %mul3A_132 = arith.constant 69 : i32
      %mul3A_133 = arith.muli %arg1, %mul3A_132 : i32
      %add3A_134 = arith.constant 1408 : i32
      %add3A_135 = arith.addi %add3A_134, %mul3A_133 : i32
      "tpu.region"() ({
        %run_scoped3A = tpu.sem_alloc : memref<!tpu.dma_semaphore, #tpu.memory_space<semaphore_mem>>
        %dma_start3A = arith.constant 0 : i32
        %dma_start3A_182 = arith.constant 0 : i32
        %dma_start3A_183 = tpu.memref_slice %arg7[%dma_start3A, %dma_start3A_182] : memref<88x128xi32, #tpu.memory_space<vmem>> -> memref<69x128xi32, #tpu.memory_space<vmem>>
        %dma_start3A_184 = arith.constant 0 : i32
        %dma_start3A_185 = tpu.memref_slice %arg4[%add3A_135, %dma_start3A_184] : memref<2512x128xi32, #tpu.memory_space<hbm>> -> memref<69x128xi32, #tpu.memory_space<hbm>>
        %dma_start3A_186 = arith.constant 0 : i32
        %dma_start3A_187 = arith.constant 0 : i32
        %dma_start3A_188 = tpu.memref_slice %arg7[%dma_start3A_186, %dma_start3A_187] : memref<88x128xi32, #tpu.memory_space<vmem>> -> memref<69x128xi32, #tpu.memory_space<vmem>>
        %dma_start3A_189 = arith.constant 0 : i32
        %dma_start3A_190 = tpu.memref_slice %arg4[%add3A_135, %dma_start3A_189] : memref<2512x128xi32, #tpu.memory_space<hbm>> -> memref<69x128xi32, #tpu.memory_space<hbm>>
        tpu.enqueue_dma source(%dma_start3A_190 : memref<69x128xi32, #tpu.memory_space<hbm>>) target(%dma_start3A_188 : memref<69x128xi32, #tpu.memory_space<vmem>>) target_semaphore(%run_scoped3A : memref<!tpu.dma_semaphore, #tpu.memory_space<semaphore_mem>>)
        %dma_wait3A = arith.constant 0 : i32
        %dma_wait3A_191 = arith.constant 0 : i32
        %dma_wait3A_192 = tpu.memref_slice %arg7[%dma_wait3A, %dma_wait3A_191] : memref<88x128xi32, #tpu.memory_space<vmem>> -> memref<69x128xi32, #tpu.memory_space<vmem>>
        %dma_wait3A_193 = arith.constant 0 : i32
        %dma_wait3A_194 = tpu.memref_slice %arg4[%add3A_135, %dma_wait3A_193] : memref<2512x128xi32, #tpu.memory_space<hbm>> -> memref<69x128xi32, #tpu.memory_space<hbm>>
        %dma_wait3A_195 = arith.constant 0 : i32
        %dma_wait3A_196 = arith.constant 0 : i32
        %dma_wait3A_197 = tpu.memref_slice %arg7[%dma_wait3A_195, %dma_wait3A_196] : memref<88x128xi32, #tpu.memory_space<vmem>> -> memref<69x128xi32, #tpu.memory_space<vmem>>
        %dma_wait3A_198 = arith.constant 0 : i32
        %dma_wait3A_199 = tpu.memref_slice %arg4[%add3A_135, %dma_wait3A_198] : memref<2512x128xi32, #tpu.memory_space<hbm>> -> memref<69x128xi32, #tpu.memory_space<hbm>>
        tpu.wait_dma2 semaphore(%run_scoped3A : memref<!tpu.dma_semaphore, #tpu.memory_space<semaphore_mem>>) src(%dma_wait3A_199 : memref<69x128xi32, #tpu.memory_space<hbm>>) dst(%dma_wait3A_197 : memref<69x128xi32, #tpu.memory_space<vmem>>)
        tpu.yield
      }) : () -> ()
      %broadcast_in_dim3A = arith.constant 0.000000e+00 : f32
      %broadcast_in_dim3A_136 = vector.broadcast %broadcast_in_dim3A : f32 to vector<16xf32>
      %scan3A = arith.constant 0 : i32
      %scan3A_137 = arith.constant 0 : i32
      %scan3A_138 = arith.constant 64 : i32
      %scan3A_139 = arith.addi %scan3A_137, %scan3A_138 : i32
      %scan3A_140 = arith.constant 1 : i32
      scf.for %scan3A_182 = %scan3A_137 to %scan3A_139 step %scan3A_140  : i32 {
        %swap3A = arith.index_cast %scan3A_182 : i32 to index
        %swap3A_183 = arith.constant 0 : index
        %swap3A_184 = tpu.vector_load %arg9[%swap3A, %swap3A_183] {strides = array<i32>} : memref<64x128xf32, #tpu.memory_space<vmem>>, vector<1x16xf32>,
        %swap3A_185 = vector.shape_cast %swap3A_184 : vector<1x16xf32> to vector<16xf32>
        %swap3A_186 = vector.shape_cast %broadcast_in_dim3A_136 : vector<16xf32> to vector<1x16xf32>
        tpu.vector_store %arg9[%swap3A, %swap3A_183], %swap3A_186 {strides = array<i32>} : memref<64x128xf32, #tpu.memory_space<vmem>>, vector<1x16xf32>,
        %swap3A_187 = arith.index_cast %scan3A_182 : i32 to index
        %swap3A_188 = arith.constant 16 : index
        %swap3A_189 = tpu.vector_load %arg9[%swap3A_187, %swap3A_188] {strides = array<i32>} : memref<64x128xf32, #tpu.memory_space<vmem>>, vector<1x16xf32>,
        %swap3A_190 = vector.shape_cast %swap3A_189 : vector<1x16xf32> to vector<16xf32>
        %swap3A_191 = vector.shape_cast %broadcast_in_dim3A_136 : vector<16xf32> to vector<1x16xf32>
        tpu.vector_store %arg9[%swap3A_187, %swap3A_188], %swap3A_191 {strides = array<i32>} : memref<64x128xf32, #tpu.memory_space<vmem>>, vector<1x16xf32>,
        %swap3A_192 = arith.index_cast %scan3A_182 : i32 to index
        %swap3A_193 = arith.constant 32 : index
        %swap3A_194 = tpu.vector_load %arg9[%swap3A_192, %swap3A_193] {strides = array<i32>} : memref<64x128xf32, #tpu.memory_space<vmem>>, vector<1x16xf32>,
        %swap3A_195 = vector.shape_cast %swap3A_194 : vector<1x16xf32> to vector<16xf32>
        %swap3A_196 = vector.shape_cast %broadcast_in_dim3A_136 : vector<16xf32> to vector<1x16xf32>
        tpu.vector_store %arg9[%swap3A_192, %swap3A_193], %swap3A_196 {strides = array<i32>} : memref<64x128xf32, #tpu.memory_space<vmem>>, vector<1x16xf32>,
        %swap3A_197 = arith.index_cast %scan3A_182 : i32 to index
        %swap3A_198 = arith.constant 48 : index
        %swap3A_199 = tpu.vector_load %arg9[%swap3A_197, %swap3A_198] {strides = array<i32>} : memref<64x128xf32, #tpu.memory_space<vmem>>, vector<1x16xf32>,
        %swap3A_200 = vector.shape_cast %swap3A_199 : vector<1x16xf32> to vector<16xf32>
        %swap3A_201 = vector.shape_cast %broadcast_in_dim3A_136 : vector<16xf32> to vector<1x16xf32>
        tpu.vector_store %arg9[%swap3A_197, %swap3A_198], %swap3A_201 {strides = array<i32>} : memref<64x128xf32, #tpu.memory_space<vmem>>, vector<1x16xf32>,
        %swap3A_202 = arith.index_cast %scan3A_182 : i32 to index
        %swap3A_203 = arith.constant 64 : index
        %swap3A_204 = tpu.vector_load %arg9[%swap3A_202, %swap3A_203] {strides = array<i32>} : memref<64x128xf32, #tpu.memory_space<vmem>>, vector<1x16xf32>,
        %swap3A_205 = vector.shape_cast %swap3A_204 : vector<1x16xf32> to vector<16xf32>
        %swap3A_206 = vector.shape_cast %broadcast_in_dim3A_136 : vector<16xf32> to vector<1x16xf32>
        tpu.vector_store %arg9[%swap3A_202, %swap3A_203], %swap3A_206 {strides = array<i32>} : memref<64x128xf32, #tpu.memory_space<vmem>>, vector<1x16xf32>,
        %swap3A_207 = arith.index_cast %scan3A_182 : i32 to index
        %swap3A_208 = arith.constant 80 : index
        %swap3A_209 = tpu.vector_load %arg9[%swap3A_207, %swap3A_208] {strides = array<i32>} : memref<64x128xf32, #tpu.memory_space<vmem>>, vector<1x16xf32>,
        %swap3A_210 = vector.shape_cast %swap3A_209 : vector<1x16xf32> to vector<16xf32>
        %swap3A_211 = vector.shape_cast %broadcast_in_dim3A_136 : vector<16xf32> to vector<1x16xf32>
        tpu.vector_store %arg9[%swap3A_207, %swap3A_208], %swap3A_211 {strides = array<i32>} : memref<64x128xf32, #tpu.memory_space<vmem>>, vector<1x16xf32>,
        %swap3A_212 = arith.index_cast %scan3A_182 : i32 to index
        %swap3A_213 = arith.constant 96 : index
        %swap3A_214 = tpu.vector_load %arg9[%swap3A_212, %swap3A_213] {strides = array<i32>} : memref<64x128xf32, #tpu.memory_space<vmem>>, vector<1x16xf32>,
        %swap3A_215 = vector.shape_cast %swap3A_214 : vector<1x16xf32> to vector<16xf32>
        %swap3A_216 = vector.shape_cast %broadcast_in_dim3A_136 : vector<16xf32> to vector<1x16xf32>
        tpu.vector_store %arg9[%swap3A_212, %swap3A_213], %swap3A_216 {strides = array<i32>} : memref<64x128xf32, #tpu.memory_space<vmem>>, vector<1x16xf32>,
        %swap3A_217 = arith.index_cast %scan3A_182 : i32 to index
        %swap3A_218 = arith.constant 112 : index
        %swap3A_219 = tpu.vector_load %arg9[%swap3A_217, %swap3A_218] {strides = array<i32>} : memref<64x128xf32, #tpu.memory_space<vmem>>, vector<1x16xf32>,
        %swap3A_220 = vector.shape_cast %swap3A_219 : vector<1x16xf32> to vector<16xf32>
        %swap3A_221 = vector.shape_cast %broadcast_in_dim3A_136 : vector<16xf32> to vector<1x16xf32>
        tpu.vector_store %arg9[%swap3A_217, %swap3A_218], %swap3A_221 {strides = array<i32>} : memref<64x128xf32, #tpu.memory_space<vmem>>, vector<1x16xf32>,
      }
      %scan3A_141 = arith.constant 64 : i32
      %mul3A_142 = arith.constant 640 : i32
      %mul3A_143 = arith.muli %arg1, %mul3A_142 : i32
      %add3A_144 = arith.constant 0 : i32
      %add3A_145 = arith.addi %mul3A_143, %add3A_144 : i32
      "tpu.region"() ({
        %run_scoped3A = tpu.sem_alloc : memref<!tpu.dma_semaphore, #tpu.memory_space<semaphore_mem>>
        %dma_start3A = arith.constant 0 : i32
        %dma_start3A_182 = tpu.memref_slice %arg10[%add3A_145, %dma_start3A] : memref<10240x128xf32, #tpu.memory_space<vmem_shared>> -> memref<64x128xf32, #tpu.memory_space<vmem_shared>>
        %dma_start3A_183 = arith.constant 0 : i32
        %dma_start3A_184 = tpu.memref_slice %arg10[%add3A_145, %dma_start3A_183] : memref<10240x128xf32, #tpu.memory_space<vmem_shared>> -> memref<64x128xf32, #tpu.memory_space<vmem_shared>>
        tpu.enqueue_dma source(%arg9 : memref<64x128xf32, #tpu.memory_space<vmem>>) target(%dma_start3A_184 : memref<64x128xf32, #tpu.memory_space<vmem_shared>>) target_semaphore(%run_scoped3A : memref<!tpu.dma_semaphore, #tpu.memory_space<semaphore_mem>>)
        %dma_wait3A = arith.constant 0 : i32
        %dma_wait3A_185 = tpu.memref_slice %arg10[%add3A_145, %dma_wait3A] : memref<10240x128xf32, #tpu.memory_space<vmem_shared>> -> memref<64x128xf32, #tpu.memory_space<vmem_shared>>
        %dma_wait3A_186 = arith.constant 0 : i32
        %dma_wait3A_187 = tpu.memref_slice %arg10[%add3A_145, %dma_wait3A_186] : memref<10240x128xf32, #tpu.memory_space<vmem_shared>> -> memref<64x128xf32, #tpu.memory_space<vmem_shared>>
        tpu.wait_dma2 semaphore(%run_scoped3A : memref<!tpu.dma_semaphore, #tpu.memory_space<semaphore_mem>>) src(%arg9 : memref<64x128xf32, #tpu.memory_space<vmem>>) dst(%dma_wait3A_187 : memref<64x128xf32, #tpu.memory_space<vmem_shared>>)
        tpu.yield
      }) : () -> ()
      %mul3A_146 = arith.constant 640 : i32
      %mul3A_147 = arith.muli %arg1, %mul3A_146 : i32
      %add3A_148 = arith.constant 64 : i32
      %add3A_149 = arith.addi %mul3A_147, %add3A_148 : i32
      "tpu.region"() ({
        %run_scoped3A = tpu.sem_alloc : memref<!tpu.dma_semaphore, #tpu.memory_space<semaphore_mem>>
        %dma_start3A = arith.constant 0 : i32
        %dma_start3A_182 = tpu.memref_slice %arg10[%add3A_149, %dma_start3A] : memref<10240x128xf32, #tpu.memory_space<vmem_shared>> -> memref<64x128xf32, #tpu.memory_space<vmem_shared>>
        %dma_start3A_183 = arith.constant 0 : i32
        %dma_start3A_184 = tpu.memref_slice %arg10[%add3A_149, %dma_start3A_183] : memref<10240x128xf32, #tpu.memory_space<vmem_shared>> -> memref<64x128xf32, #tpu.memory_space<vmem_shared>>
        tpu.enqueue_dma source(%arg9 : memref<64x128xf32, #tpu.memory_space<vmem>>) target(%dma_start3A_184 : memref<64x128xf32, #tpu.memory_space<vmem_shared>>) target_semaphore(%run_scoped3A : memref<!tpu.dma_semaphore, #tpu.memory_space<semaphore_mem>>)
        %dma_wait3A = arith.constant 0 : i32
        %dma_wait3A_185 = tpu.memref_slice %arg10[%add3A_149, %dma_wait3A] : memref<10240x128xf32, #tpu.memory_space<vmem_shared>> -> memref<64x128xf32, #tpu.memory_space<vmem_shared>>
        %dma_wait3A_186 = arith.constant 0 : i32
        %dma_wait3A_187 = tpu.memref_slice %arg10[%add3A_149, %dma_wait3A_186] : memref<10240x128xf32, #tpu.memory_space<vmem_shared>> -> memref<64x128xf32, #tpu.memory_space<vmem_shared>>
        tpu.wait_dma2 semaphore(%run_scoped3A : memref<!tpu.dma_semaphore, #tpu.memory_space<semaphore_mem>>) src(%arg9 : memref<64x128xf32, #tpu.memory_space<vmem>>) dst(%dma_wait3A_187 : memref<64x128xf32, #tpu.memory_space<vmem_shared>>)
        tpu.yield
      }) : () -> ()
      %mul3A_150 = arith.constant 640 : i32
      %mul3A_151 = arith.muli %arg1, %mul3A_150 : i32
      %add3A_152 = arith.constant 128 : i32
      %add3A_153 = arith.addi %mul3A_151, %add3A_152 : i32
      "tpu.region"() ({
        %run_scoped3A = tpu.sem_alloc : memref<!tpu.dma_semaphore, #tpu.memory_space<semaphore_mem>>
        %dma_start3A = arith.constant 0 : i32
        %dma_start3A_182 = tpu.memref_slice %arg10[%add3A_153, %dma_start3A] : memref<10240x128xf32, #tpu.memory_space<vmem_shared>> -> memref<64x128xf32, #tpu.memory_space<vmem_shared>>
        %dma_start3A_183 = arith.constant 0 : i32
        %dma_start3A_184 = tpu.memref_slice %arg10[%add3A_153, %dma_start3A_183] : memref<10240x128xf32, #tpu.memory_space<vmem_shared>> -> memref<64x128xf32, #tpu.memory_space<vmem_shared>>
        tpu.enqueue_dma source(%arg9 : memref<64x128xf32, #tpu.memory_space<vmem>>) target(%dma_start3A_184 : memref<64x128xf32, #tpu.memory_space<vmem_shared>>) target_semaphore(%run_scoped3A : memref<!tpu.dma_semaphore, #tpu.memory_space<semaphore_mem>>)
        %dma_wait3A = arith.constant 0 : i32
        %dma_wait3A_185 = tpu.memref_slice %arg10[%add3A_153, %dma_wait3A] : memref<10240x128xf32, #tpu.memory_space<vmem_shared>> -> memref<64x128xf32, #tpu.memory_space<vmem_shared>>
        %dma_wait3A_186 = arith.constant 0 : i32
        %dma_wait3A_187 = tpu.memref_slice %arg10[%add3A_153, %dma_wait3A_186] : memref<10240x128xf32, #tpu.memory_space<vmem_shared>> -> memref<64x128xf32, #tpu.memory_space<vmem_shared>>
        tpu.wait_dma2 semaphore(%run_scoped3A : memref<!tpu.dma_semaphore, #tpu.memory_space<semaphore_mem>>) src(%arg9 : memref<64x128xf32, #tpu.memory_space<vmem>>) dst(%dma_wait3A_187 : memref<64x128xf32, #tpu.memory_space<vmem_shared>>)
        tpu.yield
      }) : () -> ()
      %mul3A_154 = arith.constant 640 : i32
      %mul3A_155 = arith.muli %arg1, %mul3A_154 : i32
      %add3A_156 = arith.constant 192 : i32
      %add3A_157 = arith.addi %mul3A_155, %add3A_156 : i32
      "tpu.region"() ({
        %run_scoped3A = tpu.sem_alloc : memref<!tpu.dma_semaphore, #tpu.memory_space<semaphore_mem>>
        %dma_start3A = arith.constant 0 : i32
        %dma_start3A_182 = tpu.memref_slice %arg10[%add3A_157, %dma_start3A] : memref<10240x128xf32, #tpu.memory_space<vmem_shared>> -> memref<64x128xf32, #tpu.memory_space<vmem_shared>>
        %dma_start3A_183 = arith.constant 0 : i32
        %dma_start3A_184 = tpu.memref_slice %arg10[%add3A_157, %dma_start3A_183] : memref<10240x128xf32, #tpu.memory_space<vmem_shared>> -> memref<64x128xf32, #tpu.memory_space<vmem_shared>>
        tpu.enqueue_dma source(%arg9 : memref<64x128xf32, #tpu.memory_space<vmem>>) target(%dma_start3A_184 : memref<64x128xf32, #tpu.memory_space<vmem_shared>>) target_semaphore(%run_scoped3A : memref<!tpu.dma_semaphore, #tpu.memory_space<semaphore_mem>>)
        %dma_wait3A = arith.constant 0 : i32
        %dma_wait3A_185 = tpu.memref_slice %arg10[%add3A_157, %dma_wait3A] : memref<10240x128xf32, #tpu.memory_space<vmem_shared>> -> memref<64x128xf32, #tpu.memory_space<vmem_shared>>
        %dma_wait3A_186 = arith.constant 0 : i32
        %dma_wait3A_187 = tpu.memref_slice %arg10[%add3A_157, %dma_wait3A_186] : memref<10240x128xf32, #tpu.memory_space<vmem_shared>> -> memref<64x128xf32, #tpu.memory_space<vmem_shared>>
        tpu.wait_dma2 semaphore(%run_scoped3A : memref<!tpu.dma_semaphore, #tpu.memory_space<semaphore_mem>>) src(%arg9 : memref<64x128xf32, #tpu.memory_space<vmem>>) dst(%dma_wait3A_187 : memref<64x128xf32, #tpu.memory_space<vmem_shared>>)
        tpu.yield
      }) : () -> ()
      %mul3A_158 = arith.constant 640 : i32
      %mul3A_159 = arith.muli %arg1, %mul3A_158 : i32
      %add3A_160 = arith.constant 256 : i32
      %add3A_161 = arith.addi %mul3A_159, %add3A_160 : i32
      "tpu.region"() ({
        %run_scoped3A = tpu.sem_alloc : memref<!tpu.dma_semaphore, #tpu.memory_space<semaphore_mem>>
        %dma_start3A = arith.constant 0 : i32
        %dma_start3A_182 = tpu.memref_slice %arg10[%add3A_161, %dma_start3A] : memref<10240x128xf32, #tpu.memory_space<vmem_shared>> -> memref<64x128xf32, #tpu.memory_space<vmem_shared>>
        %dma_start3A_183 = arith.constant 0 : i32
        %dma_start3A_184 = tpu.memref_slice %arg10[%add3A_161, %dma_start3A_183] : memref<10240x128xf32, #tpu.memory_space<vmem_shared>> -> memref<64x128xf32, #tpu.memory_space<vmem_shared>>
        tpu.enqueue_dma source(%arg9 : memref<64x128xf32, #tpu.memory_space<vmem>>) target(%dma_start3A_184 : memref<64x128xf32, #tpu.memory_space<vmem_shared>>) target_semaphore(%run_scoped3A : memref<!tpu.dma_semaphore, #tpu.memory_space<semaphore_mem>>)
        %dma_wait3A = arith.constant 0 : i32
        %dma_wait3A_185 = tpu.memref_slice %arg10[%add3A_161, %dma_wait3A] : memref<10240x128xf32, #tpu.memory_space<vmem_shared>> -> memref<64x128xf32, #tpu.memory_space<vmem_shared>>
        %dma_wait3A_186 = arith.constant 0 : i32
        %dma_wait3A_187 = tpu.memref_slice %arg10[%add3A_161, %dma_wait3A_186] : memref<10240x128xf32, #tpu.memory_space<vmem_shared>> -> memref<64x128xf32, #tpu.memory_space<vmem_shared>>
        tpu.wait_dma2 semaphore(%run_scoped3A : memref<!tpu.dma_semaphore, #tpu.memory_space<semaphore_mem>>) src(%arg9 : memref<64x128xf32, #tpu.memory_space<vmem>>) dst(%dma_wait3A_187 : memref<64x128xf32, #tpu.memory_space<vmem_shared>>)
        tpu.yield
      }) : () -> ()
      %mul3A_162 = arith.constant 640 : i32
      %mul3A_163 = arith.muli %arg1, %mul3A_162 : i32
      %add3A_164 = arith.constant 320 : i32
      %add3A_165 = arith.addi %mul3A_163, %add3A_164 : i32
      "tpu.region"() ({
        %run_scoped3A = tpu.sem_alloc : memref<!tpu.dma_semaphore, #tpu.memory_space<semaphore_mem>>
        %dma_start3A = arith.constant 0 : i32
        %dma_start3A_182 = tpu.memref_slice %arg10[%add3A_165, %dma_start3A] : memref<10240x128xf32, #tpu.memory_space<vmem_shared>> -> memref<64x128xf32, #tpu.memory_space<vmem_shared>>
        %dma_start3A_183 = arith.constant 0 : i32
        %dma_start3A_184 = tpu.memref_slice %arg10[%add3A_165, %dma_start3A_183] : memref<10240x128xf32, #tpu.memory_space<vmem_shared>> -> memref<64x128xf32, #tpu.memory_space<vmem_shared>>
        tpu.enqueue_dma source(%arg9 : memref<64x128xf32, #tpu.memory_space<vmem>>) target(%dma_start3A_184 : memref<64x128xf32, #tpu.memory_space<vmem_shared>>) target_semaphore(%run_scoped3A : memref<!tpu.dma_semaphore, #tpu.memory_space<semaphore_mem>>)
        %dma_wait3A = arith.constant 0 : i32
        %dma_wait3A_185 = tpu.memref_slice %arg10[%add3A_165, %dma_wait3A] : memref<10240x128xf32, #tpu.memory_space<vmem_shared>> -> memref<64x128xf32, #tpu.memory_space<vmem_shared>>
        %dma_wait3A_186 = arith.constant 0 : i32
        %dma_wait3A_187 = tpu.memref_slice %arg10[%add3A_165, %dma_wait3A_186] : memref<10240x128xf32, #tpu.memory_space<vmem_shared>> -> memref<64x128xf32, #tpu.memory_space<vmem_shared>>
        tpu.wait_dma2 semaphore(%run_scoped3A : memref<!tpu.dma_semaphore, #tpu.memory_space<semaphore_mem>>) src(%arg9 : memref<64x128xf32, #tpu.memory_space<vmem>>) dst(%dma_wait3A_187 : memref<64x128xf32, #tpu.memory_space<vmem_shared>>)
        tpu.yield
      }) : () -> ()
      %mul3A_166 = arith.constant 640 : i32
      %mul3A_167 = arith.muli %arg1, %mul3A_166 : i32
      %add3A_168 = arith.constant 384 : i32
      %add3A_169 = arith.addi %mul3A_167, %add3A_168 : i32
      "tpu.region"() ({
        %run_scoped3A = tpu.sem_alloc : memref<!tpu.dma_semaphore, #tpu.memory_space<semaphore_mem>>
        %dma_start3A = arith.constant 0 : i32
        %dma_start3A_182 = tpu.memref_slice %arg10[%add3A_169, %dma_start3A] : memref<10240x128xf32, #tpu.memory_space<vmem_shared>> -> memref<64x128xf32, #tpu.memory_space<vmem_shared>>
        %dma_start3A_183 = arith.constant 0 : i32
        %dma_start3A_184 = tpu.memref_slice %arg10[%add3A_169, %dma_start3A_183] : memref<10240x128xf32, #tpu.memory_space<vmem_shared>> -> memref<64x128xf32, #tpu.memory_space<vmem_shared>>
        tpu.enqueue_dma source(%arg9 : memref<64x128xf32, #tpu.memory_space<vmem>>) target(%dma_start3A_184 : memref<64x128xf32, #tpu.memory_space<vmem_shared>>) target_semaphore(%run_scoped3A : memref<!tpu.dma_semaphore, #tpu.memory_space<semaphore_mem>>)
        %dma_wait3A = arith.constant 0 : i32
        %dma_wait3A_185 = tpu.memref_slice %arg10[%add3A_169, %dma_wait3A] : memref<10240x128xf32, #tpu.memory_space<vmem_shared>> -> memref<64x128xf32, #tpu.memory_space<vmem_shared>>
        %dma_wait3A_186 = arith.constant 0 : i32
        %dma_wait3A_187 = tpu.memref_slice %arg10[%add3A_169, %dma_wait3A_186] : memref<10240x128xf32, #tpu.memory_space<vmem_shared>> -> memref<64x128xf32, #tpu.memory_space<vmem_shared>>
        tpu.wait_dma2 semaphore(%run_scoped3A : memref<!tpu.dma_semaphore, #tpu.memory_space<semaphore_mem>>) src(%arg9 : memref<64x128xf32, #tpu.memory_space<vmem>>) dst(%dma_wait3A_187 : memref<64x128xf32, #tpu.memory_space<vmem_shared>>)
        tpu.yield
      }) : () -> ()
      %mul3A_170 = arith.constant 640 : i32
      %mul3A_171 = arith.muli %arg1, %mul3A_170 : i32
      %add3A_172 = arith.constant 448 : i32
      %add3A_173 = arith.addi %mul3A_171, %add3A_172 : i32
      "tpu.region"() ({
        %run_scoped3A = tpu.sem_alloc : memref<!tpu.dma_semaphore, #tpu.memory_space<semaphore_mem>>
        %dma_start3A = arith.constant 0 : i32
        %dma_start3A_182 = tpu.memref_slice %arg10[%add3A_173, %dma_start3A] : memref<10240x128xf32, #tpu.memory_space<vmem_shared>> -> memref<64x128xf32, #tpu.memory_space<vmem_shared>>
        %dma_start3A_183 = arith.constant 0 : i32
        %dma_start3A_184 = tpu.memref_slice %arg10[%add3A_173, %dma_start3A_183] : memref<10240x128xf32, #tpu.memory_space<vmem_shared>> -> memref<64x128xf32, #tpu.memory_space<vmem_shared>>
        tpu.enqueue_dma source(%arg9 : memref<64x128xf32, #tpu.memory_space<vmem>>) target(%dma_start3A_184 : memref<64x128xf32, #tpu.memory_space<vmem_shared>>) target_semaphore(%run_scoped3A : memref<!tpu.dma_semaphore, #tpu.memory_space<semaphore_mem>>)
        %dma_wait3A = arith.constant 0 : i32
        %dma_wait3A_185 = tpu.memref_slice %arg10[%add3A_173, %dma_wait3A] : memref<10240x128xf32, #tpu.memory_space<vmem_shared>> -> memref<64x128xf32, #tpu.memory_space<vmem_shared>>
        %dma_wait3A_186 = arith.constant 0 : i32
        %dma_wait3A_187 = tpu.memref_slice %arg10[%add3A_173, %dma_wait3A_186] : memref<10240x128xf32, #tpu.memory_space<vmem_shared>> -> memref<64x128xf32, #tpu.memory_space<vmem_shared>>
        tpu.wait_dma2 semaphore(%run_scoped3A : memref<!tpu.dma_semaphore, #tpu.memory_space<semaphore_mem>>) src(%arg9 : memref<64x128xf32, #tpu.memory_space<vmem>>) dst(%dma_wait3A_187 : memref<64x128xf32, #tpu.memory_space<vmem_shared>>)
        tpu.yield
      }) : () -> ()
      %mul3A_174 = arith.constant 640 : i32
      %mul3A_175 = arith.muli %arg1, %mul3A_174 : i32
      %add3A_176 = arith.constant 512 : i32
      %add3A_177 = arith.addi %mul3A_175, %add3A_176 : i32
      "tpu.region"() ({
        %run_scoped3A = tpu.sem_alloc : memref<!tpu.dma_semaphore, #tpu.memory_space<semaphore_mem>>
        %dma_start3A = arith.constant 0 : i32
        %dma_start3A_182 = tpu.memref_slice %arg10[%add3A_177, %dma_start3A] : memref<10240x128xf32, #tpu.memory_space<vmem_shared>> -> memref<64x128xf32, #tpu.memory_space<vmem_shared>>
        %dma_start3A_183 = arith.constant 0 : i32
        %dma_start3A_184 = tpu.memref_slice %arg10[%add3A_177, %dma_start3A_183] : memref<10240x128xf32, #tpu.memory_space<vmem_shared>> -> memref<64x128xf32, #tpu.memory_space<vmem_shared>>
        tpu.enqueue_dma source(%arg9 : memref<64x128xf32, #tpu.memory_space<vmem>>) target(%dma_start3A_184 : memref<64x128xf32, #tpu.memory_space<vmem_shared>>) target_semaphore(%run_scoped3A : memref<!tpu.dma_semaphore, #tpu.memory_space<semaphore_mem>>)
        %dma_wait3A = arith.constant 0 : i32
        %dma_wait3A_185 = tpu.memref_slice %arg10[%add3A_177, %dma_wait3A] : memref<10240x128xf32, #tpu.memory_space<vmem_shared>> -> memref<64x128xf32, #tpu.memory_space<vmem_shared>>
        %dma_wait3A_186 = arith.constant 0 : i32
        %dma_wait3A_187 = tpu.memref_slice %arg10[%add3A_177, %dma_wait3A_186] : memref<10240x128xf32, #tpu.memory_space<vmem_shared>> -> memref<64x128xf32, #tpu.memory_space<vmem_shared>>
        tpu.wait_dma2 semaphore(%run_scoped3A : memref<!tpu.dma_semaphore, #tpu.memory_space<semaphore_mem>>) src(%arg9 : memref<64x128xf32, #tpu.memory_space<vmem>>) dst(%dma_wait3A_187 : memref<64x128xf32, #tpu.memory_space<vmem_shared>>)
        tpu.yield
      }) : () -> ()
      %mul3A_178 = arith.constant 640 : i32
      %mul3A_179 = arith.muli %arg1, %mul3A_178 : i32
      %add3A_180 = arith.constant 576 : i32
      %add3A_181 = arith.addi %mul3A_179, %add3A_180 : i32
      "tpu.region"() ({
        %run_scoped3A = tpu.sem_alloc : memref<!tpu.dma_semaphore, #tpu.memory_space<semaphore_mem>>
        %dma_start3A = arith.constant 0 : i32
        %dma_start3A_182 = tpu.memref_slice %arg10[%add3A_181, %dma_start3A] : memref<10240x128xf32, #tpu.memory_space<vmem_shared>> -> memref<64x128xf32, #tpu.memory_space<vmem_shared>>
        %dma_start3A_183 = arith.constant 0 : i32
        %dma_start3A_184 = tpu.memref_slice %arg10[%add3A_181, %dma_start3A_183] : memref<10240x128xf32, #tpu.memory_space<vmem_shared>> -> memref<64x128xf32, #tpu.memory_space<vmem_shared>>
        tpu.enqueue_dma source(%arg9 : memref<64x128xf32, #tpu.memory_space<vmem>>) target(%dma_start3A_184 : memref<64x128xf32, #tpu.memory_space<vmem_shared>>) target_semaphore(%run_scoped3A : memref<!tpu.dma_semaphore, #tpu.memory_space<semaphore_mem>>)
        %dma_wait3A = arith.constant 0 : i32
        %dma_wait3A_185 = tpu.memref_slice %arg10[%add3A_181, %dma_wait3A] : memref<10240x128xf32, #tpu.memory_space<vmem_shared>> -> memref<64x128xf32, #tpu.memory_space<vmem_shared>>
        %dma_wait3A_186 = arith.constant 0 : i32
        %dma_wait3A_187 = tpu.memref_slice %arg10[%add3A_181, %dma_wait3A_186] : memref<10240x128xf32, #tpu.memory_space<vmem_shared>> -> memref<64x128xf32, #tpu.memory_space<vmem_shared>>
        tpu.wait_dma2 semaphore(%run_scoped3A : memref<!tpu.dma_semaphore, #tpu.memory_space<semaphore_mem>>) src(%arg9 : memref<64x128xf32, #tpu.memory_space<vmem>>) dst(%dma_wait3A_187 : memref<64x128xf32, #tpu.memory_space<vmem_shared>>)
        tpu.yield
      }) : () -> ()
    } else {
    }
    %barrier3A = arith.constant 0 : index
    tpu.barrier barrier_id(%barrier3A)
    %eq3A_7 = arith.constant 0 : i32
    %eq3A_8 = arith.cmpi eq, %arg0, %eq3A_7 : i32
    %jit3A = arith.constant 88 : i32
    %jit3A_9 = arith.constant 69 : i32
    %select_n3A = arith.select %eq3A_8, %jit3A, %jit3A_9 : i32
    %while3A = arith.constant 0 : i32
    %while3A_10 = arith.constant 0 : i32
    %while3A_11 = arith.subi %select_n3A, %while3A_10 : i32
    %while3A_12 = arith.addi %while3A_10, %while3A_11 : i32
    %while3A_13 = arith.constant 1 : i32
    %while3A_14 = arith.divsi %while3A_11, %while3A_13 : i32
    %while3A_15 = arith.muli %while3A_14, %while3A_13 : i32
    %while3A_16 = arith.addi %while3A_10, %while3A_15 : i32
    %while3A_17 = arith.constant 1 : i32
    scf.for %while3A_128 = %while3A_10 to %while3A_16 step %while3A_17  : i32 {
      %dma_start3A = arith.constant 0 : i32
      %dma_start3A_129 = tpu.memref_slice %arg6[%while3A_128, %dma_start3A] : memref<88x128xi32, #tpu.memory_space<vmem>> -> memref<1x128xi32, #tpu.memory_space<vmem>>
      %dma_start3A_130 = tpu.memref_squeeze %dma_start3A_129 : memref<1x128xi32, #tpu.memory_space<vmem>> -> memref<128xi32, #tpu.memory_space<vmem>>
      %dma_start3A_131 = arith.constant 0 : i32
      %dma_start3A_132 = arith.constant 0 : i32
      %dma_start3A_133 = tpu.memref_slice %arg2[%dma_start3A_131, %dma_start3A_132] : memref<10240x128xf32, #tpu.memory_space<hbm>> -> memref<10240x128xf32, #tpu.memory_space<hbm>>
      tpu.enqueue_indirect_dma source(%dma_start3A_133 : memref<10240x128xf32, #tpu.memory_space<hbm>>) target(%arg8 : memref<128x128xf32, #tpu.memory_space<vmem>>) offsets(%dma_start3A_130 : memref<128xi32, #tpu.memory_space<vmem>>) semaphore(%arg11 : memref<!tpu.dma_semaphore, #tpu.memory_space<semaphore_mem>>)
      %dma_wait3A = arith.constant 0 : i32
      %dma_wait3A_134 = tpu.memref_slice %arg6[%while3A_128, %dma_wait3A] : memref<88x128xi32, #tpu.memory_space<vmem>> -> memref<1x128xi32, #tpu.memory_space<vmem>>
      %dma_wait3A_135 = tpu.memref_squeeze %dma_wait3A_134 : memref<1x128xi32, #tpu.memory_space<vmem>> -> memref<128xi32, #tpu.memory_space<vmem>>
      %dma_wait3A_136 = arith.constant 0 : i32
      %dma_wait3A_137 = arith.constant 0 : i32
      %dma_wait3A_138 = tpu.memref_slice %arg2[%dma_wait3A_136, %dma_wait3A_137] : memref<10240x128xf32, #tpu.memory_space<hbm>> -> memref<10240x128xf32, #tpu.memory_space<hbm>>
      tpu.wait_indirect_dma semaphore(%arg11 : memref<!tpu.dma_semaphore, #tpu.memory_space<semaphore_mem>>) src(%dma_wait3A_138 : memref<10240x128xf32, #tpu.memory_space<hbm>>) dst(%arg8 : memref<128x128xf32, #tpu.memory_space<vmem>>)
      "tpu.region"() ({
        %run_scoped3A = tpu.sem_alloc : memref<!tpu.dma_semaphore, #tpu.memory_space<semaphore_mem>>
        %dma_start3A_139 = arith.constant 0 : i32
        %dma_start3A_140 = tpu.memref_slice %arg7[%while3A_128, %dma_start3A_139] : memref<88x128xi32, #tpu.memory_space<vmem>> -> memref<1x128xi32, #tpu.memory_space<vmem>>
        %dma_start3A_141 = tpu.memref_squeeze %dma_start3A_140 : memref<1x128xi32, #tpu.memory_space<vmem>> -> memref<128xi32, #tpu.memory_space<vmem>>
        %dma_start3A_142 = arith.constant 0 : i32
        %dma_start3A_143 = arith.constant 0 : i32
        %dma_start3A_144 = tpu.memref_slice %arg10[%dma_start3A_142, %dma_start3A_143] : memref<10240x128xf32, #tpu.memory_space<vmem_shared>> -> memref<10240x128xf32, #tpu.memory_space<vmem_shared>>
        tpu.enqueue_indirect_dma source(%arg8 : memref<128x128xf32, #tpu.memory_space<vmem>>) target(%dma_start3A_144 : memref<10240x128xf32, #tpu.memory_space<vmem_shared>>) offsets(%dma_start3A_141 : memref<128xi32, #tpu.memory_space<vmem>>) semaphore(%run_scoped3A : memref<!tpu.dma_semaphore, #tpu.memory_space<semaphore_mem>>) {add = true}
        %dma_wait3A_145 = arith.constant 0 : i32
        %dma_wait3A_146 = tpu.memref_slice %arg7[%while3A_128, %dma_wait3A_145] : memref<88x128xi32, #tpu.memory_space<vmem>> -> memref<1x128xi32, #tpu.memory_space<vmem>>
        %dma_wait3A_147 = tpu.memref_squeeze %dma_wait3A_146 : memref<1x128xi32, #tpu.memory_space<vmem>> -> memref<128xi32, #tpu.memory_space<vmem>>
        %dma_wait3A_148 = arith.constant 0 : i32
        %dma_wait3A_149 = arith.constant 0 : i32
        %dma_wait3A_150 = tpu.memref_slice %arg10[%dma_wait3A_148, %dma_wait3A_149] : memref<10240x128xf32, #tpu.memory_space<vmem_shared>> -> memref<10240x128xf32, #tpu.memory_space<vmem_shared>>
        tpu.wait_indirect_dma semaphore(%run_scoped3A : memref<!tpu.dma_semaphore, #tpu.memory_space<semaphore_mem>>) src(%arg8 : memref<128x128xf32, #tpu.memory_space<vmem>>) dst(%dma_wait3A_150 : memref<10240x128xf32, #tpu.memory_space<vmem_shared>>)
        tpu.yield
      }) : () -> ()
    }
    %while3A_18 = arith.constant 1 : i32
    scf.for %while3A_128 = %while3A_16 to %while3A_12 step %while3A_18  : i32 {
      %dma_start3A = arith.constant 0 : i32
      %dma_start3A_129 = tpu.memref_slice %arg6[%while3A_128, %dma_start3A] : memref<88x128xi32, #tpu.memory_space<vmem>> -> memref<1x128xi32, #tpu.memory_space<vmem>>
      %dma_start3A_130 = tpu.memref_squeeze %dma_start3A_129 : memref<1x128xi32, #tpu.memory_space<vmem>> -> memref<128xi32, #tpu.memory_space<vmem>>
      %dma_start3A_131 = arith.constant 0 : i32
      %dma_start3A_132 = arith.constant 0 : i32
      %dma_start3A_133 = tpu.memref_slice %arg2[%dma_start3A_131, %dma_start3A_132] : memref<10240x128xf32, #tpu.memory_space<hbm>> -> memref<10240x128xf32, #tpu.memory_space<hbm>>
      tpu.enqueue_indirect_dma source(%dma_start3A_133 : memref<10240x128xf32, #tpu.memory_space<hbm>>) target(%arg8 : memref<128x128xf32, #tpu.memory_space<vmem>>) offsets(%dma_start3A_130 : memref<128xi32, #tpu.memory_space<vmem>>) semaphore(%arg11 : memref<!tpu.dma_semaphore, #tpu.memory_space<semaphore_mem>>)
      %dma_wait3A = arith.constant 0 : i32
      %dma_wait3A_134 = tpu.memref_slice %arg6[%while3A_128, %dma_wait3A] : memref<88x128xi32, #tpu.memory_space<vmem>> -> memref<1x128xi32, #tpu.memory_space<vmem>>
      %dma_wait3A_135 = tpu.memref_squeeze %dma_wait3A_134 : memref<1x128xi32, #tpu.memory_space<vmem>> -> memref<128xi32, #tpu.memory_space<vmem>>
      %dma_wait3A_136 = arith.constant 0 : i32
      %dma_wait3A_137 = arith.constant 0 : i32
      %dma_wait3A_138 = tpu.memref_slice %arg2[%dma_wait3A_136, %dma_wait3A_137] : memref<10240x128xf32, #tpu.memory_space<hbm>> -> memref<10240x128xf32, #tpu.memory_space<hbm>>
      tpu.wait_indirect_dma semaphore(%arg11 : memref<!tpu.dma_semaphore, #tpu.memory_space<semaphore_mem>>) src(%dma_wait3A_138 : memref<10240x128xf32, #tpu.memory_space<hbm>>) dst(%arg8 : memref<128x128xf32, #tpu.memory_space<vmem>>)
      "tpu.region"() ({
        %run_scoped3A = tpu.sem_alloc : memref<!tpu.dma_semaphore, #tpu.memory_space<semaphore_mem>>
        %dma_start3A_139 = arith.constant 0 : i32
        %dma_start3A_140 = tpu.memref_slice %arg7[%while3A_128, %dma_start3A_139] : memref<88x128xi32, #tpu.memory_space<vmem>> -> memref<1x128xi32, #tpu.memory_space<vmem>>
        %dma_start3A_141 = tpu.memref_squeeze %dma_start3A_140 : memref<1x128xi32, #tpu.memory_space<vmem>> -> memref<128xi32, #tpu.memory_space<vmem>>
        %dma_start3A_142 = arith.constant 0 : i32
        %dma_start3A_143 = arith.constant 0 : i32
        %dma_start3A_144 = tpu.memref_slice %arg10[%dma_start3A_142, %dma_start3A_143] : memref<10240x128xf32, #tpu.memory_space<vmem_shared>> -> memref<10240x128xf32, #tpu.memory_space<vmem_shared>>
        tpu.enqueue_indirect_dma source(%arg8 : memref<128x128xf32, #tpu.memory_space<vmem>>) target(%dma_start3A_144 : memref<10240x128xf32, #tpu.memory_space<vmem_shared>>) offsets(%dma_start3A_141 : memref<128xi32, #tpu.memory_space<vmem>>) semaphore(%run_scoped3A : memref<!tpu.dma_semaphore, #tpu.memory_space<semaphore_mem>>) {add = true}
        %dma_wait3A_145 = arith.constant 0 : i32
        %dma_wait3A_146 = tpu.memref_slice %arg7[%while3A_128, %dma_wait3A_145] : memref<88x128xi32, #tpu.memory_space<vmem>> -> memref<1x128xi32, #tpu.memory_space<vmem>>
        %dma_wait3A_147 = tpu.memref_squeeze %dma_wait3A_146 : memref<1x128xi32, #tpu.memory_space<vmem>> -> memref<128xi32, #tpu.memory_space<vmem>>
        %dma_wait3A_148 = arith.constant 0 : i32
        %dma_wait3A_149 = arith.constant 0 : i32
        %dma_wait3A_150 = tpu.memref_slice %arg10[%dma_wait3A_148, %dma_wait3A_149] : memref<10240x128xf32, #tpu.memory_space<vmem_shared>> -> memref<10240x128xf32, #tpu.memory_space<vmem_shared>>
        tpu.wait_indirect_dma semaphore(%run_scoped3A : memref<!tpu.dma_semaphore, #tpu.memory_space<semaphore_mem>>) src(%arg8 : memref<128x128xf32, #tpu.memory_space<vmem>>) dst(%dma_wait3A_150 : memref<10240x128xf32, #tpu.memory_space<vmem_shared>>)
        tpu.yield
      }) : () -> ()
    }
    %barrier3A_19 = arith.constant 0 : index
    tpu.barrier barrier_id(%barrier3A_19)
    %mul3A = arith.constant 640 : i32
    %mul3A_20 = arith.muli %arg1, %mul3A : i32
    %add3A = arith.constant 0 : i32
    %add3A_21 = arith.addi %mul3A_20, %add3A : i32
    "tpu.region"() ({
      %run_scoped3A = tpu.sem_alloc : memref<!tpu.dma_semaphore, #tpu.memory_space<semaphore_mem>>
      %dma_start3A = arith.constant 0 : i32
      %dma_start3A_128 = tpu.memref_slice %arg10[%add3A_21, %dma_start3A] : memref<10240x128xf32, #tpu.memory_space<vmem_shared>> -> memref<64x128xf32, #tpu.memory_space<vmem_shared>>
      %dma_start3A_129 = arith.constant 0 : i32
      %dma_start3A_130 = tpu.memref_slice %arg10[%add3A_21, %dma_start3A_129] : memref<10240x128xf32, #tpu.memory_space<vmem_shared>> -> memref<64x128xf32, #tpu.memory_space<vmem_shared>>
      tpu.enqueue_dma source(%dma_start3A_130 : memref<64x128xf32, #tpu.memory_space<vmem_shared>>) target(%arg9 : memref<64x128xf32, #tpu.memory_space<vmem>>) target_semaphore(%run_scoped3A : memref<!tpu.dma_semaphore, #tpu.memory_space<semaphore_mem>>)
      %dma_wait3A = arith.constant 0 : i32
      %dma_wait3A_131 = tpu.memref_slice %arg10[%add3A_21, %dma_wait3A] : memref<10240x128xf32, #tpu.memory_space<vmem_shared>> -> memref<64x128xf32, #tpu.memory_space<vmem_shared>>
      %dma_wait3A_132 = arith.constant 0 : i32
      %dma_wait3A_133 = tpu.memref_slice %arg10[%add3A_21, %dma_wait3A_132] : memref<10240x128xf32, #tpu.memory_space<vmem_shared>> -> memref<64x128xf32, #tpu.memory_space<vmem_shared>>
      tpu.wait_dma2 semaphore(%run_scoped3A : memref<!tpu.dma_semaphore, #tpu.memory_space<semaphore_mem>>) src(%dma_wait3A_133 : memref<64x128xf32, #tpu.memory_space<vmem_shared>>) dst(%arg9 : memref<64x128xf32, #tpu.memory_space<vmem>>)
      tpu.yield
    }) : () -> ()
    %mul3A_22 = arith.constant 10240 : i32
    %mul3A_23 = arith.muli %arg0, %mul3A_22 : i32
    %mul3A_24 = arith.constant 640 : i32
    %mul3A_25 = arith.muli %arg1, %mul3A_24 : i32
    %add3A_26 = arith.addi %mul3A_23, %mul3A_25 : i32
    %add3A_27 = arith.constant 0 : i32
    %add3A_28 = arith.addi %add3A_26, %add3A_27 : i32
    "tpu.region"() ({
      %run_scoped3A = tpu.sem_alloc : memref<!tpu.dma_semaphore, #tpu.memory_space<semaphore_mem>>
      %dma_start3A = arith.constant 0 : i32
      %dma_start3A_128 = tpu.memref_slice %arg5[%add3A_28, %dma_start3A] : memref<20480x128xf32, #tpu.memory_space<hbm>> -> memref<64x128xf32, #tpu.memory_space<hbm>>
      %dma_start3A_129 = arith.constant 0 : i32
      %dma_start3A_130 = tpu.memref_slice %arg5[%add3A_28, %dma_start3A_129] : memref<20480x128xf32, #tpu.memory_space<hbm>> -> memref<64x128xf32, #tpu.memory_space<hbm>>
      tpu.enqueue_dma source(%arg9 : memref<64x128xf32, #tpu.memory_space<vmem>>) target(%dma_start3A_130 : memref<64x128xf32, #tpu.memory_space<hbm>>) target_semaphore(%run_scoped3A : memref<!tpu.dma_semaphore, #tpu.memory_space<semaphore_mem>>)
      %dma_wait3A = arith.constant 0 : i32
      %dma_wait3A_131 = tpu.memref_slice %arg5[%add3A_28, %dma_wait3A] : memref<20480x128xf32, #tpu.memory_space<hbm>> -> memref<64x128xf32, #tpu.memory_space<hbm>>
      %dma_wait3A_132 = arith.constant 0 : i32
      %dma_wait3A_133 = tpu.memref_slice %arg5[%add3A_28, %dma_wait3A_132] : memref<20480x128xf32, #tpu.memory_space<hbm>> -> memref<64x128xf32, #tpu.memory_space<hbm>>
      tpu.wait_dma2 semaphore(%run_scoped3A : memref<!tpu.dma_semaphore, #tpu.memory_space<semaphore_mem>>) src(%arg9 : memref<64x128xf32, #tpu.memory_space<vmem>>) dst(%dma_wait3A_133 : memref<64x128xf32, #tpu.memory_space<hbm>>)
      tpu.yield
    }) : () -> ()
    %mul3A_29 = arith.constant 640 : i32
    %mul3A_30 = arith.muli %arg1, %mul3A_29 : i32
    %add3A_31 = arith.constant 64 : i32
    %add3A_32 = arith.addi %mul3A_30, %add3A_31 : i32
    "tpu.region"() ({
      %run_scoped3A = tpu.sem_alloc : memref<!tpu.dma_semaphore, #tpu.memory_space<semaphore_mem>>
      %dma_start3A = arith.constant 0 : i32
      %dma_start3A_128 = tpu.memref_slice %arg10[%add3A_32, %dma_start3A] : memref<10240x128xf32, #tpu.memory_space<vmem_shared>> -> memref<64x128xf32, #tpu.memory_space<vmem_shared>>
      %dma_start3A_129 = arith.constant 0 : i32
      %dma_start3A_130 = tpu.memref_slice %arg10[%add3A_32, %dma_start3A_129] : memref<10240x128xf32, #tpu.memory_space<vmem_shared>> -> memref<64x128xf32, #tpu.memory_space<vmem_shared>>
      tpu.enqueue_dma source(%dma_start3A_130 : memref<64x128xf32, #tpu.memory_space<vmem_shared>>) target(%arg9 : memref<64x128xf32, #tpu.memory_space<vmem>>) target_semaphore(%run_scoped3A : memref<!tpu.dma_semaphore, #tpu.memory_space<semaphore_mem>>)
      %dma_wait3A = arith.constant 0 : i32
      %dma_wait3A_131 = tpu.memref_slice %arg10[%add3A_32, %dma_wait3A] : memref<10240x128xf32, #tpu.memory_space<vmem_shared>> -> memref<64x128xf32, #tpu.memory_space<vmem_shared>>
      %dma_wait3A_132 = arith.constant 0 : i32
      %dma_wait3A_133 = tpu.memref_slice %arg10[%add3A_32, %dma_wait3A_132] : memref<10240x128xf32, #tpu.memory_space<vmem_shared>> -> memref<64x128xf32, #tpu.memory_space<vmem_shared>>
      tpu.wait_dma2 semaphore(%run_scoped3A : memref<!tpu.dma_semaphore, #tpu.memory_space<semaphore_mem>>) src(%dma_wait3A_133 : memref<64x128xf32, #tpu.memory_space<vmem_shared>>) dst(%arg9 : memref<64x128xf32, #tpu.memory_space<vmem>>)
      tpu.yield
    }) : () -> ()
    %mul3A_33 = arith.constant 10240 : i32
    %mul3A_34 = arith.muli %arg0, %mul3A_33 : i32
    %mul3A_35 = arith.constant 640 : i32
    %mul3A_36 = arith.muli %arg1, %mul3A_35 : i32
    %add3A_37 = arith.addi %mul3A_34, %mul3A_36 : i32
    %add3A_38 = arith.constant 64 : i32
    %add3A_39 = arith.addi %add3A_37, %add3A_38 : i32
    "tpu.region"() ({
      %run_scoped3A = tpu.sem_alloc : memref<!tpu.dma_semaphore, #tpu.memory_space<semaphore_mem>>
      %dma_start3A = arith.constant 0 : i32
      %dma_start3A_128 = tpu.memref_slice %arg5[%add3A_39, %dma_start3A] : memref<20480x128xf32, #tpu.memory_space<hbm>> -> memref<64x128xf32, #tpu.memory_space<hbm>>
      %dma_start3A_129 = arith.constant 0 : i32
      %dma_start3A_130 = tpu.memref_slice %arg5[%add3A_39, %dma_start3A_129] : memref<20480x128xf32, #tpu.memory_space<hbm>> -> memref<64x128xf32, #tpu.memory_space<hbm>>
      tpu.enqueue_dma source(%arg9 : memref<64x128xf32, #tpu.memory_space<vmem>>) target(%dma_start3A_130 : memref<64x128xf32, #tpu.memory_space<hbm>>) target_semaphore(%run_scoped3A : memref<!tpu.dma_semaphore, #tpu.memory_space<semaphore_mem>>)
      %dma_wait3A = arith.constant 0 : i32
      %dma_wait3A_131 = tpu.memref_slice %arg5[%add3A_39, %dma_wait3A] : memref<20480x128xf32, #tpu.memory_space<hbm>> -> memref<64x128xf32, #tpu.memory_space<hbm>>
      %dma_wait3A_132 = arith.constant 0 : i32
      %dma_wait3A_133 = tpu.memref_slice %arg5[%add3A_39, %dma_wait3A_132] : memref<20480x128xf32, #tpu.memory_space<hbm>> -> memref<64x128xf32, #tpu.memory_space<hbm>>
      tpu.wait_dma2 semaphore(%run_scoped3A : memref<!tpu.dma_semaphore, #tpu.memory_space<semaphore_mem>>) src(%arg9 : memref<64x128xf32, #tpu.memory_space<vmem>>) dst(%dma_wait3A_133 : memref<64x128xf32, #tpu.memory_space<hbm>>)
      tpu.yield
    }) : () -> ()
    %mul3A_40 = arith.constant 640 : i32
    %mul3A_41 = arith.muli %arg1, %mul3A_40 : i32
    %add3A_42 = arith.constant 128 : i32
    %add3A_43 = arith.addi %mul3A_41, %add3A_42 : i32
    "tpu.region"() ({
      %run_scoped3A = tpu.sem_alloc : memref<!tpu.dma_semaphore, #tpu.memory_space<semaphore_mem>>
      %dma_start3A = arith.constant 0 : i32
      %dma_start3A_128 = tpu.memref_slice %arg10[%add3A_43, %dma_start3A] : memref<10240x128xf32, #tpu.memory_space<vmem_shared>> -> memref<64x128xf32, #tpu.memory_space<vmem_shared>>
      %dma_start3A_129 = arith.constant 0 : i32
      %dma_start3A_130 = tpu.memref_slice %arg10[%add3A_43, %dma_start3A_129] : memref<10240x128xf32, #tpu.memory_space<vmem_shared>> -> memref<64x128xf32, #tpu.memory_space<vmem_shared>>
      tpu.enqueue_dma source(%dma_start3A_130 : memref<64x128xf32, #tpu.memory_space<vmem_shared>>) target(%arg9 : memref<64x128xf32, #tpu.memory_space<vmem>>) target_semaphore(%run_scoped3A : memref<!tpu.dma_semaphore, #tpu.memory_space<semaphore_mem>>)
      %dma_wait3A = arith.constant 0 : i32
      %dma_wait3A_131 = tpu.memref_slice %arg10[%add3A_43, %dma_wait3A] : memref<10240x128xf32, #tpu.memory_space<vmem_shared>> -> memref<64x128xf32, #tpu.memory_space<vmem_shared>>
      %dma_wait3A_132 = arith.constant 0 : i32
      %dma_wait3A_133 = tpu.memref_slice %arg10[%add3A_43, %dma_wait3A_132] : memref<10240x128xf32, #tpu.memory_space<vmem_shared>> -> memref<64x128xf32, #tpu.memory_space<vmem_shared>>
      tpu.wait_dma2 semaphore(%run_scoped3A : memref<!tpu.dma_semaphore, #tpu.memory_space<semaphore_mem>>) src(%dma_wait3A_133 : memref<64x128xf32, #tpu.memory_space<vmem_shared>>) dst(%arg9 : memref<64x128xf32, #tpu.memory_space<vmem>>)
      tpu.yield
    }) : () -> ()
    %mul3A_44 = arith.constant 10240 : i32
    %mul3A_45 = arith.muli %arg0, %mul3A_44 : i32
    %mul3A_46 = arith.constant 640 : i32
    %mul3A_47 = arith.muli %arg1, %mul3A_46 : i32
    %add3A_48 = arith.addi %mul3A_45, %mul3A_47 : i32
    %add3A_49 = arith.constant 128 : i32
    %add3A_50 = arith.addi %add3A_48, %add3A_49 : i32
    "tpu.region"() ({
      %run_scoped3A = tpu.sem_alloc : memref<!tpu.dma_semaphore, #tpu.memory_space<semaphore_mem>>
      %dma_start3A = arith.constant 0 : i32
      %dma_start3A_128 = tpu.memref_slice %arg5[%add3A_50, %dma_start3A] : memref<20480x128xf32, #tpu.memory_space<hbm>> -> memref<64x128xf32, #tpu.memory_space<hbm>>
      %dma_start3A_129 = arith.constant 0 : i32
      %dma_start3A_130 = tpu.memref_slice %arg5[%add3A_50, %dma_start3A_129] : memref<20480x128xf32, #tpu.memory_space<hbm>> -> memref<64x128xf32, #tpu.memory_space<hbm>>
      tpu.enqueue_dma source(%arg9 : memref<64x128xf32, #tpu.memory_space<vmem>>) target(%dma_start3A_130 : memref<64x128xf32, #tpu.memory_space<hbm>>) target_semaphore(%run_scoped3A : memref<!tpu.dma_semaphore, #tpu.memory_space<semaphore_mem>>)
      %dma_wait3A = arith.constant 0 : i32
      %dma_wait3A_131 = tpu.memref_slice %arg5[%add3A_50, %dma_wait3A] : memref<20480x128xf32, #tpu.memory_space<hbm>> -> memref<64x128xf32, #tpu.memory_space<hbm>>
      %dma_wait3A_132 = arith.constant 0 : i32
      %dma_wait3A_133 = tpu.memref_slice %arg5[%add3A_50, %dma_wait3A_132] : memref<20480x128xf32, #tpu.memory_space<hbm>> -> memref<64x128xf32, #tpu.memory_space<hbm>>
      tpu.wait_dma2 semaphore(%run_scoped3A : memref<!tpu.dma_semaphore, #tpu.memory_space<semaphore_mem>>) src(%arg9 : memref<64x128xf32, #tpu.memory_space<vmem>>) dst(%dma_wait3A_133 : memref<64x128xf32, #tpu.memory_space<hbm>>)
      tpu.yield
    }) : () -> ()
    %mul3A_51 = arith.constant 640 : i32
    %mul3A_52 = arith.muli %arg1, %mul3A_51 : i32
    %add3A_53 = arith.constant 192 : i32
    %add3A_54 = arith.addi %mul3A_52, %add3A_53 : i32
    "tpu.region"() ({
      %run_scoped3A = tpu.sem_alloc : memref<!tpu.dma_semaphore, #tpu.memory_space<semaphore_mem>>
      %dma_start3A = arith.constant 0 : i32
      %dma_start3A_128 = tpu.memref_slice %arg10[%add3A_54, %dma_start3A] : memref<10240x128xf32, #tpu.memory_space<vmem_shared>> -> memref<64x128xf32, #tpu.memory_space<vmem_shared>>
      %dma_start3A_129 = arith.constant 0 : i32
      %dma_start3A_130 = tpu.memref_slice %arg10[%add3A_54, %dma_start3A_129] : memref<10240x128xf32, #tpu.memory_space<vmem_shared>> -> memref<64x128xf32, #tpu.memory_space<vmem_shared>>
      tpu.enqueue_dma source(%dma_start3A_130 : memref<64x128xf32, #tpu.memory_space<vmem_shared>>) target(%arg9 : memref<64x128xf32, #tpu.memory_space<vmem>>) target_semaphore(%run_scoped3A : memref<!tpu.dma_semaphore, #tpu.memory_space<semaphore_mem>>)
      %dma_wait3A = arith.constant 0 : i32
      %dma_wait3A_131 = tpu.memref_slice %arg10[%add3A_54, %dma_wait3A] : memref<10240x128xf32, #tpu.memory_space<vmem_shared>> -> memref<64x128xf32, #tpu.memory_space<vmem_shared>>
      %dma_wait3A_132 = arith.constant 0 : i32
      %dma_wait3A_133 = tpu.memref_slice %arg10[%add3A_54, %dma_wait3A_132] : memref<10240x128xf32, #tpu.memory_space<vmem_shared>> -> memref<64x128xf32, #tpu.memory_space<vmem_shared>>
      tpu.wait_dma2 semaphore(%run_scoped3A : memref<!tpu.dma_semaphore, #tpu.memory_space<semaphore_mem>>) src(%dma_wait3A_133 : memref<64x128xf32, #tpu.memory_space<vmem_shared>>) dst(%arg9 : memref<64x128xf32, #tpu.memory_space<vmem>>)
      tpu.yield
    }) : () -> ()
    %mul3A_55 = arith.constant 10240 : i32
    %mul3A_56 = arith.muli %arg0, %mul3A_55 : i32
    %mul3A_57 = arith.constant 640 : i32
    %mul3A_58 = arith.muli %arg1, %mul3A_57 : i32
    %add3A_59 = arith.addi %mul3A_56, %mul3A_58 : i32
    %add3A_60 = arith.constant 192 : i32
    %add3A_61 = arith.addi %add3A_59, %add3A_60 : i32
    "tpu.region"() ({
      %run_scoped3A = tpu.sem_alloc : memref<!tpu.dma_semaphore, #tpu.memory_space<semaphore_mem>>
      %dma_start3A = arith.constant 0 : i32
      %dma_start3A_128 = tpu.memref_slice %arg5[%add3A_61, %dma_start3A] : memref<20480x128xf32, #tpu.memory_space<hbm>> -> memref<64x128xf32, #tpu.memory_space<hbm>>
      %dma_start3A_129 = arith.constant 0 : i32
      %dma_start3A_130 = tpu.memref_slice %arg5[%add3A_61, %dma_start3A_129] : memref<20480x128xf32, #tpu.memory_space<hbm>> -> memref<64x128xf32, #tpu.memory_space<hbm>>
      tpu.enqueue_dma source(%arg9 : memref<64x128xf32, #tpu.memory_space<vmem>>) target(%dma_start3A_130 : memref<64x128xf32, #tpu.memory_space<hbm>>) target_semaphore(%run_scoped3A : memref<!tpu.dma_semaphore, #tpu.memory_space<semaphore_mem>>)
      %dma_wait3A = arith.constant 0 : i32
      %dma_wait3A_131 = tpu.memref_slice %arg5[%add3A_61, %dma_wait3A] : memref<20480x128xf32, #tpu.memory_space<hbm>> -> memref<64x128xf32, #tpu.memory_space<hbm>>
      %dma_wait3A_132 = arith.constant 0 : i32
      %dma_wait3A_133 = tpu.memref_slice %arg5[%add3A_61, %dma_wait3A_132] : memref<20480x128xf32, #tpu.memory_space<hbm>> -> memref<64x128xf32, #tpu.memory_space<hbm>>
      tpu.wait_dma2 semaphore(%run_scoped3A : memref<!tpu.dma_semaphore, #tpu.memory_space<semaphore_mem>>) src(%arg9 : memref<64x128xf32, #tpu.memory_space<vmem>>) dst(%dma_wait3A_133 : memref<64x128xf32, #tpu.memory_space<hbm>>)
      tpu.yield
    }) : () -> ()
    %mul3A_62 = arith.constant 640 : i32
    %mul3A_63 = arith.muli %arg1, %mul3A_62 : i32
    %add3A_64 = arith.constant 256 : i32
    %add3A_65 = arith.addi %mul3A_63, %add3A_64 : i32
    "tpu.region"() ({
      %run_scoped3A = tpu.sem_alloc : memref<!tpu.dma_semaphore, #tpu.memory_space<semaphore_mem>>
      %dma_start3A = arith.constant 0 : i32
      %dma_start3A_128 = tpu.memref_slice %arg10[%add3A_65, %dma_start3A] : memref<10240x128xf32, #tpu.memory_space<vmem_shared>> -> memref<64x128xf32, #tpu.memory_space<vmem_shared>>
      %dma_start3A_129 = arith.constant 0 : i32
      %dma_start3A_130 = tpu.memref_slice %arg10[%add3A_65, %dma_start3A_129] : memref<10240x128xf32, #tpu.memory_space<vmem_shared>> -> memref<64x128xf32, #tpu.memory_space<vmem_shared>>
      tpu.enqueue_dma source(%dma_start3A_130 : memref<64x128xf32, #tpu.memory_space<vmem_shared>>) target(%arg9 : memref<64x128xf32, #tpu.memory_space<vmem>>) target_semaphore(%run_scoped3A : memref<!tpu.dma_semaphore, #tpu.memory_space<semaphore_mem>>)
      %dma_wait3A = arith.constant 0 : i32
      %dma_wait3A_131 = tpu.memref_slice %arg10[%add3A_65, %dma_wait3A] : memref<10240x128xf32, #tpu.memory_space<vmem_shared>> -> memref<64x128xf32, #tpu.memory_space<vmem_shared>>
      %dma_wait3A_132 = arith.constant 0 : i32
      %dma_wait3A_133 = tpu.memref_slice %arg10[%add3A_65, %dma_wait3A_132] : memref<10240x128xf32, #tpu.memory_space<vmem_shared>> -> memref<64x128xf32, #tpu.memory_space<vmem_shared>>
      tpu.wait_dma2 semaphore(%run_scoped3A : memref<!tpu.dma_semaphore, #tpu.memory_space<semaphore_mem>>) src(%dma_wait3A_133 : memref<64x128xf32, #tpu.memory_space<vmem_shared>>) dst(%arg9 : memref<64x128xf32, #tpu.memory_space<vmem>>)
      tpu.yield
    }) : () -> ()
    %mul3A_66 = arith.constant 10240 : i32
    %mul3A_67 = arith.muli %arg0, %mul3A_66 : i32
    %mul3A_68 = arith.constant 640 : i32
    %mul3A_69 = arith.muli %arg1, %mul3A_68 : i32
    %add3A_70 = arith.addi %mul3A_67, %mul3A_69 : i32
    %add3A_71 = arith.constant 256 : i32
    %add3A_72 = arith.addi %add3A_70, %add3A_71 : i32
    "tpu.region"() ({
      %run_scoped3A = tpu.sem_alloc : memref<!tpu.dma_semaphore, #tpu.memory_space<semaphore_mem>>
      %dma_start3A = arith.constant 0 : i32
      %dma_start3A_128 = tpu.memref_slice %arg5[%add3A_72, %dma_start3A] : memref<20480x128xf32, #tpu.memory_space<hbm>> -> memref<64x128xf32, #tpu.memory_space<hbm>>
      %dma_start3A_129 = arith.constant 0 : i32
      %dma_start3A_130 = tpu.memref_slice %arg5[%add3A_72, %dma_start3A_129] : memref<20480x128xf32, #tpu.memory_space<hbm>> -> memref<64x128xf32, #tpu.memory_space<hbm>>
      tpu.enqueue_dma source(%arg9 : memref<64x128xf32, #tpu.memory_space<vmem>>) target(%dma_start3A_130 : memref<64x128xf32, #tpu.memory_space<hbm>>) target_semaphore(%run_scoped3A : memref<!tpu.dma_semaphore, #tpu.memory_space<semaphore_mem>>)
      %dma_wait3A = arith.constant 0 : i32
      %dma_wait3A_131 = tpu.memref_slice %arg5[%add3A_72, %dma_wait3A] : memref<20480x128xf32, #tpu.memory_space<hbm>> -> memref<64x128xf32, #tpu.memory_space<hbm>>
      %dma_wait3A_132 = arith.constant 0 : i32
      %dma_wait3A_133 = tpu.memref_slice %arg5[%add3A_72, %dma_wait3A_132] : memref<20480x128xf32, #tpu.memory_space<hbm>> -> memref<64x128xf32, #tpu.memory_space<hbm>>
      tpu.wait_dma2 semaphore(%run_scoped3A : memref<!tpu.dma_semaphore, #tpu.memory_space<semaphore_mem>>) src(%arg9 : memref<64x128xf32, #tpu.memory_space<vmem>>) dst(%dma_wait3A_133 : memref<64x128xf32, #tpu.memory_space<hbm>>)
      tpu.yield
    }) : () -> ()
    %mul3A_73 = arith.constant 640 : i32
    %mul3A_74 = arith.muli %arg1, %mul3A_73 : i32
    %add3A_75 = arith.constant 320 : i32
    %add3A_76 = arith.addi %mul3A_74, %add3A_75 : i32
    "tpu.region"() ({
      %run_scoped3A = tpu.sem_alloc : memref<!tpu.dma_semaphore, #tpu.memory_space<semaphore_mem>>
      %dma_start3A = arith.constant 0 : i32
      %dma_start3A_128 = tpu.memref_slice %arg10[%add3A_76, %dma_start3A] : memref<10240x128xf32, #tpu.memory_space<vmem_shared>> -> memref<64x128xf32, #tpu.memory_space<vmem_shared>>
      %dma_start3A_129 = arith.constant 0 : i32
      %dma_start3A_130 = tpu.memref_slice %arg10[%add3A_76, %dma_start3A_129] : memref<10240x128xf32, #tpu.memory_space<vmem_shared>> -> memref<64x128xf32, #tpu.memory_space<vmem_shared>>
      tpu.enqueue_dma source(%dma_start3A_130 : memref<64x128xf32, #tpu.memory_space<vmem_shared>>) target(%arg9 : memref<64x128xf32, #tpu.memory_space<vmem>>) target_semaphore(%run_scoped3A : memref<!tpu.dma_semaphore, #tpu.memory_space<semaphore_mem>>)
      %dma_wait3A = arith.constant 0 : i32
      %dma_wait3A_131 = tpu.memref_slice %arg10[%add3A_76, %dma_wait3A] : memref<10240x128xf32, #tpu.memory_space<vmem_shared>> -> memref<64x128xf32, #tpu.memory_space<vmem_shared>>
      %dma_wait3A_132 = arith.constant 0 : i32
      %dma_wait3A_133 = tpu.memref_slice %arg10[%add3A_76, %dma_wait3A_132] : memref<10240x128xf32, #tpu.memory_space<vmem_shared>> -> memref<64x128xf32, #tpu.memory_space<vmem_shared>>
      tpu.wait_dma2 semaphore(%run_scoped3A : memref<!tpu.dma_semaphore, #tpu.memory_space<semaphore_mem>>) src(%dma_wait3A_133 : memref<64x128xf32, #tpu.memory_space<vmem_shared>>) dst(%arg9 : memref<64x128xf32, #tpu.memory_space<vmem>>)
      tpu.yield
    }) : () -> ()
    %mul3A_77 = arith.constant 10240 : i32
    %mul3A_78 = arith.muli %arg0, %mul3A_77 : i32
    %mul3A_79 = arith.constant 640 : i32
    %mul3A_80 = arith.muli %arg1, %mul3A_79 : i32
    %add3A_81 = arith.addi %mul3A_78, %mul3A_80 : i32
    %add3A_82 = arith.constant 320 : i32
    %add3A_83 = arith.addi %add3A_81, %add3A_82 : i32
    "tpu.region"() ({
      %run_scoped3A = tpu.sem_alloc : memref<!tpu.dma_semaphore, #tpu.memory_space<semaphore_mem>>
      %dma_start3A = arith.constant 0 : i32
      %dma_start3A_128 = tpu.memref_slice %arg5[%add3A_83, %dma_start3A] : memref<20480x128xf32, #tpu.memory_space<hbm>> -> memref<64x128xf32, #tpu.memory_space<hbm>>
      %dma_start3A_129 = arith.constant 0 : i32
      %dma_start3A_130 = tpu.memref_slice %arg5[%add3A_83, %dma_start3A_129] : memref<20480x128xf32, #tpu.memory_space<hbm>> -> memref<64x128xf32, #tpu.memory_space<hbm>>
      tpu.enqueue_dma source(%arg9 : memref<64x128xf32, #tpu.memory_space<vmem>>) target(%dma_start3A_130 : memref<64x128xf32, #tpu.memory_space<hbm>>) target_semaphore(%run_scoped3A : memref<!tpu.dma_semaphore, #tpu.memory_space<semaphore_mem>>)
      %dma_wait3A = arith.constant 0 : i32
      %dma_wait3A_131 = tpu.memref_slice %arg5[%add3A_83, %dma_wait3A] : memref<20480x128xf32, #tpu.memory_space<hbm>> -> memref<64x128xf32, #tpu.memory_space<hbm>>
      %dma_wait3A_132 = arith.constant 0 : i32
      %dma_wait3A_133 = tpu.memref_slice %arg5[%add3A_83, %dma_wait3A_132] : memref<20480x128xf32, #tpu.memory_space<hbm>> -> memref<64x128xf32, #tpu.memory_space<hbm>>
      tpu.wait_dma2 semaphore(%run_scoped3A : memref<!tpu.dma_semaphore, #tpu.memory_space<semaphore_mem>>) src(%arg9 : memref<64x128xf32, #tpu.memory_space<vmem>>) dst(%dma_wait3A_133 : memref<64x128xf32, #tpu.memory_space<hbm>>)
      tpu.yield
    }) : () -> ()
    %mul3A_84 = arith.constant 640 : i32
    %mul3A_85 = arith.muli %arg1, %mul3A_84 : i32
    %add3A_86 = arith.constant 384 : i32
    %add3A_87 = arith.addi %mul3A_85, %add3A_86 : i32
    "tpu.region"() ({
      %run_scoped3A = tpu.sem_alloc : memref<!tpu.dma_semaphore, #tpu.memory_space<semaphore_mem>>
      %dma_start3A = arith.constant 0 : i32
      %dma_start3A_128 = tpu.memref_slice %arg10[%add3A_87, %dma_start3A] : memref<10240x128xf32, #tpu.memory_space<vmem_shared>> -> memref<64x128xf32, #tpu.memory_space<vmem_shared>>
      %dma_start3A_129 = arith.constant 0 : i32
      %dma_start3A_130 = tpu.memref_slice %arg10[%add3A_87, %dma_start3A_129] : memref<10240x128xf32, #tpu.memory_space<vmem_shared>> -> memref<64x128xf32, #tpu.memory_space<vmem_shared>>
      tpu.enqueue_dma source(%dma_start3A_130 : memref<64x128xf32, #tpu.memory_space<vmem_shared>>) target(%arg9 : memref<64x128xf32, #tpu.memory_space<vmem>>) target_semaphore(%run_scoped3A : memref<!tpu.dma_semaphore, #tpu.memory_space<semaphore_mem>>)
      %dma_wait3A = arith.constant 0 : i32
      %dma_wait3A_131 = tpu.memref_slice %arg10[%add3A_87, %dma_wait3A] : memref<10240x128xf32, #tpu.memory_space<vmem_shared>> -> memref<64x128xf32, #tpu.memory_space<vmem_shared>>
      %dma_wait3A_132 = arith.constant 0 : i32
      %dma_wait3A_133 = tpu.memref_slice %arg10[%add3A_87, %dma_wait3A_132] : memref<10240x128xf32, #tpu.memory_space<vmem_shared>> -> memref<64x128xf32, #tpu.memory_space<vmem_shared>>
      tpu.wait_dma2 semaphore(%run_scoped3A : memref<!tpu.dma_semaphore, #tpu.memory_space<semaphore_mem>>) src(%dma_wait3A_133 : memref<64x128xf32, #tpu.memory_space<vmem_shared>>) dst(%arg9 : memref<64x128xf32, #tpu.memory_space<vmem>>)
      tpu.yield
    }) : () -> ()
    %mul3A_88 = arith.constant 10240 : i32
    %mul3A_89 = arith.muli %arg0, %mul3A_88 : i32
    %mul3A_90 = arith.constant 640 : i32
    %mul3A_91 = arith.muli %arg1, %mul3A_90 : i32
    %add3A_92 = arith.addi %mul3A_89, %mul3A_91 : i32
    %add3A_93 = arith.constant 384 : i32
    %add3A_94 = arith.addi %add3A_92, %add3A_93 : i32
    "tpu.region"() ({
      %run_scoped3A = tpu.sem_alloc : memref<!tpu.dma_semaphore, #tpu.memory_space<semaphore_mem>>
      %dma_start3A = arith.constant 0 : i32
      %dma_start3A_128 = tpu.memref_slice %arg5[%add3A_94, %dma_start3A] : memref<20480x128xf32, #tpu.memory_space<hbm>> -> memref<64x128xf32, #tpu.memory_space<hbm>>
      %dma_start3A_129 = arith.constant 0 : i32
      %dma_start3A_130 = tpu.memref_slice %arg5[%add3A_94, %dma_start3A_129] : memref<20480x128xf32, #tpu.memory_space<hbm>> -> memref<64x128xf32, #tpu.memory_space<hbm>>
      tpu.enqueue_dma source(%arg9 : memref<64x128xf32, #tpu.memory_space<vmem>>) target(%dma_start3A_130 : memref<64x128xf32, #tpu.memory_space<hbm>>) target_semaphore(%run_scoped3A : memref<!tpu.dma_semaphore, #tpu.memory_space<semaphore_mem>>)
      %dma_wait3A = arith.constant 0 : i32
      %dma_wait3A_131 = tpu.memref_slice %arg5[%add3A_94, %dma_wait3A] : memref<20480x128xf32, #tpu.memory_space<hbm>> -> memref<64x128xf32, #tpu.memory_space<hbm>>
      %dma_wait3A_132 = arith.constant 0 : i32
      %dma_wait3A_133 = tpu.memref_slice %arg5[%add3A_94, %dma_wait3A_132] : memref<20480x128xf32, #tpu.memory_space<hbm>> -> memref<64x128xf32, #tpu.memory_space<hbm>>
      tpu.wait_dma2 semaphore(%run_scoped3A : memref<!tpu.dma_semaphore, #tpu.memory_space<semaphore_mem>>) src(%arg9 : memref<64x128xf32, #tpu.memory_space<vmem>>) dst(%dma_wait3A_133 : memref<64x128xf32, #tpu.memory_space<hbm>>)
      tpu.yield
    }) : () -> ()
    %mul3A_95 = arith.constant 640 : i32
    %mul3A_96 = arith.muli %arg1, %mul3A_95 : i32
    %add3A_97 = arith.constant 448 : i32
    %add3A_98 = arith.addi %mul3A_96, %add3A_97 : i32
    "tpu.region"() ({
      %run_scoped3A = tpu.sem_alloc : memref<!tpu.dma_semaphore, #tpu.memory_space<semaphore_mem>>
      %dma_start3A = arith.constant 0 : i32
      %dma_start3A_128 = tpu.memref_slice %arg10[%add3A_98, %dma_start3A] : memref<10240x128xf32, #tpu.memory_space<vmem_shared>> -> memref<64x128xf32, #tpu.memory_space<vmem_shared>>
      %dma_start3A_129 = arith.constant 0 : i32
      %dma_start3A_130 = tpu.memref_slice %arg10[%add3A_98, %dma_start3A_129] : memref<10240x128xf32, #tpu.memory_space<vmem_shared>> -> memref<64x128xf32, #tpu.memory_space<vmem_shared>>
      tpu.enqueue_dma source(%dma_start3A_130 : memref<64x128xf32, #tpu.memory_space<vmem_shared>>) target(%arg9 : memref<64x128xf32, #tpu.memory_space<vmem>>) target_semaphore(%run_scoped3A : memref<!tpu.dma_semaphore, #tpu.memory_space<semaphore_mem>>)
      %dma_wait3A = arith.constant 0 : i32
      %dma_wait3A_131 = tpu.memref_slice %arg10[%add3A_98, %dma_wait3A] : memref<10240x128xf32, #tpu.memory_space<vmem_shared>> -> memref<64x128xf32, #tpu.memory_space<vmem_shared>>
      %dma_wait3A_132 = arith.constant 0 : i32
      %dma_wait3A_133 = tpu.memref_slice %arg10[%add3A_98, %dma_wait3A_132] : memref<10240x128xf32, #tpu.memory_space<vmem_shared>> -> memref<64x128xf32, #tpu.memory_space<vmem_shared>>
      tpu.wait_dma2 semaphore(%run_scoped3A : memref<!tpu.dma_semaphore, #tpu.memory_space<semaphore_mem>>) src(%dma_wait3A_133 : memref<64x128xf32, #tpu.memory_space<vmem_shared>>) dst(%arg9 : memref<64x128xf32, #tpu.memory_space<vmem>>)
      tpu.yield
    }) : () -> ()
    %mul3A_99 = arith.constant 10240 : i32
    %mul3A_100 = arith.muli %arg0, %mul3A_99 : i32
    %mul3A_101 = arith.constant 640 : i32
    %mul3A_102 = arith.muli %arg1, %mul3A_101 : i32
    %add3A_103 = arith.addi %mul3A_100, %mul3A_102 : i32
    %add3A_104 = arith.constant 448 : i32
    %add3A_105 = arith.addi %add3A_103, %add3A_104 : i32
    "tpu.region"() ({
      %run_scoped3A = tpu.sem_alloc : memref<!tpu.dma_semaphore, #tpu.memory_space<semaphore_mem>>
      %dma_start3A = arith.constant 0 : i32
      %dma_start3A_128 = tpu.memref_slice %arg5[%add3A_105, %dma_start3A] : memref<20480x128xf32, #tpu.memory_space<hbm>> -> memref<64x128xf32, #tpu.memory_space<hbm>>
      %dma_start3A_129 = arith.constant 0 : i32
      %dma_start3A_130 = tpu.memref_slice %arg5[%add3A_105, %dma_start3A_129] : memref<20480x128xf32, #tpu.memory_space<hbm>> -> memref<64x128xf32, #tpu.memory_space<hbm>>
      tpu.enqueue_dma source(%arg9 : memref<64x128xf32, #tpu.memory_space<vmem>>) target(%dma_start3A_130 : memref<64x128xf32, #tpu.memory_space<hbm>>) target_semaphore(%run_scoped3A : memref<!tpu.dma_semaphore, #tpu.memory_space<semaphore_mem>>)
      %dma_wait3A = arith.constant 0 : i32
      %dma_wait3A_131 = tpu.memref_slice %arg5[%add3A_105, %dma_wait3A] : memref<20480x128xf32, #tpu.memory_space<hbm>> -> memref<64x128xf32, #tpu.memory_space<hbm>>
      %dma_wait3A_132 = arith.constant 0 : i32
      %dma_wait3A_133 = tpu.memref_slice %arg5[%add3A_105, %dma_wait3A_132] : memref<20480x128xf32, #tpu.memory_space<hbm>> -> memref<64x128xf32, #tpu.memory_space<hbm>>
      tpu.wait_dma2 semaphore(%run_scoped3A : memref<!tpu.dma_semaphore, #tpu.memory_space<semaphore_mem>>) src(%arg9 : memref<64x128xf32, #tpu.memory_space<vmem>>) dst(%dma_wait3A_133 : memref<64x128xf32, #tpu.memory_space<hbm>>)
      tpu.yield
    }) : () -> ()
    %mul3A_106 = arith.constant 640 : i32
    %mul3A_107 = arith.muli %arg1, %mul3A_106 : i32
    %add3A_108 = arith.constant 512 : i32
    %add3A_109 = arith.addi %mul3A_107, %add3A_108 : i32
    "tpu.region"() ({
      %run_scoped3A = tpu.sem_alloc : memref<!tpu.dma_semaphore, #tpu.memory_space<semaphore_mem>>
      %dma_start3A = arith.constant 0 : i32
      %dma_start3A_128 = tpu.memref_slice %arg10[%add3A_109, %dma_start3A] : memref<10240x128xf32, #tpu.memory_space<vmem_shared>> -> memref<64x128xf32, #tpu.memory_space<vmem_shared>>
      %dma_start3A_129 = arith.constant 0 : i32
      %dma_start3A_130 = tpu.memref_slice %arg10[%add3A_109, %dma_start3A_129] : memref<10240x128xf32, #tpu.memory_space<vmem_shared>> -> memref<64x128xf32, #tpu.memory_space<vmem_shared>>
      tpu.enqueue_dma source(%dma_start3A_130 : memref<64x128xf32, #tpu.memory_space<vmem_shared>>) target(%arg9 : memref<64x128xf32, #tpu.memory_space<vmem>>) target_semaphore(%run_scoped3A : memref<!tpu.dma_semaphore, #tpu.memory_space<semaphore_mem>>)
      %dma_wait3A = arith.constant 0 : i32
      %dma_wait3A_131 = tpu.memref_slice %arg10[%add3A_109, %dma_wait3A] : memref<10240x128xf32, #tpu.memory_space<vmem_shared>> -> memref<64x128xf32, #tpu.memory_space<vmem_shared>>
      %dma_wait3A_132 = arith.constant 0 : i32
      %dma_wait3A_133 = tpu.memref_slice %arg10[%add3A_109, %dma_wait3A_132] : memref<10240x128xf32, #tpu.memory_space<vmem_shared>> -> memref<64x128xf32, #tpu.memory_space<vmem_shared>>
      tpu.wait_dma2 semaphore(%run_scoped3A : memref<!tpu.dma_semaphore, #tpu.memory_space<semaphore_mem>>) src(%dma_wait3A_133 : memref<64x128xf32, #tpu.memory_space<vmem_shared>>) dst(%arg9 : memref<64x128xf32, #tpu.memory_space<vmem>>)
      tpu.yield
    }) : () -> ()
    %mul3A_110 = arith.constant 10240 : i32
    %mul3A_111 = arith.muli %arg0, %mul3A_110 : i32
    %mul3A_112 = arith.constant 640 : i32
    %mul3A_113 = arith.muli %arg1, %mul3A_112 : i32
    %add3A_114 = arith.addi %mul3A_111, %mul3A_113 : i32
    %add3A_115 = arith.constant 512 : i32
    %add3A_116 = arith.addi %add3A_114, %add3A_115 : i32
    "tpu.region"() ({
      %run_scoped3A = tpu.sem_alloc : memref<!tpu.dma_semaphore, #tpu.memory_space<semaphore_mem>>
      %dma_start3A = arith.constant 0 : i32
      %dma_start3A_128 = tpu.memref_slice %arg5[%add3A_116, %dma_start3A] : memref<20480x128xf32, #tpu.memory_space<hbm>> -> memref<64x128xf32, #tpu.memory_space<hbm>>
      %dma_start3A_129 = arith.constant 0 : i32
      %dma_start3A_130 = tpu.memref_slice %arg5[%add3A_116, %dma_start3A_129] : memref<20480x128xf32, #tpu.memory_space<hbm>> -> memref<64x128xf32, #tpu.memory_space<hbm>>
      tpu.enqueue_dma source(%arg9 : memref<64x128xf32, #tpu.memory_space<vmem>>) target(%dma_start3A_130 : memref<64x128xf32, #tpu.memory_space<hbm>>) target_semaphore(%run_scoped3A : memref<!tpu.dma_semaphore, #tpu.memory_space<semaphore_mem>>)
      %dma_wait3A = arith.constant 0 : i32
      %dma_wait3A_131 = tpu.memref_slice %arg5[%add3A_116, %dma_wait3A] : memref<20480x128xf32, #tpu.memory_space<hbm>> -> memref<64x128xf32, #tpu.memory_space<hbm>>
      %dma_wait3A_132 = arith.constant 0 : i32
      %dma_wait3A_133 = tpu.memref_slice %arg5[%add3A_116, %dma_wait3A_132] : memref<20480x128xf32, #tpu.memory_space<hbm>> -> memref<64x128xf32, #tpu.memory_space<hbm>>
      tpu.wait_dma2 semaphore(%run_scoped3A : memref<!tpu.dma_semaphore, #tpu.memory_space<semaphore_mem>>) src(%arg9 : memref<64x128xf32, #tpu.memory_space<vmem>>) dst(%dma_wait3A_133 : memref<64x128xf32, #tpu.memory_space<hbm>>)
      tpu.yield
    }) : () -> ()
    %mul3A_117 = arith.constant 640 : i32
    %mul3A_118 = arith.muli %arg1, %mul3A_117 : i32
    %add3A_119 = arith.constant 576 : i32
    %add3A_120 = arith.addi %mul3A_118, %add3A_119 : i32
    "tpu.region"() ({
      %run_scoped3A = tpu.sem_alloc : memref<!tpu.dma_semaphore, #tpu.memory_space<semaphore_mem>>
      %dma_start3A = arith.constant 0 : i32
      %dma_start3A_128 = tpu.memref_slice %arg10[%add3A_120, %dma_start3A] : memref<10240x128xf32, #tpu.memory_space<vmem_shared>> -> memref<64x128xf32, #tpu.memory_space<vmem_shared>>
      %dma_start3A_129 = arith.constant 0 : i32
      %dma_start3A_130 = tpu.memref_slice %arg10[%add3A_120, %dma_start3A_129] : memref<10240x128xf32, #tpu.memory_space<vmem_shared>> -> memref<64x128xf32, #tpu.memory_space<vmem_shared>>
      tpu.enqueue_dma source(%dma_start3A_130 : memref<64x128xf32, #tpu.memory_space<vmem_shared>>) target(%arg9 : memref<64x128xf32, #tpu.memory_space<vmem>>) target_semaphore(%run_scoped3A : memref<!tpu.dma_semaphore, #tpu.memory_space<semaphore_mem>>)
      %dma_wait3A = arith.constant 0 : i32
      %dma_wait3A_131 = tpu.memref_slice %arg10[%add3A_120, %dma_wait3A] : memref<10240x128xf32, #tpu.memory_space<vmem_shared>> -> memref<64x128xf32, #tpu.memory_space<vmem_shared>>
      %dma_wait3A_132 = arith.constant 0 : i32
      %dma_wait3A_133 = tpu.memref_slice %arg10[%add3A_120, %dma_wait3A_132] : memref<10240x128xf32, #tpu.memory_space<vmem_shared>> -> memref<64x128xf32, #tpu.memory_space<vmem_shared>>
      tpu.wait_dma2 semaphore(%run_scoped3A : memref<!tpu.dma_semaphore, #tpu.memory_space<semaphore_mem>>) src(%dma_wait3A_133 : memref<64x128xf32, #tpu.memory_space<vmem_shared>>) dst(%arg9 : memref<64x128xf32, #tpu.memory_space<vmem>>)
      tpu.yield
    }) : () -> ()
    %mul3A_121 = arith.constant 10240 : i32
    %mul3A_122 = arith.muli %arg0, %mul3A_121 : i32
    %mul3A_123 = arith.constant 640 : i32
    %mul3A_124 = arith.muli %arg1, %mul3A_123 : i32
    %add3A_125 = arith.addi %mul3A_122, %mul3A_124 : i32
    %add3A_126 = arith.constant 576 : i32
    %add3A_127 = arith.addi %add3A_125, %add3A_126 : i32
    "tpu.region"() ({
      %run_scoped3A = tpu.sem_alloc : memref<!tpu.dma_semaphore, #tpu.memory_space<semaphore_mem>>
      %dma_start3A = arith.constant 0 : i32
      %dma_start3A_128 = tpu.memref_slice %arg5[%add3A_127, %dma_start3A] : memref<20480x128xf32, #tpu.memory_space<hbm>> -> memref<64x128xf32, #tpu.memory_space<hbm>>
      %dma_start3A_129 = arith.constant 0 : i32
      %dma_start3A_130 = tpu.memref_slice %arg5[%add3A_127, %dma_start3A_129] : memref<20480x128xf32, #tpu.memory_space<hbm>> -> memref<64x128xf32, #tpu.memory_space<hbm>>
      tpu.enqueue_dma source(%arg9 : memref<64x128xf32, #tpu.memory_space<vmem>>) target(%dma_start3A_130 : memref<64x128xf32, #tpu.memory_space<hbm>>) target_semaphore(%run_scoped3A : memref<!tpu.dma_semaphore, #tpu.memory_space<semaphore_mem>>)
      %dma_wait3A = arith.constant 0 : i32
      %dma_wait3A_131 = tpu.memref_slice %arg5[%add3A_127, %dma_wait3A] : memref<20480x128xf32, #tpu.memory_space<hbm>> -> memref<64x128xf32, #tpu.memory_space<hbm>>
      %dma_wait3A_132 = arith.constant 0 : i32
      %dma_wait3A_133 = tpu.memref_slice %arg5[%add3A_127, %dma_wait3A_132] : memref<20480x128xf32, #tpu.memory_space<hbm>> -> memref<64x128xf32, #tpu.memory_space<hbm>>
      tpu.wait_dma2 semaphore(%run_scoped3A : memref<!tpu.dma_semaphore, #tpu.memory_space<semaphore_mem>>) src(%arg9 : memref<64x128xf32, #tpu.memory_space<vmem>>) dst(%dma_wait3A_133 : memref<64x128xf32, #tpu.memory_space<hbm>>)
      tpu.yield
    }) : () -> ()
    return
  }
}

module attributes {stable_mosaic.version = 14 : i64} {
  func.func @body(%arg0: i32, %arg1: memref<1024x128xf32, #tpu.memory_space<vmem>>, %arg2: memref<128x128xf32, #tpu.memory_space<vmem>>, %arg3: memref<2x1024xf32, #tpu.memory_space<vmem>>, %arg4: memref<1024x128xf32, #tpu.memory_space<vmem>>) attributes {dimension_semantics = [#tpu.dimension_semantics<arbitrary>], iteration_bounds = array<i64: 10>, scalar_prefetch = 0 : i64, scratch_operands = 0 : i64, tpu.core_type = #tpu.core_type<tc>, window_params = [{transform_indices = @transform_0, window_bounds = array<i64: 1024, 128>}, {pipeline_mode = #tpu.pipeline_mode<synchronous>, transform_indices = @transform_1, window_bounds = array<i64: 128, 128>}, {transform_indices = @transform_2, window_bounds = array<i64: 2, 1024>}, {transform_indices = @transform_3, window_bounds = array<i64: 1024, 128>}]} {
    %get3A = arith.constant 0 : index
    %get3A_0 = arith.constant 0 : index
    %get3A_1 = vector.load %arg1[%get3A, %get3A_0] : memref<1024x128xf32, #tpu.memory_space<vmem>>, vector<1024x128xf32>
    %get3A_2 = arith.constant 0 : index
    %get3A_3 = arith.constant 0 : index
    %get3A_4 = vector.load %arg2[%get3A_2, %get3A_3] : memref<128x128xf32, #tpu.memory_space<vmem>>, vector<128x128xf32>
    %dot_general3A = arith.constant dense<0.000000e+00> : vector<1024x128xf32>
    %dot_general3A_5 = tpu.matmul %get3A_1, %get3A_4, %dot_general3A {dimension_numbers = #tpu.dot_dimension_numbers<[1], [0], [0], [1], [0, 0, 1, 1], [], []>, transpose_lhs_hint = false} : vector<1024x128xf32>, vector<128x128xf32>, vector<1024x128xf32> -> vector<1024x128xf32>
    %get3A_6 = arith.constant 0 : index
    %get3A_7 = arith.constant 0 : index
    %get3A_8 = vector.load %arg3[%get3A_6, %get3A_7] : memref<2x1024xf32, #tpu.memory_space<vmem>>, vector<1x1024xf32>
    %get3A_9 = vector.shape_cast %get3A_8 : vector<1x1024xf32> to vector<1024xf32>
    %get3A_10 = arith.constant 1 : index
    %get3A_11 = arith.constant 0 : index
    %get3A_12 = vector.load %arg3[%get3A_10, %get3A_11] : memref<2x1024xf32, #tpu.memory_space<vmem>>, vector<1x1024xf32>
    %get3A_13 = vector.shape_cast %get3A_12 : vector<1x1024xf32> to vector<1024xf32>
    %add3A = arith.addf %get3A_9, %get3A_13 : vector<1024xf32>
    %add3A_14 = arith.constant 1.000000e+00 : f32
    %add3A_15 = vector.broadcast %add3A_14 : f32 to vector<1024xf32>
    %add3A_16 = arith.addf %add3A, %add3A_15 : vector<1024xf32>
    %rsqrt3A = math.rsqrt %add3A_16 : vector<1024xf32>
    %broadcast_in_dim3A = vector.shape_cast %rsqrt3A : vector<1024xf32> to vector<1024x1xf32>
    %mul3A = vector.broadcast %broadcast_in_dim3A : vector<1024x1xf32> to vector<1024x128xf32>
    %mul3A_17 = arith.mulf %dot_general3A_5, %mul3A : vector<1024x128xf32>
    %swap3A = arith.constant 0 : index
    %swap3A_18 = arith.constant 0 : index
    %swap3A_19 = vector.load %arg4[%swap3A, %swap3A_18] : memref<1024x128xf32, #tpu.memory_space<vmem>>, vector<1024x128xf32>
    tpu.vector_store %arg4[%swap3A, %swap3A_18], %mul3A_17 {strides = array<i32>} : memref<1024x128xf32, #tpu.memory_space<vmem>>, vector<1024x128xf32>,
    return
  }
  func.func @transform_0(%arg0: i32) -> (i32, i32) {
    %c0_i32 = arith.constant 0 : i32
    %c0_i32_0 = arith.constant 0 : i32
    return %arg0, %c0_i32 : i32, i32
  }
  func.func @transform_1(%arg0: i32) -> (i32, i32) {
    %c0_i32 = arith.constant 0 : i32
    %c0_i32_0 = arith.constant 0 : i32
    %c0_i32_1 = arith.constant 0 : i32
    return %c0_i32, %c0_i32_0 : i32, i32
  }
  func.func @transform_2(%arg0: i32) -> (i32, i32) {
    %c0_i32 = arith.constant 0 : i32
    %c0_i32_0 = arith.constant 0 : i32
    return %c0_i32, %arg0 : i32, i32
  }
  func.func @transform_3(%arg0: i32) -> (i32, i32) {
    %c0_i32 = arith.constant 0 : i32
    %c0_i32_0 = arith.constant 0 : i32
    return %arg0, %c0_i32 : i32, i32
  }
}

module attributes {stable_mosaic.version = 14 : i64} {
  func.func @body(%arg0: i32, %arg1: memref<2x1024x128xf32, #tpu.memory_space<vmem>>, %arg2: memref<2x1024xf32, #tpu.memory_space<vmem>>, %arg3: memref<1x128xf32, #tpu.memory_space<vmem>>, %arg4: memref<1x128xf32, #tpu.memory_space<vmem>>, %arg5: memref<1x128xf32, #tpu.memory_space<vmem>>, %arg6: memref<128x64xf32, #tpu.memory_space<vmem>>, %arg7: memref<1024x64xf32, #tpu.memory_space<vmem>>) attributes {dimension_semantics = [#tpu.dimension_semantics<arbitrary>], iteration_bounds = array<i64: 10>, scalar_prefetch = 0 : i64, scratch_operands = 0 : i64, tpu.core_type = #tpu.core_type<tc>, window_params = [{transform_indices = @transform_0, window_bounds = array<i64: 2, 1024, 128>}, {transform_indices = @transform_1, window_bounds = array<i64: 2, 1024>}, {pipeline_mode = #tpu.pipeline_mode<synchronous>, transform_indices = @transform_2, window_bounds = array<i64: 1, 128>}, {pipeline_mode = #tpu.pipeline_mode<synchronous>, transform_indices = @transform_3, window_bounds = array<i64: 1, 128>}, {pipeline_mode = #tpu.pipeline_mode<synchronous>, transform_indices = @transform_4, window_bounds = array<i64: 1, 128>}, {pipeline_mode = #tpu.pipeline_mode<synchronous>, transform_indices = @transform_5, window_bounds = array<i64: 128, 64>}, {transform_indices = @transform_6, window_bounds = array<i64: 1024, 64>}]} {
    %get3A = arith.constant 0 : index
    %get3A_0 = arith.constant 0 : index
    %get3A_1 = vector.load %arg2[%get3A, %get3A_0] : memref<2x1024xf32, #tpu.memory_space<vmem>>, vector<1x1024xf32>
    %get3A_2 = vector.shape_cast %get3A_1 : vector<1x1024xf32> to vector<1024xf32>
    %get3A_3 = arith.constant 1 : index
    %get3A_4 = arith.constant 0 : index
    %get3A_5 = vector.load %arg2[%get3A_3, %get3A_4] : memref<2x1024xf32, #tpu.memory_space<vmem>>, vector<1x1024xf32>
    %get3A_6 = vector.shape_cast %get3A_5 : vector<1x1024xf32> to vector<1024xf32>
    %add3A = arith.addf %get3A_2, %get3A_6 : vector<1024xf32>
    %add3A_7 = arith.constant 1.000000e+00 : f32
    %add3A_8 = vector.broadcast %add3A_7 : f32 to vector<1024xf32>
    %add3A_9 = arith.addf %add3A, %add3A_8 : vector<1024xf32>
    %rsqrt3A = math.rsqrt %add3A_9 : vector<1024xf32>
    %get3A_10 = arith.constant 0 : index
    %get3A_11 = arith.constant 0 : index
    %get3A_12 = arith.constant 0 : index
    %get3A_13 = vector.load %arg1[%get3A_10, %get3A_11, %get3A_12] : memref<2x1024x128xf32, #tpu.memory_space<vmem>>, vector<1x1024x128xf32>
    %get3A_14 = vector.shape_cast %get3A_13 : vector<1x1024x128xf32> to vector<1024x128xf32>
    %get3A_15 = arith.constant 1 : index
    %get3A_16 = arith.constant 0 : index
    %get3A_17 = arith.constant 0 : index
    %get3A_18 = vector.load %arg1[%get3A_15, %get3A_16, %get3A_17] : memref<2x1024x128xf32, #tpu.memory_space<vmem>>, vector<1x1024x128xf32>
    %get3A_19 = vector.shape_cast %get3A_18 : vector<1x1024x128xf32> to vector<1024x128xf32>
    %add3A_20 = arith.addf %get3A_14, %get3A_19 : vector<1024x128xf32>
    %broadcast_in_dim3A = vector.shape_cast %rsqrt3A : vector<1024xf32> to vector<1024x1xf32>
    %mul3A = vector.broadcast %broadcast_in_dim3A : vector<1024x1xf32> to vector<1024x128xf32>
    %mul3A_21 = arith.mulf %add3A_20, %mul3A : vector<1024x128xf32>
    %get3A_22 = arith.constant 0 : index
    %get3A_23 = arith.constant 0 : index
    %get3A_24 = vector.load %arg3[%get3A_22, %get3A_23] : memref<1x128xf32, #tpu.memory_space<vmem>>, vector<1x128xf32>
    %get3A_25 = vector.shape_cast %get3A_24 : vector<1x128xf32> to vector<128xf32>
    %broadcast_in_dim3A_26 = vector.shape_cast %get3A_25 : vector<128xf32> to vector<1x128xf32>
    %add3A_27 = vector.broadcast %broadcast_in_dim3A_26 : vector<1x128xf32> to vector<1024x128xf32>
    %add3A_28 = arith.addf %mul3A_21, %add3A_27 : vector<1024x128xf32>
    %get3A_29 = arith.constant 0 : index
    %get3A_30 = arith.constant 0 : index
    %get3A_31 = vector.load %arg4[%get3A_29, %get3A_30] : memref<1x128xf32, #tpu.memory_space<vmem>>, vector<1x128xf32>
    %get3A_32 = vector.shape_cast %get3A_31 : vector<1x128xf32> to vector<128xf32>
    %rsqrt3A_33 = arith.constant 1.000010e+00 : f32
    %rsqrt3A_34 = math.rsqrt %rsqrt3A_33 : f32
    %mul3A_35 = vector.broadcast %rsqrt3A_34 : f32 to vector<128xf32>
    %mul3A_36 = arith.mulf %get3A_32, %mul3A_35 : vector<128xf32>
    %broadcast_in_dim3A_37 = vector.shape_cast %mul3A_36 : vector<128xf32> to vector<1x128xf32>
    %mul3A_38 = vector.broadcast %broadcast_in_dim3A_37 : vector<1x128xf32> to vector<1024x128xf32>
    %mul3A_39 = arith.mulf %add3A_28, %mul3A_38 : vector<1024x128xf32>
    %get3A_40 = arith.constant 0 : index
    %get3A_41 = arith.constant 0 : index
    %get3A_42 = vector.load %arg5[%get3A_40, %get3A_41] : memref<1x128xf32, #tpu.memory_space<vmem>>, vector<1x128xf32>
    %get3A_43 = vector.shape_cast %get3A_42 : vector<1x128xf32> to vector<128xf32>
    %broadcast_in_dim3A_44 = vector.shape_cast %get3A_43 : vector<128xf32> to vector<1x128xf32>
    %add3A_45 = vector.broadcast %broadcast_in_dim3A_44 : vector<1x128xf32> to vector<1024x128xf32>
    %add3A_46 = arith.addf %mul3A_39, %add3A_45 : vector<1024x128xf32>
    %max3A = arith.constant 0.000000e+00 : f32
    %max3A_47 = vector.broadcast %max3A : f32 to vector<1024x128xf32>
    %max3A_48 = arith.maximumf %add3A_46, %max3A_47 : vector<1024x128xf32>
    %get3A_49 = arith.constant 0 : index
    %get3A_50 = arith.constant 0 : index
    %get3A_51 = vector.load %arg6[%get3A_49, %get3A_50] : memref<128x64xf32, #tpu.memory_space<vmem>>, vector<128x64xf32>
    %dot_general3A = arith.constant dense<0.000000e+00> : vector<1024x64xf32>
    %dot_general3A_52 = tpu.matmul %max3A_48, %get3A_51, %dot_general3A {dimension_numbers = #tpu.dot_dimension_numbers<[1], [0], [0], [1], [0, 0, 1, 1], [], []>, transpose_lhs_hint = false} : vector<1024x128xf32>, vector<128x64xf32>, vector<1024x64xf32> -> vector<1024x64xf32>
    %broadcast_in_dim3A_53 = vector.shape_cast %rsqrt3A : vector<1024xf32> to vector<1024x1xf32>
    %mul3A_54 = vector.broadcast %broadcast_in_dim3A_53 : vector<1024x1xf32> to vector<1024x64xf32>
    %mul3A_55 = arith.mulf %dot_general3A_52, %mul3A_54 : vector<1024x64xf32>
    %swap3A = arith.constant 0 : index
    %swap3A_56 = arith.constant 0 : index
    %swap3A_57 = vector.load %arg7[%swap3A, %swap3A_56] : memref<1024x64xf32, #tpu.memory_space<vmem>>, vector<1024x64xf32>
    tpu.vector_store %arg7[%swap3A, %swap3A_56], %mul3A_55 {strides = array<i32>} : memref<1024x64xf32, #tpu.memory_space<vmem>>, vector<1024x64xf32>,
    return
  }
  func.func @transform_0(%arg0: i32) -> (i32, i32, i32) {
    %c0_i32 = arith.constant 0 : i32
    %c0_i32_0 = arith.constant 0 : i32
    %c0_i32_1 = arith.constant 0 : i32
    return %c0_i32, %arg0, %c0_i32_0 : i32, i32, i32
  }
  func.func @transform_1(%arg0: i32) -> (i32, i32) {
    %c0_i32 = arith.constant 0 : i32
    %c0_i32_0 = arith.constant 0 : i32
    return %c0_i32, %arg0 : i32, i32
  }
  func.func @transform_2(%arg0: i32) -> (i32, i32) {
    %c0_i32 = arith.constant 0 : i32
    %c0_i32_0 = arith.constant 0 : i32
    %c0_i32_1 = arith.constant 0 : i32
    return %c0_i32, %c0_i32_0 : i32, i32
  }
  func.func @transform_3(%arg0: i32) -> (i32, i32) {
    %c0_i32 = arith.constant 0 : i32
    %c0_i32_0 = arith.constant 0 : i32
    %c0_i32_1 = arith.constant 0 : i32
    return %c0_i32, %c0_i32_0 : i32, i32
  }
  func.func @transform_4(%arg0: i32) -> (i32, i32) {
    %c0_i32 = arith.constant 0 : i32
    %c0_i32_0 = arith.constant 0 : i32
    %c0_i32_1 = arith.constant 0 : i32
    return %c0_i32, %c0_i32_0 : i32, i32
  }
  func.func @transform_5(%arg0: i32) -> (i32, i32) {
    %c0_i32 = arith.constant 0 : i32
    %c0_i32_0 = arith.constant 0 : i32
    %c0_i32_1 = arith.constant 0 : i32
    return %c0_i32, %c0_i32_0 : i32, i32
  }
  func.func @transform_6(%arg0: i32) -> (i32, i32) {
    %c0_i32 = arith.constant 0 : i32
    %c0_i32_0 = arith.constant 0 : i32
    return %arg0, %c0_i32 : i32, i32
  }
}

module attributes {stable_mosaic.version = 14 : i64} {
  func.func @body(%arg0: i32, %arg1: memref<2x1024x64xf32, #tpu.memory_space<vmem>>, %arg2: memref<2x1024xf32, #tpu.memory_space<vmem>>, %arg3: memref<1x64xf32, #tpu.memory_space<vmem>>, %arg4: memref<64x16xf32, #tpu.memory_space<vmem>>, %arg5: memref<1x16xf32, #tpu.memory_space<vmem>>, %arg6: memref<1024x16xf32, #tpu.memory_space<vmem>>) attributes {dimension_semantics = [#tpu.dimension_semantics<arbitrary>], iteration_bounds = array<i64: 10>, scalar_prefetch = 0 : i64, scratch_operands = 0 : i64, tpu.core_type = #tpu.core_type<tc>, window_params = [{transform_indices = @transform_0, window_bounds = array<i64: 2, 1024, 64>}, {transform_indices = @transform_1, window_bounds = array<i64: 2, 1024>}, {pipeline_mode = #tpu.pipeline_mode<synchronous>, transform_indices = @transform_2, window_bounds = array<i64: 1, 64>}, {pipeline_mode = #tpu.pipeline_mode<synchronous>, transform_indices = @transform_3, window_bounds = array<i64: 64, 16>}, {pipeline_mode = #tpu.pipeline_mode<synchronous>, transform_indices = @transform_4, window_bounds = array<i64: 1, 16>}, {transform_indices = @transform_5, window_bounds = array<i64: 1024, 16>}]} {
    %get3A = arith.constant 0 : index
    %get3A_0 = arith.constant 0 : index
    %get3A_1 = arith.constant 0 : index
    %get3A_2 = vector.load %arg1[%get3A, %get3A_0, %get3A_1] : memref<2x1024x64xf32, #tpu.memory_space<vmem>>, vector<1x1024x64xf32>
    %get3A_3 = vector.shape_cast %get3A_2 : vector<1x1024x64xf32> to vector<1024x64xf32>
    %get3A_4 = arith.constant 1 : index
    %get3A_5 = arith.constant 0 : index
    %get3A_6 = arith.constant 0 : index
    %get3A_7 = vector.load %arg1[%get3A_4, %get3A_5, %get3A_6] : memref<2x1024x64xf32, #tpu.memory_space<vmem>>, vector<1x1024x64xf32>
    %get3A_8 = vector.shape_cast %get3A_7 : vector<1x1024x64xf32> to vector<1024x64xf32>
    %add3A = arith.addf %get3A_3, %get3A_8 : vector<1024x64xf32>
    %get3A_9 = arith.constant 0 : index
    %get3A_10 = arith.constant 0 : index
    %get3A_11 = vector.load %arg2[%get3A_9, %get3A_10] : memref<2x1024xf32, #tpu.memory_space<vmem>>, vector<1x1024xf32>
    %get3A_12 = vector.shape_cast %get3A_11 : vector<1x1024xf32> to vector<1024xf32>
    %get3A_13 = arith.constant 1 : index
    %get3A_14 = arith.constant 0 : index
    %get3A_15 = vector.load %arg2[%get3A_13, %get3A_14] : memref<2x1024xf32, #tpu.memory_space<vmem>>, vector<1x1024xf32>
    %get3A_16 = vector.shape_cast %get3A_15 : vector<1x1024xf32> to vector<1024xf32>
    %add3A_17 = arith.addf %get3A_12, %get3A_16 : vector<1024xf32>
    %add3A_18 = arith.constant 1.000000e+00 : f32
    %add3A_19 = vector.broadcast %add3A_18 : f32 to vector<1024xf32>
    %add3A_20 = arith.addf %add3A_17, %add3A_19 : vector<1024xf32>
    %rsqrt3A = math.rsqrt %add3A_20 : vector<1024xf32>
    %broadcast_in_dim3A = vector.shape_cast %rsqrt3A : vector<1024xf32> to vector<1024x1xf32>
    %mul3A = vector.broadcast %broadcast_in_dim3A : vector<1024x1xf32> to vector<1024x64xf32>
    %mul3A_21 = arith.mulf %add3A, %mul3A : vector<1024x64xf32>
    %get3A_22 = arith.constant 0 : index
    %get3A_23 = arith.constant 0 : index
    %get3A_24 = vector.load %arg3[%get3A_22, %get3A_23] : memref<1x64xf32, #tpu.memory_space<vmem>>, vector<1x64xf32>
    %get3A_25 = vector.shape_cast %get3A_24 : vector<1x64xf32> to vector<64xf32>
    %broadcast_in_dim3A_26 = vector.shape_cast %get3A_25 : vector<64xf32> to vector<1x64xf32>
    %add3A_27 = vector.broadcast %broadcast_in_dim3A_26 : vector<1x64xf32> to vector<1024x64xf32>
    %add3A_28 = arith.addf %mul3A_21, %add3A_27 : vector<1024x64xf32>
    %get3A_29 = arith.constant 0 : index
    %get3A_30 = arith.constant 0 : index
    %get3A_31 = vector.load %arg4[%get3A_29, %get3A_30] : memref<64x16xf32, #tpu.memory_space<vmem>>, vector<64x16xf32>
    %dot_general3A = arith.constant dense<0.000000e+00> : vector<1024x16xf32>
    %dot_general3A_32 = tpu.matmul %add3A_28, %get3A_31, %dot_general3A {dimension_numbers = #tpu.dot_dimension_numbers<[1], [0], [0], [1], [0, 0, 1, 1], [], []>, transpose_lhs_hint = false} : vector<1024x64xf32>, vector<64x16xf32>, vector<1024x16xf32> -> vector<1024x16xf32>
    %get3A_33 = arith.constant 0 : index
    %get3A_34 = arith.constant 0 : index
    %get3A_35 = vector.load %arg5[%get3A_33, %get3A_34] : memref<1x16xf32, #tpu.memory_space<vmem>>, vector<1x16xf32>
    %get3A_36 = vector.shape_cast %get3A_35 : vector<1x16xf32> to vector<16xf32>
    %broadcast_in_dim3A_37 = vector.shape_cast %get3A_36 : vector<16xf32> to vector<1x16xf32>
    %add3A_38 = vector.broadcast %broadcast_in_dim3A_37 : vector<1x16xf32> to vector<1024x16xf32>
    %add3A_39 = arith.addf %dot_general3A_32, %add3A_38 : vector<1024x16xf32>
    %swap3A = arith.constant 0 : index
    %swap3A_40 = arith.constant 0 : index
    %swap3A_41 = vector.load %arg6[%swap3A, %swap3A_40] : memref<1024x16xf32, #tpu.memory_space<vmem>>, vector<1024x16xf32>
    tpu.vector_store %arg6[%swap3A, %swap3A_40], %add3A_39 {strides = array<i32>} : memref<1024x16xf32, #tpu.memory_space<vmem>>, vector<1024x16xf32>,
    return
  }
  func.func @transform_0(%arg0: i32) -> (i32, i32, i32) {
    %c0_i32 = arith.constant 0 : i32
    %c0_i32_0 = arith.constant 0 : i32
    %c0_i32_1 = arith.constant 0 : i32
    return %c0_i32, %arg0, %c0_i32_0 : i32, i32, i32
  }
  func.func @transform_1(%arg0: i32) -> (i32, i32) {
    %c0_i32 = arith.constant 0 : i32
    %c0_i32_0 = arith.constant 0 : i32
    return %c0_i32, %arg0 : i32, i32
  }
  func.func @transform_2(%arg0: i32) -> (i32, i32) {
    %c0_i32 = arith.constant 0 : i32
    %c0_i32_0 = arith.constant 0 : i32
    %c0_i32_1 = arith.constant 0 : i32
    return %c0_i32, %c0_i32_0 : i32, i32
  }
  func.func @transform_3(%arg0: i32) -> (i32, i32) {
    %c0_i32 = arith.constant 0 : i32
    %c0_i32_0 = arith.constant 0 : i32
    %c0_i32_1 = arith.constant 0 : i32
    return %c0_i32, %c0_i32_0 : i32, i32
  }
  func.func @transform_4(%arg0: i32) -> (i32, i32) {
    %c0_i32 = arith.constant 0 : i32
    %c0_i32_0 = arith.constant 0 : i32
    %c0_i32_1 = arith.constant 0 : i32
    return %c0_i32, %c0_i32_0 : i32, i32
  }
  func.func @transform_5(%arg0: i32) -> (i32, i32) {
    %c0_i32 = arith.constant 0 : i32
    %c0_i32_0 = arith.constant 0 : i32
    return %arg0, %c0_i32 : i32, i32
  }
}

</mosaic_0001>

<sc_bundles>
// kernel: kernel.11.cloned.1.call-start
scs
__scs_entry_jumppad:
0x0: {  	(pc) =	sbr.rel $0x88, $3  }
0x1: {  	(tag) =	ssettag $0x0;
	lr =	simm.s32 $0x1  }
0x2: {  	[smem:$0x3F97] =	sst lr;
	_ =	strace $0xD0000000  }
0x3: {  	_ = 	snop  }
0x4: {  	_ = 	snop  }
0x5: {  	_ = 	snop  }
0x6: {  	_ = 	snop  }
0x7: {  	_ = 	snop  }
__scs_overlays_trampoline_lowered:
0x8: {  	[smem:$0x3FA6] =	sst s0  }
0x9: {  	[smem:$0x3FA7] =	sst s1  }
0xa: {  	[smem:$0x3FA8] =	sst s2  }
0xb: {  	[smem:$0x3FA9] =	sst s3  }
0xc: {  	[smem:$0x3FAA] =	sst s4  }
0xd: {  	[smem:$0x3FAB] =	sst s5  }
0xe: {  	[smem:$0x3FAC] =	sst s6  }
0xf: {  	[smem:$0x3FAD] =	sst s7  }
0x10: {  	[smem:$0x3FAE] =	sst s8  }
0x11: {  	[smem:$0x3FAF] =	sst s9;
	s0 =	simm.s32 @!p0 $0x0  }
0x12: {  	s1 =	sld [smem:$0x3F95];
	s0 =	simm.s32 @p0 $0x1  }
0x13: {  	[smem:$0x3FB0] =	sst s0;
	s0 =	simm.s32 @!p1 $0x0  }
0x14: {  	s2 =	sld [smem:$0x3F94];
	s0 =	simm.s32 @p1 $0x1  }
0x15: {  	[smem:$0x3FB1] =	sst s0;
	s0 =	simm.s32 @!p2 $0x0  }
0x16: {  	s3 =	sld [smem:$0x3FDB];
	s0 =	simm.s32 @p2 $0x1  }
0x17: {  	s4 =	simm.s32 $0x1BF5;
	[smem:$0x3FB3] =	sst s0  }
0x18: {  	s0 =	sld [smem:$0x3F96];
	_ =	swait.ge [sflag:s4], $0x0  }
0x19: {  	s7 =	sld [smem:$0x3F97]  }
0x1a: {  	s8 =	sadd.s32 $0xFFFFE003, lr  }
0x1b: {  	s9 =	sadd.s32 $0xFFFFFEF7, lr;
	s5 =	simm.s32 $0xFFFFFFFF;
	p2 =	slt.u32 s8, $0xFFFFF086  }
0x1c: {  	p1 =	slt.u32 s9, $0xF7A;
	s5 =	simm.s32 @!p2 $0x0  }
0x1d: {  	s5 =	simm.s32 @p1 $0x1;
	p0 =	seq.s32 s7, s2  }
0x1e: {  	s7 =	smul.u32 @!p0 $0xF7A, s2;
	p2 =	seq.s32 @!p0 s5, $0x0  }
0x1f: {  	s9 =	smul.u32 $0xF7A, s1;
	s8 =	simm.s32 @!p0 $0x1BF5;
	p2 =	por !p2, p0  }
0x20: {  	[sflag:s8] =	ssyncset.s32 @!p0 $0xFFFFF086;
	s6 =	sadd.s32 @!p0 s3, s7;
	s7 =	simm.s32 @!p0 $0x108  }
0x21: {  	s3 =	sadd.s32 s3, s9;
	s6 =	sadd.s32 @!p0 $0x88, s6;
	s7 =	simm.s32 @p2 $0x1082  }
0x22: {  	[simem:s7], [sflag:s8] =	dma.local @!p0 [hbm:s6], $0xF7A  }
0x23: {  	s9 =	sor.u32 $0xD0000000, s2;
	s6 =	simm.s32 $0x108;
	_ =	swait.ge @!p0 [sflag:s8], $0x0  }
0x24: {  	s3 =	sadd.s32 $0x88, s3;
	s6 =	simm.s32 @!p1 $0x1082;
	[sflag:s4] =	ssyncset.s32 $0xFFFFF086  }
0x25: {  	[simem:s6], [sflag:s4] =	dma.local [hbm:s3], $0xF7A  }
0x26: {  	[smem:$0x3F97] =	sst s1;
	(tag) =	ssettag s2;
	_ =	strace s9  }
0x27: {  	s1 =	sld [smem:$0x3FA7]  }
0x28: {  	s2 =	sld [smem:$0x3FA8]  }
0x29: {  	s4 =	sld [smem:$0x3FAA]  }
0x2a: {  	p0 =	seq.s32 s5, $0x0;
	s5 =	sld [smem:$0x3FAB]  }
0x2b: {  	s6 =	sld [smem:$0x3FAC]  }
0x2c: {  	s7 =	sld [smem:$0x3FAD]  }
0x2d: {  	s3 =	simm.s32 $0x108;
	s8 =	sld [smem:$0x3FAE]  }
0x2e: {  	s3 =	simm.s32 @!p0 $0x1082;
	s9 =	sld [smem:$0x3FAF]  }
0x2f: {  	lr =	sadd.s32 s0, s3;
	s0 =	sld [smem:$0x3FA6]  }
0x30: {  	s3 =	sld [smem:$0x3FA9]  }
0x31: {  	[smem:$0x3FB2] =	sst s10  }
0x32: {  	s10 =	sld [smem:$0x3FB0];
	_ =	sdelay $0x3  }
0x33: {  	p0 =	seq.s32 s10, $0x1;
	s10 =	sld [smem:$0x3FB2];
	_ =	sdelay $0x3  }
0x34: {  	[smem:$0x3FB2] =	sst s10  }
0x35: {  	s10 =	sld [smem:$0x3FB1];
	_ =	sdelay $0x3  }
0x36: {  	p1 =	seq.s32 s10, $0x1;
	s10 =	sld [smem:$0x3FB2];
	_ =	sdelay $0x3  }
0x37: {  	[smem:$0x3FB2] =	sst s10  }
0x38: {  	s10 =	sld [smem:$0x3FB3]  }
0x39: {  	_ = 	snop;
	(pc) =	sbr.ind lr, $3  }
0x3a: {  	_ = 	snop  }
0x3b: {  	_ = 	snop  }
0x3c: {  	p2 =	seq.s32 s10, $0x1;
	s10 =	sld [smem:$0x3FB2]  }
0x3d: {  	_ =	shalt  }
0x3e: {  	_ =	shalt  }
0x3f: {  	_ =	shalt  }
0x40: {  	_ =	shalt  }
0x41: {  	_ =	shalt  }
0x42: {  	_ =	shalt  }
0x43: {  	_ =	shalt  }
0x44: {  	_ =	shalt  }
0x45: {  	_ =	shalt  }
0x46: {  	_ =	shalt  }
0x47: {  	_ =	shalt  }
0x48: {  	_ =	shalt  }
0x49: {  	_ =	shalt  }
0x4a: {  	_ =	shalt  }
0x4b: {  	_ =	shalt  }
0x4c: {  	_ =	shalt  }
0x4d: {  	_ =	shalt  }
0x4e: {  	_ =	shalt  }
0x4f: {  	_ =	shalt  }
0x50: {  	_ =	shalt  }
0x51: {  	_ =	shalt  }
0x52: {  	_ =	shalt  }
0x53: {  	_ =	shalt  }
0x54: {  	_ =	shalt  }
0x55: {  	_ =	shalt  }
0x56: {  	_ =	shalt  }
0x57: {  	_ =	shalt  }
0x58: {  	_ =	shalt  }
0x59: {  	_ =	shalt  }
0x5a: {  	_ =	shalt  }
0x5b: {  	_ =	shalt  }
0x5c: {  	_ =	shalt  }
0x5d: {  	_ =	shalt  }
0x5e: {  	_ =	shalt  }
0x5f: {  	_ =	shalt  }
0x60: {  	_ =	shalt  }
0x61: {  	_ =	shalt  }
0x62: {  	_ =	shalt  }
0x63: {  	_ =	shalt  }
0x64: {  	_ =	shalt  }
0x65: {  	_ =	shalt  }
0x66: {  	_ =	shalt  }
0x67: {  	_ =	shalt  }
0x68: {  	_ =	shalt  }
0x69: {  	_ =	shalt  }
0x6a: {  	_ =	shalt  }
0x6b: {  	_ =	shalt  }
0x6c: {  	_ =	shalt  }
0x6d: {  	_ =	shalt  }
0x6e: {  	_ =	shalt  }
0x6f: {  	_ =	shalt  }
0x70: {  	_ =	shalt  }
0x71: {  	_ =	shalt  }
0x72: {  	_ =	shalt  }
0x73: {  	_ =	shalt  }
0x74: {  	_ =	shalt  }
0x75: {  	_ =	shalt  }
0x76: {  	_ =	shalt  }
0x77: {  	_ =	shalt  }
0x78: {  	_ =	shalt  }
0x79: {  	_ =	shalt  }
0x7a: {  	_ =	shalt  }
0x7b: {  	_ =	shalt  }
0x7c: {  	_ =	shalt  }
0x7d: {  	_ =	shalt  }
0x7e: {  	_ =	shalt  }
0x7f: {  	_ =	shalt  }
0x80: {  	_ =	shalt  }
0x81: {  	_ =	shalt  }
0x82: {  	_ =	shalt  }
0x83: {  	_ =	shalt  }
0x84: {  	_ =	shalt  }
0x85: {  	_ =	shalt  }
0x86: {  	_ =	shalt  }
0x87: {  	_ =	shalt  }
.Lfunc_end0:
.L_simem_size_0:
called_computation.1_lowered:
.L_overlay_start_0:
0x88: {  	s2 =	sld [smem:$0x3FD9]  }
0x89: {  	s3 =	sld [smem:$0x3FFE];
	_ =	sdelay $0x1  }
0x8a: {  	s1 =	srdreg.scid  }
0x8b: {  	s0 =	sand.u32 $0x1, s1  }
0x8c: {  	s16 =	sshll.u32 s0, $0xA;
	s2 =	sadd.s32 s3, s2  }
0x8d: {  	s2 =	sadd.s32 s2, s16  }
0x8e: {  	[smem:$0x3FBE] =	sst s2  }
0x8f: {  	_ = 	snop  }
0x90: {  	(tm) =	ssettm $0x1  }
0x91: {  	s17 =	sld [smem:$0x3FFB];
	_ =	sdelay $0x3  }
0x92: {  	_ =	strace s17  }
0x93: {  	s2 =	sld [smem:$0x3FFC];
	_ =	sdelay $0x3  }
0x94: {  	_ =	strace s2  }
0x95: {  	s2 =	sld [smem:$0x3FFD];
	_ =	sdelay $0x3  }
0x96: {  	_ =	strace s2  }
0x97: {  	_ =	strace $0x8FFFFFFF  }
0x98: {  	s18 =	sld [smem:$0x3FDB];
	_ =	sdelay $0x1  }
0x99: {  	s19 =	simm.s32 $_scs_section_size  }
0x9a: {  	s4 =	simm.s32 $_size__tile_overlayer_lowered;
	s5 =	simm.s32 $_tile_overlayer_lowered  }
0x9b: {  	s22 =	simm.s32 $0x1BFF;
	s21 =	sshll.u32 s5, $0x1;
	s2 =	sadd.s32 s19, s18  }
0x9c: {  	s6 =	simm.s32 $0x0;
	s20 =	sshll.u32 s4, $0x1;
	s4 =	sadd.s32 s21, s2  }
0x9d: {  	[timem:s6], [sflag:s22] =	dma.local [hbm:s4], s20  }
0x9e: {  	_ =	swait.ge [sflag:s22], s20  }
0x9f: {  	s3 =	ssub.s32 $0x0, s20;
	[sflag:s22] =	ssyncset.done $0x0  }
0xa0: {  	[sflag:s22] =	ssyncadd.s32 s3;
	_ =	sdelay $0x1  }
0xa1: {  	s23 =	simm.s32 $0x1B8B  }
0xa2: {  	_ =	swait.ge [sflag:s23], $0x1  }
0xa3: {  	[sflag:s23] =	ssyncset.done $0x0  }
0xa4: {  	s25 =	simm.s32 $0x1B8E;
	s24 =	sld [smem:$0x3FFE];
	[sflag:s23] =	ssyncadd.s32 $0xFFFFFFFF  }
0xa5: {  	s26 =	simm.s32 $execute0_lowered;
	[smem:$0x3FD2] =	sst s25  }
0xa6: {  	s4 =	sshll.u32 s26, $0x1;
	_ =	strace $0x80000049;
	[dreg:$0x1] =	wrdreg $0xFFFFFFFF  }
0xa7: {  	s28 =	simm.s32 $_size_execute0_lowered;
	s2 =	sadd.s32 s2, s4;
	[dreg:$0x0] =	wrdreg $0x0  }
0xa8: {  	s4 =	sshll.u32 s28, $0x1;
	[dreg:$0x2] =	wrdreg s2  }
0xa9: {  	[dreg:$0x3] =	wrdreg s4  }
0xaa: {  	[dreg:$0x4] =	wrdreg $0xC0  }
0xab: {  	_ =	task [dreg:s6], $0x5FFFF  }
0xac: {  	[dreg:$0x1] =	wrdreg $0xFFFFFFFF  }
0xad: {  	[dreg:$0x0] =	wrdreg $0x60  }
0xae: {  	[dreg:$0x2] =	wrdreg s24  }
0xaf: {  	[dreg:$0x3] =	wrdreg $0xB8000  }
0xb0: {  	[dreg:$0x4] =	wrdreg $0x9  }
0xb1: {  	_ =	task.clear_ibuf [dreg:s6], $0x5FFFF;
	_ =	strace $0x90000049  }
0xb2: {  	s29 =	simm.s32 $0x9;
	_ =	strace $0x8000004B  }
0xb3: {  	_ =	swait.ge [sflag:s29], $0x1  }
0xb4: {  	[sflag:s29] =	ssyncadd.s32 $0xFFFFFFFF  }
0xb5: {  	_ =	strace $0x9000004B  }
0xb6: {  	_ =	sfence  }
0xb7: {  	s30 =	sld [smem:$0x0];
	_ =	sdelay $0x2  }
0xb8: {  	s31 =	sshll.u32 s1, $0xD;
	s1 =	sshrl.u32 s1, $0x2  }
0xb9: {  	s3 =	sand.u32 $0x4000, s31;
	s1 =	sadd.s32 s1, s30  }
0xba: {  	s0 =	sor.u32 s3, s0;
	s1 =	sshll.u32 s1, $0x11  }
0xbb: {  	s0 =	sor.u32 s1, s0  }
0xbc: {  	s0 =	sadd.s32 $0x8F2B, s0  }
0xbd: {  	[sflag:s0] =	ssyncadd.remote.s32 $0x1  }
0xbe: {  	_ =	sfence.sel $0xFFFF  }
0xbf: {  	[dreg:$0x0] =	wrdreg $0xFFFFFFFF;
	(pc) =	sbr.abs _section_cstart, $3  }
0xc0: {  	[dreg:$0x1] =	wrdreg $0xFFFFFFFF  }
0xc1: {  	_ =	task.clear_ibuf [dreg:s6], $0x2FFFF;
	_ =	strace $0x9FFFFFFF  }
0xc2: {  	(tm) =	ssettm $0x7FFFFFFF  }
0xc3: {  	_ =	shalt  }
tec
execute0_lowered:
.L_overlay_start_1:
0x0: {  	(tag) =	ssettag $0x1  }
0x1: {  	s0 =	rddreg [dreg:$0x0]  }
0x2: {  	s2 =	rddreg [dreg:$0x1];
	s11 =	stileid.u32  }
0x3: {  	s1 =	srdreg.scid;
	s3 =	simm.s32 $0x0;
	s5 =	smul.u32 $0x280, s11  }
0x4: {  	s28 =	simm.s32 $0x5800;
	s29 =	simm.s32 $0x1;
	s7 =	smul.u32 $0x2280, s11  }
0x5: {  	s30 =	simm.s32 $0x0;
	s1 =	sand.u32 $0x1, s1;
	s25 =	smul.u32 $0x50000, s11  }
0x6: {  	[smem:$0x7FF] =	sst s3;
	s4 =	sadd.s32 $0x15600, s0;
	s10 =	smul.u32 $0x580, s11  }
0x7: {  	s8 =	sadd.s32 $0xB800, s0;
	s9 =	sadd.s32 $0x1A00, s0;
	s11 =	smul.u32 $0x14000, s11  }
0x8: {  	s6 =	smul.u32 $0x2800, s1;
	_ =	strace $0x8000004A;
	s23 =	ssub.s32 $0x2, s1  }
0x9: {  	p0 =	sne.s32 s1, $0x0;
	s24 =	sshrl.u32 s23, $0x1;
	s26 =	sshrl.u32 s7, $0x3  }
0xa: {  	s13 =	sor.u32 $0x2000, s11;
	s14 =	sshrl.u32 s11, $0x3;
	s16 =	sadd.s32 $0x4000, s11  }
0xb: {  	s20 =	sadd.s32 $0x6000, s11;
	s5 =	sadd.s32 s5, s6;
	s6 =	sadd.s32 $0x5800, s26  }
0xc: {  	s15 =	sshrl.u32 s13, $0x3;
	s18 =	sshrl.u32 s16, $0x3;
	s21 =	sadd.s32 s16, s2  }
0xd: {  	s22 =	sshrl.u32 s20, $0x3;
	s31 =	sadd.s32 s8, s6;
	[dreg:$0xb] =	wrdreg s21  }
0xe: {  	s5 =	sshll.u32 s5, $0x4;
	s6 =	sadd.s32 s9, s6;
	[dreg:$0x3] =	wrdreg s31  }
0xf: {  	s8 =	sadd.s32 s8, s10;
	s10 =	sadd.s32 s9, s10;
	[dreg:$0x4] =	wrdreg s6  }
0x10: {  	s17 =	sadd.s32 s4, s15;
	s19 =	sadd.s32 s4, s18;
	[dreg:$0x5] =	wrdreg s8  }
0x11: {  	s15 =	sadd.s32 $0xE000, s11;
	s18 =	sadd.s32 $0x10000, s11;
	[dreg:$0x6] =	wrdreg s10  }
0x12: {  	s12 =	sadd.s32 s5, s0;
	s0 =	ssub.s32 s23, s24;
	[dreg:$0x8] =	wrdreg s17  }
0x13: {  	s5 =	sshrl.u32 s25, $0x2;
	s6 =	sadd.s32 s4, s14;
	[dreg:$0xa] =	wrdreg s19  }
0x14: {  	s23 =	sadd.s32 $0x8000, s11;
	s25 =	sadd.s32 $0xA000, s11;
	s17 =	sshrl.u32 s15, $0x3  }
0x15: {  	s19 =	sadd.s32 s11, s2;
	s21 =	sshrl.u32 s18, $0x3;
	s7 =	sadd.s32 s5, s2  }
0x16: {  	[dreg:$0x7] =	wrdreg s6;
	s5 =	sadd.s32 s13, s2;
	s6 =	sadd.s32 s4, s22  }
0x17: {  	s24 =	sshrl.u32 s23, $0x3;
	s31 =	sshrl.u32 s25, $0x3;
	s10 =	sadd.s32 s23, s2  }
0x18: {  	s13 =	sadd.s32 $0xC000, s11;
	s16 =	sadd.s32 s25, s2;
	[dreg:$0x15] =	wrdreg s19  }
0x19: {  	s22 =	sadd.s32 s4, s21;
	s8 =	sadd.s32 $0x3EA00, s12;
	[dreg:$0x9] =	wrdreg s5  }
0x1a: {  	s9 =	sadd.s32 $0x3EE00, s12;
	[dreg:$0xc] =	wrdreg s6;
	s5 =	sadd.s32 s20, s2  }
0x1b: {  	s26 =	sadd.s32 s4, s24;
	[dreg:$0xf] =	wrdreg s10;
	s14 =	sshrl.u32 s13, $0x3  }
0x1c: {  	[dreg:$0x11] =	wrdreg s16;
	s20 =	sadd.s32 $0x12000, s11;
	s6 =	sadd.s32 s15, s2  }
0x1d: {  	[dreg:$0x17] =	wrdreg s22;
	s10 =	sadd.s32 $0x3F200, s12;
	s11 =	sadd.s32 $0x3F600, s12  }
0x1e: {  	s15 =	sadd.s32 $0x4000, s7;
	s16 =	sadd.s32 $0x6000, s7;
	s19 =	sadd.s32 $0xC000, s7  }
0x1f: {  	s21 =	sadd.s32 $0x10000, s7;
	s22 =	sadd.s32 $0x12000, s7;
	[dreg:$0xd] =	wrdreg s5  }
0x20: {  	[dreg:$0xe] =	wrdreg s26;
	s5 =	sadd.s32 s4, s31;
	s1 =	sadd.s32 s4, s14  }
0x21: {  	[dreg:$0x16] =	wrdreg s6;
	s23 =	sshrl.u32 s20, $0x3;
	s25 =	sadd.s32 s20, s2  }
0x22: {  	s26 =	sadd.s32 $0x3D600, s12;
	s31 =	sadd.s32 $0x3DA00, s12;
	[dreg:$0x10] =	wrdreg s5  }
0x23: {  	s6 =	sadd.s32 $0x3E600, s12;
	s14 =	sadd.s32 $0x2000, s7;
	[dreg:$0x12] =	wrdreg s1  }
0x24: {  	s20 =	sadd.s32 $0xE000, s7;
	s5 =	sadd.s32 s13, s2;
	[dreg:$0x1a] =	wrdreg s25  }
0x25: {  	s1 =	sadd.s32 s4, s17;
	s24 =	sadd.s32 s4, s23;
	[dreg:$0x1b] =	wrdreg s26  }
0x26: {  	[dreg:$0x1c] =	wrdreg s31;
	s13 =	smax.u32 s0, $0x1;
	s17 =	sadd.s32 $0x8000, s7  }
0x27: {  	s23 =	simm.s32 $0x2;
	s25 =	simm.s32 $0x9800;
	[dreg:$0x13] =	wrdreg s5  }
0x28: {  	s26 =	simm.s32 $0x80;
	[dreg:$0x14] =	wrdreg s1;
	s1 =	sadd.s32 s18, s2  }
0x29: {  	[dreg:$0x19] =	wrdreg s24;
	s5 =	sadd.s32 $0x3E200, s12;
	s18 =	sadd.s32 $0xA000, s7  }
0x2a: {  	v0 =	vimm.f32 $0.0e+00;
	[dreg:$0x18] =	wrdreg s1;
	s1 =	sadd.s32 $0x3DE00, s12;
	s12 =	sadd.s32 $0x3FA00, s12  }
.LBB2_1:
.Ltmp0:
0x2b: {  	(pc) =	sbr.rel @p0 .LBB2_3-.Ltmp0, $1  }
0x2c: {  	_ =	sdelay $0x3  }
0x2d: {  	s0 =	rddreg [dreg:$0x5]  }
0x2e: {  	[tilespmem:s3], [sflag:$0x2] =	stream.linear.gather [hbm4b:s0+s3], $0x2C00, $0x38;
	[tilespmem:$0x1F800] =	vst v63  }
0x2f: {  	_ =	swait.ge [sflag:s23], $0x2C00  }
0x30: {  	[sflag:s23] =	ssyncset.done $0x0  }
0x31: {  	s24 =	simm.s32 $0x2C00;
	s31 =	rddreg [dreg:$0x6];
	[sflag:s23] =	ssyncadd.s32 $0xFFFFD400  }
0x32: {  	[tilespmem:s24], [sflag:$0x2] =	stream.linear.gather [hbm4b:s31+s3], $0x2C00, $0x38;
	[tilespmem:$0x1F800] =	vst v63  }
0x33: {  	_ =	swait.ge [sflag:s23], $0x2C00  }
0x34: {  	[sflag:s23] =	ssyncset.done $0x0  }
0x35: {  	s31 =	rddreg [dreg:$0x7];
	[sflag:s23] =	ssyncadd.s32 $0xFFFFD400  }
0x36: {  	[tilespmem:s25], [sflag:$0x2] =	stream.linear.gather [hbm4b:s31+s3], $0x2000, $0x38;
	[tilespmem:$0x1F800] =	vst v63  }
0x37: {  	_ =	swait.ge [sflag:s23], $0x2000  }
0x38: {  	[sflag:s23] =	ssyncset.done $0x0  }
0x39: {  	s24 =	rddreg [dreg:$0x15];
	[sflag:s23] =	ssyncadd.s32 $0xFFFFE000  }
0x3a: {  	[spmem:s24] =	stream.linear.scatter [tilespmem:s25], [sflag:$0x2], $0x2000, $0x38;
	[tilespmem:$0x1F800] =	vst v63  }
0x3b: {  	_ =	swait.ge [sflag:s23], $0x2000  }
0x3c: {  	[sflag:s23] =	ssyncset.done $0x0  }
0x3d: {  	s31 =	rddreg [dreg:$0x8];
	[sflag:s23] =	ssyncadd.s32 $0xFFFFE000  }
0x3e: {  	[tilespmem:s25], [sflag:$0x2] =	stream.linear.gather [hbm4b:s31+s3], $0x2000, $0x38;
	[tilespmem:$0x1F800] =	vst v63  }
0x3f: {  	_ =	swait.ge [sflag:s23], $0x2000  }
0x40: {  	[sflag:s23] =	ssyncset.done $0x0  }
0x41: {  	s24 =	rddreg [dreg:$0x9];
	[sflag:s23] =	ssyncadd.s32 $0xFFFFE000  }
0x42: {  	[spmem:s24] =	stream.linear.scatter [tilespmem:s25], [sflag:$0x2], $0x2000, $0x38;
	[tilespmem:$0x1F800] =	vst v63  }
0x43: {  	_ =	swait.ge [sflag:s23], $0x2000  }
0x44: {  	[sflag:s23] =	ssyncset.done $0x0  }
0x45: {  	s31 =	rddreg [dreg:$0xa];
	[sflag:s23] =	ssyncadd.s32 $0xFFFFE000  }
0x46: {  	[tilespmem:s25], [sflag:$0x2] =	stream.linear.gather [hbm4b:s31+s3], $0x2000, $0x38;
	[tilespmem:$0x1F800] =	vst v63  }
0x47: {  	_ =	swait.ge [sflag:s23], $0x2000  }
0x48: {  	[sflag:s23] =	ssyncset.done $0x0  }
0x49: {  	s24 =	rddreg [dreg:$0xb];
	[sflag:s23] =	ssyncadd.s32 $0xFFFFE000  }
0x4a: {  	[spmem:s24] =	stream.linear.scatter [tilespmem:s25], [sflag:$0x2], $0x2000, $0x38;
	[tilespmem:$0x1F800] =	vst v63  }
0x4b: {  	_ =	swait.ge [sflag:s23], $0x2000  }
0x4c: {  	[sflag:s23] =	ssyncset.done $0x0  }
0x4d: {  	s31 =	rddreg [dreg:$0xc];
	[sflag:s23] =	ssyncadd.s32 $0xFFFFE000  }
0x4e: {  	[tilespmem:s25], [sflag:$0x2] =	stream.linear.gather [hbm4b:s31+s3], $0x2000, $0x38;
	[tilespmem:$0x1F800] =	vst v63  }
0x4f: {  	_ =	swait.ge [sflag:s23], $0x2000  }
0x50: {  	[sflag:s23] =	ssyncset.done $0x0  }
0x51: {  	s24 =	rddreg [dreg:$0xd];
	[sflag:s23] =	ssyncadd.s32 $0xFFFFE000  }
0x52: {  	[spmem:s24] =	stream.linear.scatter [tilespmem:s25], [sflag:$0x2], $0x2000, $0x38;
	[tilespmem:$0x1F800] =	vst v63  }
0x53: {  	_ =	swait.ge [sflag:s23], $0x2000  }
0x54: {  	[sflag:s23] =	ssyncset.done $0x0  }
0x55: {  	s31 =	rddreg [dreg:$0xe];
	[sflag:s23] =	ssyncadd.s32 $0xFFFFE000  }
0x56: {  	[tilespmem:s25], [sflag:$0x2] =	stream.linear.gather [hbm4b:s31+s3], $0x2000, $0x38;
	[tilespmem:$0x1F800] =	vst v63  }
0x57: {  	_ =	swait.ge [sflag:s23], $0x2000  }
0x58: {  	[sflag:s23] =	ssyncset.done $0x0  }
0x59: {  	s24 =	rddreg [dreg:$0xf];
	[sflag:s23] =	ssyncadd.s32 $0xFFFFE000  }
0x5a: {  	[spmem:s24] =	stream.linear.scatter [tilespmem:s25], [sflag:$0x2], $0x2000, $0x38;
	[tilespmem:$0x1F800] =	vst v63  }
0x5b: {  	_ =	swait.ge [sflag:s23], $0x2000  }
0x5c: {  	[sflag:s23] =	ssyncset.done $0x0  }
0x5d: {  	s31 =	rddreg [dreg:$0x10];
	[sflag:s23] =	ssyncadd.s32 $0xFFFFE000  }
0x5e: {  	[tilespmem:s25], [sflag:$0x2] =	stream.linear.gather [hbm4b:s31+s3], $0x2000, $0x38;
	[tilespmem:$0x1F800] =	vst v63  }
0x5f: {  	_ =	swait.ge [sflag:s23], $0x2000  }
0x60: {  	[sflag:s23] =	ssyncset.done $0x0  }
0x61: {  	s24 =	rddreg [dreg:$0x11];
	[sflag:s23] =	ssyncadd.s32 $0xFFFFE000  }
0x62: {  	[spmem:s24] =	stream.linear.scatter [tilespmem:s25], [sflag:$0x2], $0x2000, $0x38;
	[tilespmem:$0x1F800] =	vst v63  }
0x63: {  	_ =	swait.ge [sflag:s23], $0x2000  }
0x64: {  	[sflag:s23] =	ssyncset.done $0x0  }
0x65: {  	s31 =	rddreg [dreg:$0x12];
	[sflag:s23] =	ssyncadd.s32 $0xFFFFE000  }
0x66: {  	[tilespmem:s25], [sflag:$0x2] =	stream.linear.gather [hbm4b:s31+s3], $0x2000, $0x38;
	[tilespmem:$0x1F800] =	vst v63  }
0x67: {  	_ =	swait.ge [sflag:s23], $0x2000  }
0x68: {  	[sflag:s23] =	ssyncset.done $0x0  }
0x69: {  	s24 =	rddreg [dreg:$0x13];
	[sflag:s23] =	ssyncadd.s32 $0xFFFFE000  }
0x6a: {  	[spmem:s24] =	stream.linear.scatter [tilespmem:s25], [sflag:$0x2], $0x2000, $0x38;
	[tilespmem:$0x1F800] =	vst v63  }
0x6b: {  	_ =	swait.ge [sflag:s23], $0x2000  }
0x6c: {  	[sflag:s23] =	ssyncset.done $0x0  }
0x6d: {  	s31 =	rddreg [dreg:$0x14];
	[sflag:s23] =	ssyncadd.s32 $0xFFFFE000  }
0x6e: {  	[tilespmem:s25], [sflag:$0x2] =	stream.linear.gather [hbm4b:s31+s3], $0x2000, $0x38;
	[tilespmem:$0x1F800] =	vst v63  }
0x6f: {  	_ =	swait.ge [sflag:s23], $0x2000  }
0x70: {  	[sflag:s23] =	ssyncset.done $0x0  }
0x71: {  	s24 =	rddreg [dreg:$0x16];
	[sflag:s23] =	ssyncadd.s32 $0xFFFFE000  }
0x72: {  	[spmem:s24] =	stream.linear.scatter [tilespmem:s25], [sflag:$0x2], $0x2000, $0x38;
	[tilespmem:$0x1F800] =	vst v63  }
0x73: {  	_ =	swait.ge [sflag:s23], $0x2000  }
0x74: {  	[sflag:s23] =	ssyncset.done $0x0  }
0x75: {  	s31 =	rddreg [dreg:$0x17];
	[sflag:s23] =	ssyncadd.s32 $0xFFFFE000  }
0x76: {  	[tilespmem:s25], [sflag:$0x2] =	stream.linear.gather [hbm4b:s31+s3], $0x2000, $0x38;
	[tilespmem:$0x1F800] =	vst v63  }
0x77: {  	_ =	swait.ge [sflag:s23], $0x2000  }
0x78: {  	[sflag:s23] =	ssyncset.done $0x0  }
0x79: {  	s24 =	rddreg [dreg:$0x18];
	[sflag:s23] =	ssyncadd.s32 $0xFFFFE000  }
0x7a: {  	[spmem:s24] =	stream.linear.scatter [tilespmem:s25], [sflag:$0x2], $0x2000, $0x38;
	[tilespmem:$0x1F800] =	vst v63  }
.Ltmp1:
0x7b: {  	_ = 	snop;
	(pc) =	sbr.rel .LBB2_6-.Ltmp1, $4  }
0x7c: {  	_ =	swait.ge [sflag:s23], $0x2000  }
0x7d: {  	[sflag:s23] =	ssyncset.done $0x0;
	s31 =	rddreg [dreg:$0x19]  }
0x7e: {  	s0 =	simm.s32 $0x58;
	s24 =	rddreg [dreg:$0x1a];
	[sflag:s23] =	ssyncadd.s32 $0xFFFFE000  }
0x7f: {  	[tilespmem:s25], [sflag:$0x2] =	stream.linear.gather [hbm4b:s31+s3], $0x2000, $0x38;
	[tilespmem:$0x1F800] =	vst v63  }
.LBB2_3:
0x80: {  	s0 =	simm.s32 $0x0;
	s24 =	rddreg [dreg:$0x3]  }
0x81: {  	[tilespmem:s0], [sflag:$0x2] =	stream.linear.gather [hbm4b:s24+s0], $0x2280, $0x38;
	[tilespmem:$0x1F800] =	vst v63  }
0x82: {  	_ =	swait.ge [sflag:s23], $0x2280  }
0x83: {  	[sflag:s23] =	ssyncset.done $0x0  }
0x84: {  	s31 =	simm.s32 $0x2C00;
	s24 =	rddreg [dreg:$0x4];
	[sflag:s23] =	ssyncadd.s32 $0xFFFFDD80  }
0x85: {  	[tilespmem:s31], [sflag:$0x2] =	stream.linear.gather [hbm4b:s24+s0], $0x2280, $0x38;
	[tilespmem:$0x1F800] =	vst v63  }
0x86: {  	_ =	swait.ge [sflag:s23], $0x2280  }
0x87: {  	[sflag:s23] =	ssyncset.done $0x0  }
0x88: {  	s24 =	simm.s32 $0x0;
	s0 =	simm.s32 $0x200;
	[sflag:s23] =	ssyncadd.s32 $0xFFFFDD80  }
.LBB2_4:
0x89: {  	p1 =	sne.s32 s0, $0x7E00;
	[tilespmem:s24+$0x9870] =	vst v0  }
0x8a: {  	[tilespmem:s24+$0x9800] =	vst v0  }
0x8b: {  	[tilespmem:s24+$0x9810] =	vst v0  }
.Ltmp2:
0x8c: {  	[tilespmem:s24+$0x9820] =	vst v0;
	(pc) =	sbr.rel @p1 .LBB2_4-.Ltmp2, $4  }
0x8d: {  	[tilespmem:s24+$0x9830] =	vst v0  }
0x8e: {  	[tilespmem:s24+$0x9840] =	vst v0  }
0x8f: {  	[tilespmem:s24+$0x9850] =	vst v0  }
0x90: {  	[tilespmem:s24+$0x9860] =	vst v0;
	s24 =	sshra.s32 s0, $0x2;
	s0 =	sadd.s32 $0x200, s0  }
0x91: {  	[tilespmem:s24+$0x9870] =	vst v0  }
0x92: {  	[tilespmem:s24+$0x9800] =	vst v0  }
0x93: {  	[tilespmem:s24+$0x9810] =	vst v0  }
0x94: {  	[tilespmem:s24+$0x9820] =	vst v0  }
0x95: {  	[tilespmem:s24+$0x9830] =	vst v0  }
0x96: {  	[tilespmem:s24+$0x9840] =	vst v0  }
0x97: {  	[tilespmem:s24+$0x9850] =	vst v0  }
0x98: {  	[tilespmem:s24+$0x9860] =	vst v0  }
0x99: {  	[spmem:s7] =	stream.linear.scatter [tilespmem:s25], [sflag:$0x2], $0x2000, $0x38;
	[tilespmem:$0x1F800] =	vst v63  }
0x9a: {  	_ =	swait.ge [sflag:s23], $0x2000  }
0x9b: {  	[sflag:s23] =	ssyncset.done $0x0  }
0x9c: {  	[sflag:s23] =	ssyncadd.s32 $0xFFFFE000  }
0x9d: {  	[spmem:s14] =	stream.linear.scatter [tilespmem:s25], [sflag:$0x2], $0x2000, $0x38;
	[tilespmem:$0x1F800] =	vst v63  }
0x9e: {  	_ =	swait.ge [sflag:s23], $0x2000  }
0x9f: {  	[sflag:s23] =	ssyncset.done $0x0  }
0xa0: {  	[sflag:s23] =	ssyncadd.s32 $0xFFFFE000  }
0xa1: {  	[spmem:s15] =	stream.linear.scatter [tilespmem:s25], [sflag:$0x2], $0x2000, $0x38;
	[tilespmem:$0x1F800] =	vst v63  }
0xa2: {  	_ =	swait.ge [sflag:s23], $0x2000  }
0xa3: {  	[sflag:s23] =	ssyncset.done $0x0  }
0xa4: {  	[sflag:s23] =	ssyncadd.s32 $0xFFFFE000  }
0xa5: {  	[spmem:s16] =	stream.linear.scatter [tilespmem:s25], [sflag:$0x2], $0x2000, $0x38;
	[tilespmem:$0x1F800] =	vst v63  }
0xa6: {  	_ =	swait.ge [sflag:s23], $0x2000  }
0xa7: {  	[sflag:s23] =	ssyncset.done $0x0  }
0xa8: {  	[sflag:s23] =	ssyncadd.s32 $0xFFFFE000  }
0xa9: {  	[spmem:s17] =	stream.linear.scatter [tilespmem:s25], [sflag:$0x2], $0x2000, $0x38;
	[tilespmem:$0x1F800] =	vst v63  }
0xaa: {  	_ =	swait.ge [sflag:s23], $0x2000  }
0xab: {  	[sflag:s23] =	ssyncset.done $0x0  }
0xac: {  	[sflag:s23] =	ssyncadd.s32 $0xFFFFE000  }
0xad: {  	[spmem:s18] =	stream.linear.scatter [tilespmem:s25], [sflag:$0x2], $0x2000, $0x38;
	[tilespmem:$0x1F800] =	vst v63  }
0xae: {  	_ =	swait.ge [sflag:s23], $0x2000  }
0xaf: {  	[sflag:s23] =	ssyncset.done $0x0  }
0xb0: {  	[sflag:s23] =	ssyncadd.s32 $0xFFFFE000  }
0xb1: {  	[spmem:s19] =	stream.linear.scatter [tilespmem:s25], [sflag:$0x2], $0x2000, $0x38;
	[tilespmem:$0x1F800] =	vst v63  }
0xb2: {  	_ =	swait.ge [sflag:s23], $0x2000  }
0xb3: {  	[sflag:s23] =	ssyncset.done $0x0  }
0xb4: {  	[sflag:s23] =	ssyncadd.s32 $0xFFFFE000  }
0xb5: {  	[spmem:s20] =	stream.linear.scatter [tilespmem:s25], [sflag:$0x2], $0x2000, $0x38;
	[tilespmem:$0x1F800] =	vst v63  }
0xb6: {  	_ =	swait.ge [sflag:s23], $0x2000  }
0xb7: {  	[sflag:s23] =	ssyncset.done $0x0  }
0xb8: {  	s0 =	simm.s32 $0x45;
	s24 =	smov.u32 s22;
	[sflag:s23] =	ssyncadd.s32 $0xFFFFE000  }
0xb9: {  	[spmem:s21] =	stream.linear.scatter [tilespmem:s25], [sflag:$0x2], $0x2000, $0x38;
	[tilespmem:$0x1F800] =	vst v63  }
.LBB2_6:
0xba: {  	_ =	swait.ge [sflag:s23], $0x2000  }
0xbb: {  	[sflag:s23] =	ssyncset.done $0x0  }
0xbc: {  	[sflag:s23] =	ssyncadd.s32 $0xFFFFE000  }
0xbd: {  	[spmem:s24] =	stream.linear.scatter [tilespmem:s25], [sflag:$0x2], $0x2000, $0x38;
	[tilespmem:$0x1F800] =	vst v63  }
0xbe: {  	_ =	swait.ge [sflag:s23], $0x2000  }
0xbf: {  	[sflag:s23] =	ssyncset.done $0x0  }
0xc0: {  	[sflag:s23] =	ssyncadd.s32 $0xFFFFE000  }
0xc1: {  	s24 =	simm.s32 $0x0;
	[bflag:$0x0] =	sbarrier.arrive $0xFFFF  }
0xc2: {  	[tilespmem:s28], [sflag:$0x1] =	stream.indirect.gather [hbm4b:s4+s26], $0x80, s24, s26, $0xb8;
	[tilespmem:$0x1F800] =	vst v63  }
0xc3: {  	p1 =	sne.s32 s0, $0x1;
	_ =	swait.ge [sflag:s29], $0x4000  }
.Ltmp3:
0xc4: {  	[sflag:s29] =	ssyncset.done $0x0;
	(pc) =	sbr.rel @!p1 .LBB2_8-.Ltmp3, $4  }
0xc5: {  	s31 =	simm.s32 $0x2C00;
	[sflag:s29] =	ssyncadd.s32 $0xFFFFC000  }
0xc6: {  	[spmem:s2] =	stream.indirect.scatter.add.f32 [tilespmem:s28], [sflag:$0x2], $0x80, s31, s26, $0xb8;
	[tilespmem:$0x1F800] =	vst v63  }
0xc7: {  	_ =	swait.ge [sflag:s23], $0x4000  }
0xc8: {  	s0 =	sadd.s32 $0xFFFFFFFF, s0;
	[sflag:s23] =	ssyncset.done $0x0  }
.LBB2_7:
0xc9: {  	[sflag:s23] =	ssyncadd.s32 $0xFFFFC000;
	s24 =	sadd.s32 $0x80, s24;
	s31 =	sadd.s32 $0x80, s31  }
0xca: {  	[tilespmem:s28], [sflag:$0x1] =	stream.indirect.gather [hbm4b:s4+s26], $0x80, s24, s26, $0xb8;
	[tilespmem:$0x1F800] =	vst v63  }
0xcb: {  	p1 =	sne.s32 s0, $0x1;
	s0 =	sadd.s32 $0xFFFFFFFF, s0;
	_ =	swait.ge [sflag:s29], $0x4000  }
.Ltmp4:
0xcc: {  	[sflag:s29] =	ssyncset.done $0x0;
	(pc) =	sbr.rel @p1 .LBB2_7-.Ltmp4, $4  }
0xcd: {  	[sflag:s29] =	ssyncadd.s32 $0xFFFFC000  }
0xce: {  	[spmem:s2] =	stream.indirect.scatter.add.f32 [tilespmem:s28], [sflag:$0x2], $0x80, s31, s26, $0xb8;
	[tilespmem:$0x1F800] =	vst v63  }
0xcf: {  	_ =	swait.ge [sflag:s23], $0x4000  }
0xd0: {  	[sflag:s23] =	ssyncset.done $0x0  }
.LBB2_8:
0xd1: {  	[sflag:s23] =	ssyncadd.s32 $0xFFFFC000  }
0xd2: {  	[bflag:$0x0] =	sbarrier.arrive $0xFFFF  }
0xd3: {  	[tilespmem:s25], [sflag:$0x2] =	stream.linear.gather [spmem:s7], $0x2000, $0x38;
	[tilespmem:$0x1F800] =	vst v63  }
0xd4: {  	_ =	swait.ge [sflag:s23], $0x2000  }
0xd5: {  	[sflag:s23] =	ssyncset.done $0x0  }
0xd6: {  	s0 =	rddreg [dreg:$0x1b];
	[sflag:s23] =	ssyncadd.s32 $0xFFFFE000  }
0xd7: {  	[hbm4b:s0+s3] =	stream.linear.scatter [tilespmem:s25], [sflag:$0x2], $0x2000, $0x38;
	[tilespmem:$0x1F800] =	vst v63  }
0xd8: {  	_ =	swait.ge [sflag:s23], $0x2000  }
0xd9: {  	[sflag:s23] =	ssyncset.done $0x0  }
0xda: {  	[sflag:s23] =	ssyncadd.s32 $0xFFFFE000  }
0xdb: {  	[tilespmem:s25], [sflag:$0x2] =	stream.linear.gather [spmem:s14], $0x2000, $0x38;
	[tilespmem:$0x1F800] =	vst v63  }
0xdc: {  	_ =	swait.ge [sflag:s23], $0x2000  }
0xdd: {  	[sflag:s23] =	ssyncset.done $0x0  }
0xde: {  	s31 =	rddreg [dreg:$0x1c];
	[sflag:s23] =	ssyncadd.s32 $0xFFFFE000  }
0xdf: {  	[hbm4b:s31+s3] =	stream.linear.scatter [tilespmem:s25], [sflag:$0x2], $0x2000, $0x38;
	[tilespmem:$0x1F800] =	vst v63  }
0xe0: {  	_ =	swait.ge [sflag:s23], $0x2000  }
0xe1: {  	[sflag:s23] =	ssyncset.done $0x0  }
0xe2: {  	[sflag:s23] =	ssyncadd.s32 $0xFFFFE000  }
0xe3: {  	[tilespmem:s25], [sflag:$0x2] =	stream.linear.gather [spmem:s15], $0x2000, $0x38;
	[tilespmem:$0x1F800] =	vst v63  }
0xe4: {  	_ =	swait.ge [sflag:s23], $0x2000  }
0xe5: {  	[sflag:s23] =	ssyncset.done $0x0  }
0xe6: {  	[sflag:s23] =	ssyncadd.s32 $0xFFFFE000  }
0xe7: {  	[hbm4b:s1+s3] =	stream.linear.scatter [tilespmem:s25], [sflag:$0x2], $0x2000, $0x38;
	[tilespmem:$0x1F800] =	vst v63  }
0xe8: {  	_ =	swait.ge [sflag:s23], $0x2000  }
0xe9: {  	[sflag:s23] =	ssyncset.done $0x0  }
0xea: {  	[sflag:s23] =	ssyncadd.s32 $0xFFFFE000  }
0xeb: {  	[tilespmem:s25], [sflag:$0x2] =	stream.linear.gather [spmem:s16], $0x2000, $0x38;
	[tilespmem:$0x1F800] =	vst v63  }
0xec: {  	_ =	swait.ge [sflag:s23], $0x2000  }
0xed: {  	[sflag:s23] =	ssyncset.done $0x0  }
0xee: {  	[sflag:s23] =	ssyncadd.s32 $0xFFFFE000  }
0xef: {  	[hbm4b:s5+s3] =	stream.linear.scatter [tilespmem:s25], [sflag:$0x2], $0x2000, $0x38;
	[tilespmem:$0x1F800] =	vst v63  }
0xf0: {  	_ =	swait.ge [sflag:s23], $0x2000  }
0xf1: {  	[sflag:s23] =	ssyncset.done $0x0  }
0xf2: {  	[sflag:s23] =	ssyncadd.s32 $0xFFFFE000  }
0xf3: {  	[tilespmem:s25], [sflag:$0x2] =	stream.linear.gather [spmem:s17], $0x2000, $0x38;
	[tilespmem:$0x1F800] =	vst v63  }
0xf4: {  	_ =	swait.ge [sflag:s23], $0x2000  }
0xf5: {  	[sflag:s23] =	ssyncset.done $0x0  }
0xf6: {  	[sflag:s23] =	ssyncadd.s32 $0xFFFFE000  }
0xf7: {  	[hbm4b:s6+s3] =	stream.linear.scatter [tilespmem:s25], [sflag:$0x2], $0x2000, $0x38;
	[tilespmem:$0x1F800] =	vst v63  }
0xf8: {  	_ =	swait.ge [sflag:s23], $0x2000  }
0xf9: {  	[sflag:s23] =	ssyncset.done $0x0  }
0xfa: {  	[sflag:s23] =	ssyncadd.s32 $0xFFFFE000  }
0xfb: {  	[tilespmem:s25], [sflag:$0x2] =	stream.linear.gather [spmem:s18], $0x2000, $0x38;
	[tilespmem:$0x1F800] =	vst v63  }
0xfc: {  	_ =	swait.ge [sflag:s23], $0x2000  }
0xfd: {  	[sflag:s23] =	ssyncset.done $0x0  }
0xfe: {  	[sflag:s23] =	ssyncadd.s32 $0xFFFFE000  }
0xff: {  	[hbm4b:s8+s3] =	stream.linear.scatter [tilespmem:s25], [sflag:$0x2], $0x2000, $0x38;
	[tilespmem:$0x1F800] =	vst v63  }
0x100: {  	_ =	swait.ge [sflag:s23], $0x2000  }
0x101: {  	[sflag:s23] =	ssyncset.done $0x0  }
0x102: {  	[sflag:s23] =	ssyncadd.s32 $0xFFFFE000  }
0x103: {  	[tilespmem:s25], [sflag:$0x2] =	stream.linear.gather [spmem:s19], $0x2000, $0x38;
	[tilespmem:$0x1F800] =	vst v63  }
0x104: {  	_ =	swait.ge [sflag:s23], $0x2000  }
0x105: {  	[sflag:s23] =	ssyncset.done $0x0  }
0x106: {  	[sflag:s23] =	ssyncadd.s32 $0xFFFFE000  }
0x107: {  	[hbm4b:s9+s3] =	stream.linear.scatter [tilespmem:s25], [sflag:$0x2], $0x2000, $0x38;
	[tilespmem:$0x1F800] =	vst v63  }
0x108: {  	_ =	swait.ge [sflag:s23], $0x2000  }
0x109: {  	[sflag:s23] =	ssyncset.done $0x0  }
0x10a: {  	[sflag:s23] =	ssyncadd.s32 $0xFFFFE000  }
0x10b: {  	[tilespmem:s25], [sflag:$0x2] =	stream.linear.gather [spmem:s20], $0x2000, $0x38;
	[tilespmem:$0x1F800] =	vst v63  }
0x10c: {  	_ =	swait.ge [sflag:s23], $0x2000  }
0x10d: {  	[sflag:s23] =	ssyncset.done $0x0  }
0x10e: {  	[sflag:s23] =	ssyncadd.s32 $0xFFFFE000  }
0x10f: {  	[hbm4b:s10+s3] =	stream.linear.scatter [tilespmem:s25], [sflag:$0x2], $0x2000, $0x38;
	[tilespmem:$0x1F800] =	vst v63  }
0x110: {  	_ =	swait.ge [sflag:s23], $0x2000  }
0x111: {  	[sflag:s23] =	ssyncset.done $0x0  }
0x112: {  	[sflag:s23] =	ssyncadd.s32 $0xFFFFE000  }
0x113: {  	[tilespmem:s25], [sflag:$0x2] =	stream.linear.gather [spmem:s21], $0x2000, $0x38;
	[tilespmem:$0x1F800] =	vst v63  }
0x114: {  	_ =	swait.ge [sflag:s23], $0x2000  }
0x115: {  	[sflag:s23] =	ssyncset.done $0x0  }
0x116: {  	[sflag:s23] =	ssyncadd.s32 $0xFFFFE000  }
0x117: {  	[hbm4b:s11+s3] =	stream.linear.scatter [tilespmem:s25], [sflag:$0x2], $0x2000, $0x38;
	[tilespmem:$0x1F800] =	vst v63  }
0x118: {  	_ =	swait.ge [sflag:s23], $0x2000  }
0x119: {  	[sflag:s23] =	ssyncset.done $0x0  }
0x11a: {  	[sflag:s23] =	ssyncadd.s32 $0xFFFFE000  }
0x11b: {  	[tilespmem:s25], [sflag:$0x2] =	stream.linear.gather [spmem:s22], $0x2000, $0x38;
	[tilespmem:$0x1F800] =	vst v63  }
0x11c: {  	s30 =	sadd.s32 $0x1, s30;
	_ =	swait.ge [sflag:s23], $0x2000  }
0x11d: {  	p1 =	sne.s32 s30, s13;
	[sflag:s23] =	ssyncset.done $0x0  }
.Ltmp5:
0x11e: {  	[sflag:s23] =	ssyncadd.s32 $0xFFFFE000;
	(pc) =	sbr.rel @p1 .LBB2_1-.Ltmp5, $4  }
0x11f: {  	[hbm4b:s12+s3] =	stream.linear.scatter [tilespmem:s25], [sflag:$0x2], $0x2000, $0x38;
	[tilespmem:$0x1F800] =	vst v63  }
0x120: {  	_ =	swait.ge [sflag:s23], $0x2000  }
0x121: {  	[sflag:s23] =	ssyncset.done $0x0  }
0x122: {  	[sflag:s23] =	ssyncadd.s32 $0xFFFFE000  }
0x123: {  	_ =	sfence.sel $0x180000  }
0x124: {  	[bflag:$0x0] =	sbarrier.arrive $0xFFFF  }
0x125: {  	_ =	strace $0x9000004A  }
0x126: {  	s0 =	stileid.u32;
	[bflag:$0x2] =	sbarrier.arrive $0xFFFF  }
0x127: {  	p0 =	sne.s32 s0, $0x0;
	s0 =	rddreg [dreg:$0x2]  }
0x128: {  	s0 =	sadd.s32 @!p0 $0x100000, s0  }
0x129: {  	[sflag:s0] =	ssyncadd.tile.s32 @!p0 $0x1;
	_ =	shalt  }
.Lfunc_end2:
_tile_overlayer_lowered:
.L_overlay_start_2:
0x12a: {  	(tag) =	ssettag $0x2  }
0x12b: {  	s0 =	rddreg [dreg:$0x0];
	s2 =	stileid.u32  }
0x12c: {  	s1 =	rddreg [dreg:$0x1];
	p0 =	sne.s32 s2, $0x0  }
0x12d: {  	s3 =	rddreg [dreg:$0x2];
	[bflag:$0x3] =	sbarrier.arrive $0xFFFF;
	s2 =	simm.s32 @!p0 $0x1C02  }
0x12e: {  	[timem:s3], [sflag:s2] =	dma.local @!p0 [hbm:s0], s1  }
0x12f: {  	s0 =	simm.s32 @!p0 $0x2  }
0x130: {  	_ =	swait.ge @!p0 [sflag:s0], s1  }
0x131: {  	s1 =	ssub.s32 @!p0 $0x0, s1;
	[sflag:s0] =	ssyncset.done @!p0 $0x0  }
0x132: {  	[sflag:s0] =	ssyncadd.s32 @!p0 s1  }
0x133: {  	[bflag:$0x3] =	sbarrier.arrive $0xFFFF  }
0x134: {  	_ =	shalt  }

// kernel: kernel.14.cloned.1.call-start
scs
__scs_entry_jumppad:
0x0: {  	(pc) =	sbr.rel $0x88, $3  }
0x1: {  	(tag) =	ssettag $0x0;
	lr =	simm.s32 $0x1  }
0x2: {  	[smem:$0x3F97] =	sst lr;
	_ =	strace $0xD0000000  }
0x3: {  	_ = 	snop  }
0x4: {  	_ = 	snop  }
0x5: {  	_ = 	snop  }
0x6: {  	_ = 	snop  }
0x7: {  	_ = 	snop  }
__scs_overlays_trampoline_lowered:
0x8: {  	[smem:$0x3FA6] =	sst s0  }
0x9: {  	[smem:$0x3FA7] =	sst s1  }
0xa: {  	[smem:$0x3FA8] =	sst s2  }
0xb: {  	[smem:$0x3FA9] =	sst s3  }
0xc: {  	[smem:$0x3FAA] =	sst s4  }
0xd: {  	[smem:$0x3FAB] =	sst s5  }
0xe: {  	[smem:$0x3FAC] =	sst s6  }
0xf: {  	[smem:$0x3FAD] =	sst s7  }
0x10: {  	[smem:$0x3FAE] =	sst s8  }
0x11: {  	[smem:$0x3FAF] =	sst s9;
	s0 =	simm.s32 @!p0 $0x0  }
0x12: {  	s1 =	sld [smem:$0x3F95];
	s0 =	simm.s32 @p0 $0x1  }
0x13: {  	[smem:$0x3FB0] =	sst s0;
	s0 =	simm.s32 @!p1 $0x0  }
0x14: {  	s2 =	sld [smem:$0x3F94];
	s0 =	simm.s32 @p1 $0x1  }
0x15: {  	[smem:$0x3FB1] =	sst s0;
	s0 =	simm.s32 @!p2 $0x0  }
0x16: {  	s3 =	sld [smem:$0x3FDB];
	s0 =	simm.s32 @p2 $0x1  }
0x17: {  	s4 =	simm.s32 $0x1BF5;
	[smem:$0x3FB3] =	sst s0  }
0x18: {  	s0 =	sld [smem:$0x3F96];
	_ =	swait.ge [sflag:s4], $0x0  }
0x19: {  	s7 =	sld [smem:$0x3F97]  }
0x1a: {  	s8 =	sadd.s32 $0xFFFFE003, lr  }
0x1b: {  	s9 =	sadd.s32 $0xFFFFFEF7, lr;
	s5 =	simm.s32 $0xFFFFFFFF;
	p2 =	slt.u32 s8, $0xFFFFF086  }
0x1c: {  	p1 =	slt.u32 s9, $0xF7A;
	s5 =	simm.s32 @!p2 $0x0  }
0x1d: {  	s5 =	simm.s32 @p1 $0x1;
	p0 =	seq.s32 s7, s2  }
0x1e: {  	s7 =	smul.u32 @!p0 $0xF7A, s2;
	p2 =	seq.s32 @!p0 s5, $0x0  }
0x1f: {  	s9 =	smul.u32 $0xF7A, s1;
	s8 =	simm.s32 @!p0 $0x1BF5;
	p2 =	por !p2, p0  }
0x20: {  	[sflag:s8] =	ssyncset.s32 @!p0 $0xFFFFF086;
	s6 =	sadd.s32 @!p0 s3, s7;
	s7 =	simm.s32 @!p0 $0x108  }
0x21: {  	s3 =	sadd.s32 s3, s9;
	s6 =	sadd.s32 @!p0 $0x88, s6;
	s7 =	simm.s32 @p2 $0x1082  }
0x22: {  	[simem:s7], [sflag:s8] =	dma.local @!p0 [hbm:s6], $0xF7A  }
0x23: {  	s9 =	sor.u32 $0xD0000000, s2;
	s6 =	simm.s32 $0x108;
	_ =	swait.ge @!p0 [sflag:s8], $0x0  }
0x24: {  	s3 =	sadd.s32 $0x88, s3;
	s6 =	simm.s32 @!p1 $0x1082;
	[sflag:s4] =	ssyncset.s32 $0xFFFFF086  }
0x25: {  	[simem:s6], [sflag:s4] =	dma.local [hbm:s3], $0xF7A  }
0x26: {  	[smem:$0x3F97] =	sst s1;
	(tag) =	ssettag s2;
	_ =	strace s9  }
0x27: {  	s1 =	sld [smem:$0x3FA7]  }
0x28: {  	s2 =	sld [smem:$0x3FA8]  }
0x29: {  	s4 =	sld [smem:$0x3FAA]  }
0x2a: {  	p0 =	seq.s32 s5, $0x0;
	s5 =	sld [smem:$0x3FAB]  }
0x2b: {  	s6 =	sld [smem:$0x3FAC]  }
0x2c: {  	s7 =	sld [smem:$0x3FAD]  }
0x2d: {  	s3 =	simm.s32 $0x108;
	s8 =	sld [smem:$0x3FAE]  }
0x2e: {  	s3 =	simm.s32 @!p0 $0x1082;
	s9 =	sld [smem:$0x3FAF]  }
0x2f: {  	lr =	sadd.s32 s0, s3;
	s0 =	sld [smem:$0x3FA6]  }
0x30: {  	s3 =	sld [smem:$0x3FA9]  }
0x31: {  	[smem:$0x3FB2] =	sst s10  }
0x32: {  	s10 =	sld [smem:$0x3FB0];
	_ =	sdelay $0x3  }
0x33: {  	p0 =	seq.s32 s10, $0x1;
	s10 =	sld [smem:$0x3FB2];
	_ =	sdelay $0x3  }
0x34: {  	[smem:$0x3FB2] =	sst s10  }
0x35: {  	s10 =	sld [smem:$0x3FB1];
	_ =	sdelay $0x3  }
0x36: {  	p1 =	seq.s32 s10, $0x1;
	s10 =	sld [smem:$0x3FB2];
	_ =	sdelay $0x3  }
0x37: {  	[smem:$0x3FB2] =	sst s10  }
0x38: {  	s10 =	sld [smem:$0x3FB3]  }
0x39: {  	_ = 	snop;
	(pc) =	sbr.ind lr, $3  }
0x3a: {  	_ = 	snop  }
0x3b: {  	_ = 	snop  }
0x3c: {  	p2 =	seq.s32 s10, $0x1;
	s10 =	sld [smem:$0x3FB2]  }
0x3d: {  	_ =	shalt  }
0x3e: {  	_ =	shalt  }
0x3f: {  	_ =	shalt  }
0x40: {  	_ =	shalt  }
0x41: {  	_ =	shalt  }
0x42: {  	_ =	shalt  }
0x43: {  	_ =	shalt  }
0x44: {  	_ =	shalt  }
0x45: {  	_ =	shalt  }
0x46: {  	_ =	shalt  }
0x47: {  	_ =	shalt  }
0x48: {  	_ =	shalt  }
0x49: {  	_ =	shalt  }
0x4a: {  	_ =	shalt  }
0x4b: {  	_ =	shalt  }
0x4c: {  	_ =	shalt  }
0x4d: {  	_ =	shalt  }
0x4e: {  	_ =	shalt  }
0x4f: {  	_ =	shalt  }
0x50: {  	_ =	shalt  }
0x51: {  	_ =	shalt  }
0x52: {  	_ =	shalt  }
0x53: {  	_ =	shalt  }
0x54: {  	_ =	shalt  }
0x55: {  	_ =	shalt  }
0x56: {  	_ =	shalt  }
0x57: {  	_ =	shalt  }
0x58: {  	_ =	shalt  }
0x59: {  	_ =	shalt  }
0x5a: {  	_ =	shalt  }
0x5b: {  	_ =	shalt  }
0x5c: {  	_ =	shalt  }
0x5d: {  	_ =	shalt  }
0x5e: {  	_ =	shalt  }
0x5f: {  	_ =	shalt  }
0x60: {  	_ =	shalt  }
0x61: {  	_ =	shalt  }
0x62: {  	_ =	shalt  }
0x63: {  	_ =	shalt  }
0x64: {  	_ =	shalt  }
0x65: {  	_ =	shalt  }
0x66: {  	_ =	shalt  }
0x67: {  	_ =	shalt  }
0x68: {  	_ =	shalt  }
0x69: {  	_ =	shalt  }
0x6a: {  	_ =	shalt  }
0x6b: {  	_ =	shalt  }
0x6c: {  	_ =	shalt  }
0x6d: {  	_ =	shalt  }
0x6e: {  	_ =	shalt  }
0x6f: {  	_ =	shalt  }
0x70: {  	_ =	shalt  }
0x71: {  	_ =	shalt  }
0x72: {  	_ =	shalt  }
0x73: {  	_ =	shalt  }
0x74: {  	_ =	shalt  }
0x75: {  	_ =	shalt  }
0x76: {  	_ =	shalt  }
0x77: {  	_ =	shalt  }
0x78: {  	_ =	shalt  }
0x79: {  	_ =	shalt  }
0x7a: {  	_ =	shalt  }
0x7b: {  	_ =	shalt  }
0x7c: {  	_ =	shalt  }
0x7d: {  	_ =	shalt  }
0x7e: {  	_ =	shalt  }
0x7f: {  	_ =	shalt  }
0x80: {  	_ =	shalt  }
0x81: {  	_ =	shalt  }
0x82: {  	_ =	shalt  }
0x83: {  	_ =	shalt  }
0x84: {  	_ =	shalt  }
0x85: {  	_ =	shalt  }
0x86: {  	_ =	shalt  }
0x87: {  	_ =	shalt  }
.Lfunc_end0:
.L_simem_size_0:
called_computation.2_lowered:
.L_overlay_start_0:
0x88: {  	s2 =	sld [smem:$0x3FD9]  }
0x89: {  	s3 =	sld [smem:$0x3FFE];
	_ =	sdelay $0x1  }
0x8a: {  	s1 =	srdreg.scid  }
0x8b: {  	s0 =	sand.u32 $0x1, s1  }
0x8c: {  	s16 =	sshll.u32 s0, $0xA;
	s2 =	sadd.s32 s3, s2  }
0x8d: {  	s2 =	sadd.s32 s2, s16  }
0x8e: {  	[smem:$0x3FBE] =	sst s2  }
0x8f: {  	_ = 	snop  }
0x90: {  	(tm) =	ssettm $0x1  }
0x91: {  	s17 =	sld [smem:$0x3FFB];
	_ =	sdelay $0x3  }
0x92: {  	_ =	strace s17  }
0x93: {  	s2 =	sld [smem:$0x3FFC];
	_ =	sdelay $0x3  }
0x94: {  	_ =	strace s2  }
0x95: {  	s2 =	sld [smem:$0x3FFD];
	_ =	sdelay $0x3  }
0x96: {  	_ =	strace s2  }
0x97: {  	_ =	strace $0x8FFFFFFF  }
0x98: {  	s18 =	sld [smem:$0x3FDB];
	_ =	sdelay $0x1  }
0x99: {  	s19 =	simm.s32 $_scs_section_size  }
0x9a: {  	s4 =	simm.s32 $_size__tile_overlayer_lowered;
	s5 =	simm.s32 $_tile_overlayer_lowered  }
0x9b: {  	s22 =	simm.s32 $0x1BFF;
	s21 =	sshll.u32 s5, $0x1;
	s2 =	sadd.s32 s19, s18  }
0x9c: {  	s6 =	simm.s32 $0x0;
	s20 =	sshll.u32 s4, $0x1;
	s4 =	sadd.s32 s21, s2  }
0x9d: {  	[timem:s6], [sflag:s22] =	dma.local [hbm:s4], s20  }
0x9e: {  	_ =	swait.ge [sflag:s22], s20  }
0x9f: {  	s3 =	ssub.s32 $0x0, s20;
	[sflag:s22] =	ssyncset.done $0x0  }
0xa0: {  	[sflag:s22] =	ssyncadd.s32 s3;
	_ =	sdelay $0x1  }
0xa1: {  	s23 =	simm.s32 $0x1B8B  }
0xa2: {  	_ =	swait.ge [sflag:s23], $0x1  }
0xa3: {  	[sflag:s23] =	ssyncset.done $0x0  }
0xa4: {  	s25 =	simm.s32 $0x1B8E;
	s24 =	sld [smem:$0x3FFE];
	[sflag:s23] =	ssyncadd.s32 $0xFFFFFFFF  }
0xa5: {  	s26 =	simm.s32 $execute0_lowered;
	[smem:$0x3FD2] =	sst s25  }
0xa6: {  	s4 =	sshll.u32 s26, $0x1;
	_ =	strace $0x8000004C;
	[dreg:$0x1] =	wrdreg $0xFFFFFFFF  }
0xa7: {  	s28 =	simm.s32 $_size_execute0_lowered;
	s2 =	sadd.s32 s2, s4;
	[dreg:$0x0] =	wrdreg $0x0  }
0xa8: {  	s4 =	sshll.u32 s28, $0x1;
	[dreg:$0x2] =	wrdreg s2  }
0xa9: {  	[dreg:$0x3] =	wrdreg s4  }
0xaa: {  	[dreg:$0x4] =	wrdreg $0xC0  }
0xab: {  	_ =	task [dreg:s6], $0x5FFFF  }
0xac: {  	[dreg:$0x1] =	wrdreg $0xFFFFFFFF  }
0xad: {  	[dreg:$0x0] =	wrdreg $0x60  }
0xae: {  	[dreg:$0x2] =	wrdreg s24  }
0xaf: {  	[dreg:$0x3] =	wrdreg $0x98000  }
0xb0: {  	[dreg:$0x4] =	wrdreg $0x9  }
0xb1: {  	_ =	task.clear_ibuf [dreg:s6], $0x5FFFF;
	_ =	strace $0x9000004C  }
0xb2: {  	s29 =	simm.s32 $0x9;
	_ =	strace $0x8000004E  }
0xb3: {  	_ =	swait.ge [sflag:s29], $0x1  }
0xb4: {  	[sflag:s29] =	ssyncadd.s32 $0xFFFFFFFF  }
0xb5: {  	_ =	strace $0x9000004E  }
0xb6: {  	_ =	sfence  }
0xb7: {  	s30 =	sld [smem:$0x0];
	_ =	sdelay $0x2  }
0xb8: {  	s31 =	sshll.u32 s1, $0xD;
	s1 =	sshrl.u32 s1, $0x2  }
0xb9: {  	s3 =	sand.u32 $0x4000, s31;
	s1 =	sadd.s32 s1, s30  }
0xba: {  	s0 =	sor.u32 s3, s0;
	s1 =	sshll.u32 s1, $0x11  }
0xbb: {  	s0 =	sor.u32 s1, s0  }
0xbc: {  	s0 =	sadd.s32 $0x8F2B, s0  }
0xbd: {  	[sflag:s0] =	ssyncadd.remote.s32 $0x1  }
0xbe: {  	_ =	sfence.sel $0xFFFF  }
0xbf: {  	[dreg:$0x0] =	wrdreg $0xFFFFFFFF;
	(pc) =	sbr.abs _section_cstart, $3  }
0xc0: {  	[dreg:$0x1] =	wrdreg $0xFFFFFFFF  }
0xc1: {  	_ =	task.clear_ibuf [dreg:s6], $0x2FFFF;
	_ =	strace $0x9FFFFFFF  }
0xc2: {  	(tm) =	ssettm $0x7FFFFFFF  }
0xc3: {  	_ =	shalt  }
tec
execute0_lowered:
.L_overlay_start_1:
0x0: {  	(tag) =	ssettag $0x1  }
0x1: {  	s0 =	rddreg [dreg:$0x0]  }
0x2: {  	s2 =	rddreg [dreg:$0x1];
	s12 =	stileid.u32  }
0x3: {  	s1 =	srdreg.scid;
	s3 =	simm.s32 $0x0;
	s5 =	smul.u32 $0x280, s12  }
0x4: {  	s31 =	simm.s32 $0x2;
	s1 =	sand.u32 $0x1, s1;
	s7 =	smul.u32 $0x2280, s12  }
0x5: {  	[smem:$0x7FF] =	sst s3;
	s4 =	sadd.s32 $0x15600, s0;
	s10 =	smul.u32 $0x28000, s12  }
0x6: {  	s8 =	sadd.s32 $0xB800, s0;
	s9 =	sadd.s32 $0x1A00, s0;
	s15 =	smul.u32 $0xA000, s12  }
0x7: {  	s6 =	smul.u32 $0x2800, s1;
	_ =	strace $0x8000004D;
	s26 =	ssub.s32 $0x2, s1  }
0x8: {  	p0 =	sne.s32 s1, $0x0;
	s1 =	simm.s32 $0x7800;
	s11 =	sshrl.u32 s26, $0x1  }
0x9: {  	s13 =	sshrl.u32 s7, $0x3;
	s14 =	sshrl.u32 s10, $0x2;
	s18 =	sshrl.u32 s15, $0x3  }
0xa: {  	s19 =	sadd.s32 $0x2000, s15;
	s21 =	sadd.s32 s15, s2;
	s22 =	sadd.s32 $0x4000, s15  }
0xb: {  	s24 =	sadd.s32 $0x6000, s15;
	s10 =	sadd.s32 $0x8000, s15;
	s5 =	sadd.s32 s5, s6  }
0xc: {  	s6 =	sadd.s32 $0x5800, s13;
	s7 =	sadd.s32 s14, s2;
	s20 =	sshrl.u32 s19, $0x3  }
0xd: {  	[dreg:$0x8] =	wrdreg s21;
	s13 =	sadd.s32 s19, s2;
	s23 =	sshrl.u32 s22, $0x3  }
0xe: {  	s25 =	sshrl.u32 s24, $0x3;
	s15 =	sadd.s32 s22, s2;
	s19 =	sadd.s32 s10, s2  }
0xf: {  	s5 =	sshll.u32 s5, $0x3;
	s16 =	sadd.s32 s8, s6;
	s6 =	sadd.s32 s9, s6  }
0x10: {  	s14 =	sadd.s32 s4, s23;
	s28 =	sadd.s32 $0x4000, s7;
	s29 =	sadd.s32 $0x6000, s7  }
0x11: {  	s30 =	sadd.s32 $0x8000, s7;
	s0 =	sadd.s32 s5, s0;
	[dreg:$0x3] =	wrdreg s16  }
0x12: {  	s5 =	ssub.s32 s26, s11;
	s11 =	smul.u32 $0x580, s12;
	[dreg:$0x4] =	wrdreg s6  }
0x13: {  	s6 =	sadd.s32 s4, s18;
	s16 =	sadd.s32 s4, s25;
	s26 =	sshrl.u32 s10, $0x3  }
0x14: {  	[dreg:$0x7] =	wrdreg s6;
	s6 =	sadd.s32 s4, s20;
	s18 =	sadd.s32 s4, s26  }
0x15: {  	s20 =	sadd.s32 $0x29600, s0;
	s21 =	sadd.s32 $0x29A00, s0;
	s22 =	sadd.s32 $0x29E00, s0  }
0x16: {  	s23 =	sadd.s32 $0x2A200, s0;
	s25 =	smax.u32 s5, $0x1;
	s26 =	sadd.s32 $0x2000, s7  }
0x17: {  	s5 =	simm.s32 $0x80;
	s17 =	sadd.s32 s8, s11;
	[dreg:$0x9] =	wrdreg s6  }
0x18: {  	s9 =	sadd.s32 s9, s11;
	s6 =	simm.s32 $0x5800;
	[dreg:$0x5] =	wrdreg s17  }
0x19: {  	s8 =	simm.s32 $0x1;
	[dreg:$0x6] =	wrdreg s9;
	s17 =	sadd.s32 s24, s2  }
0x1a: {  	v0 =	vimm.f32 $0.0e+00;
	s24 =	sadd.s32 $0x2A600, s0;
	s0 =	simm.s32 $0x2C00;
	s9 =	simm.s32 $0x0  }
.LBB2_1:
.Ltmp0:
0x1b: {  	(pc) =	sbr.rel @p0 .LBB2_3-.Ltmp0, $1  }
0x1c: {  	_ =	sdelay $0x3  }
0x1d: {  	s10 =	rddreg [dreg:$0x5]  }
0x1e: {  	[tilespmem:s3], [sflag:$0x2] =	stream.linear.gather [hbm4b:s10+s3], $0x2C00, $0x38;
	[tilespmem:$0x13800] =	vst v63  }
0x1f: {  	_ =	swait.ge [sflag:s31], $0x2C00  }
0x20: {  	[sflag:s31] =	ssyncset.done $0x0  }
0x21: {  	s11 =	rddreg [dreg:$0x6];
	[sflag:s31] =	ssyncadd.s32 $0xFFFFD400  }
0x22: {  	[tilespmem:s0], [sflag:$0x2] =	stream.linear.gather [hbm4b:s11+s3], $0x2C00, $0x38;
	[tilespmem:$0x13800] =	vst v63  }
0x23: {  	_ =	swait.ge [sflag:s31], $0x2C00  }
0x24: {  	[sflag:s31] =	ssyncset.done $0x0  }
0x25: {  	s12 =	rddreg [dreg:$0x7];
	[sflag:s31] =	ssyncadd.s32 $0xFFFFD400  }
0x26: {  	[tilespmem:s1], [sflag:$0x2] =	stream.linear.gather [hbm4b:s12+s3], $0x2000, $0x38;
	[tilespmem:$0x13800] =	vst v63  }
0x27: {  	_ =	swait.ge [sflag:s31], $0x2000  }
0x28: {  	[sflag:s31] =	ssyncset.done $0x0  }
0x29: {  	s11 =	rddreg [dreg:$0x8];
	[sflag:s31] =	ssyncadd.s32 $0xFFFFE000  }
0x2a: {  	[spmem:s11] =	stream.linear.scatter [tilespmem:s1], [sflag:$0x2], $0x2000, $0x38;
	[tilespmem:$0x13800] =	vst v63  }
0x2b: {  	_ =	swait.ge [sflag:s31], $0x2000  }
0x2c: {  	[sflag:s31] =	ssyncset.done $0x0  }
0x2d: {  	s12 =	rddreg [dreg:$0x9];
	[sflag:s31] =	ssyncadd.s32 $0xFFFFE000  }
0x2e: {  	[tilespmem:s1], [sflag:$0x2] =	stream.linear.gather [hbm4b:s12+s3], $0x2000, $0x38;
	[tilespmem:$0x13800] =	vst v63  }
0x2f: {  	_ =	swait.ge [sflag:s31], $0x2000  }
0x30: {  	[sflag:s31] =	ssyncset.done $0x0  }
0x31: {  	[sflag:s31] =	ssyncadd.s32 $0xFFFFE000  }
0x32: {  	[spmem:s13] =	stream.linear.scatter [tilespmem:s1], [sflag:$0x2], $0x2000, $0x38;
	[tilespmem:$0x13800] =	vst v63  }
0x33: {  	_ =	swait.ge [sflag:s31], $0x2000  }
0x34: {  	[sflag:s31] =	ssyncset.done $0x0  }
0x35: {  	[sflag:s31] =	ssyncadd.s32 $0xFFFFE000  }
0x36: {  	[tilespmem:s1], [sflag:$0x2] =	stream.linear.gather [hbm4b:s14+s3], $0x2000, $0x38;
	[tilespmem:$0x13800] =	vst v63  }
0x37: {  	_ =	swait.ge [sflag:s31], $0x2000  }
0x38: {  	[sflag:s31] =	ssyncset.done $0x0  }
0x39: {  	[sflag:s31] =	ssyncadd.s32 $0xFFFFE000  }
0x3a: {  	[spmem:s15] =	stream.linear.scatter [tilespmem:s1], [sflag:$0x2], $0x2000, $0x38;
	[tilespmem:$0x13800] =	vst v63  }
0x3b: {  	_ =	swait.ge [sflag:s31], $0x2000  }
0x3c: {  	[sflag:s31] =	ssyncset.done $0x0  }
0x3d: {  	[sflag:s31] =	ssyncadd.s32 $0xFFFFE000  }
0x3e: {  	[tilespmem:s1], [sflag:$0x2] =	stream.linear.gather [hbm4b:s16+s3], $0x2000, $0x38;
	[tilespmem:$0x13800] =	vst v63  }
0x3f: {  	_ =	swait.ge [sflag:s31], $0x2000  }
0x40: {  	[sflag:s31] =	ssyncset.done $0x0  }
0x41: {  	[sflag:s31] =	ssyncadd.s32 $0xFFFFE000  }
0x42: {  	[spmem:s17] =	stream.linear.scatter [tilespmem:s1], [sflag:$0x2], $0x2000, $0x38;
	[tilespmem:$0x13800] =	vst v63  }
.Ltmp1:
0x43: {  	_ = 	snop;
	(pc) =	sbr.rel .LBB2_6-.Ltmp1, $4  }
0x44: {  	_ =	swait.ge [sflag:s31], $0x2000  }
0x45: {  	[sflag:s31] =	ssyncset.done $0x0  }
0x46: {  	s10 =	smov.u32 s19;
	s12 =	simm.s32 $0x58;
	[sflag:s31] =	ssyncadd.s32 $0xFFFFE000  }
0x47: {  	[tilespmem:s1], [sflag:$0x2] =	stream.linear.gather [hbm4b:s18+s3], $0x2000, $0x38;
	[tilespmem:$0x13800] =	vst v63  }
.LBB2_3:
0x48: {  	s10 =	simm.s32 $0x0;
	s11 =	rddreg [dreg:$0x3]  }
0x49: {  	[tilespmem:s10], [sflag:$0x2] =	stream.linear.gather [hbm4b:s11+s10], $0x2280, $0x38;
	[tilespmem:$0x13800] =	vst v63  }
0x4a: {  	_ =	swait.ge [sflag:s31], $0x2280  }
0x4b: {  	[sflag:s31] =	ssyncset.done $0x0  }
0x4c: {  	s12 =	rddreg [dreg:$0x4];
	[sflag:s31] =	ssyncadd.s32 $0xFFFFDD80  }
0x4d: {  	[tilespmem:s0], [sflag:$0x2] =	stream.linear.gather [hbm4b:s12+s10], $0x2280, $0x38;
	[tilespmem:$0x13800] =	vst v63  }
0x4e: {  	_ =	swait.ge [sflag:s31], $0x2280  }
0x4f: {  	[sflag:s31] =	ssyncset.done $0x0  }
0x50: {  	s11 =	simm.s32 $0x100;
	s10 =	simm.s32 $0x0;
	[sflag:s31] =	ssyncadd.s32 $0xFFFFDD80  }
.LBB2_4:
0x51: {  	p1 =	sne.s32 s11, $0x7F00;
	[tilespmem:s10+$0x7830] =	vst v0;
	s12 =	smov.u32 s11;
	s11 =	sadd.s32 $0x100, s11  }
.Ltmp2:
0x52: {  	[tilespmem:s10+$0x7820] =	vst v0;
	(pc) =	sbr.rel @p1 .LBB2_4-.Ltmp2, $3  }
0x53: {  	[tilespmem:s10+$0x7800] =	vst v0  }
0x54: {  	[tilespmem:s10+$0x7810] =	vst v0;
	_ =	sdelay $0x1  }
0x55: {  	s10 =	sshra.s32 s12, $0x2  }
0x56: {  	[tilespmem:s10+$0x7830] =	vst v0  }
0x57: {  	[tilespmem:s10+$0x7820] =	vst v0  }
0x58: {  	[tilespmem:s10+$0x7800] =	vst v0  }
0x59: {  	[tilespmem:s10+$0x7810] =	vst v0  }
0x5a: {  	[spmem:s7] =	stream.linear.scatter [tilespmem:s1], [sflag:$0x2], $0x2000, $0x38;
	[tilespmem:$0x13800] =	vst v63  }
0x5b: {  	_ =	swait.ge [sflag:s31], $0x2000  }
0x5c: {  	[sflag:s31] =	ssyncset.done $0x0  }
0x5d: {  	[sflag:s31] =	ssyncadd.s32 $0xFFFFE000  }
0x5e: {  	[spmem:s26] =	stream.linear.scatter [tilespmem:s1], [sflag:$0x2], $0x2000, $0x38;
	[tilespmem:$0x13800] =	vst v63  }
0x5f: {  	_ =	swait.ge [sflag:s31], $0x2000  }
0x60: {  	[sflag:s31] =	ssyncset.done $0x0  }
0x61: {  	[sflag:s31] =	ssyncadd.s32 $0xFFFFE000  }
0x62: {  	[spmem:s28] =	stream.linear.scatter [tilespmem:s1], [sflag:$0x2], $0x2000, $0x38;
	[tilespmem:$0x13800] =	vst v63  }
0x63: {  	_ =	swait.ge [sflag:s31], $0x2000  }
0x64: {  	[sflag:s31] =	ssyncset.done $0x0  }
0x65: {  	s12 =	simm.s32 $0x45;
	s10 =	smov.u32 s30;
	[sflag:s31] =	ssyncadd.s32 $0xFFFFE000  }
0x66: {  	[spmem:s29] =	stream.linear.scatter [tilespmem:s1], [sflag:$0x2], $0x2000, $0x38;
	[tilespmem:$0x13800] =	vst v63  }
.LBB2_6:
0x67: {  	_ =	swait.ge [sflag:s31], $0x2000  }
0x68: {  	[sflag:s31] =	ssyncset.done $0x0  }
0x69: {  	[sflag:s31] =	ssyncadd.s32 $0xFFFFE000  }
0x6a: {  	[spmem:s10] =	stream.linear.scatter [tilespmem:s1], [sflag:$0x2], $0x2000, $0x38;
	[tilespmem:$0x13800] =	vst v63  }
0x6b: {  	_ =	swait.ge [sflag:s31], $0x2000  }
0x6c: {  	[sflag:s31] =	ssyncset.done $0x0  }
0x6d: {  	[sflag:s31] =	ssyncadd.s32 $0xFFFFE000  }
0x6e: {  	s10 =	simm.s32 $0x0;
	[bflag:$0x0] =	sbarrier.arrive $0xFFFF  }
0x6f: {  	[tilespmem:s6], [sflag:$0x1] =	stream.indirect.gather [hbm4b:s4+s5], $0x40, s10, s5, $0xb8;
	[tilespmem:$0x13800] =	vst v63  }
0x70: {  	p1 =	sne.s32 s12, $0x1;
	_ =	swait.ge [sflag:s8], $0x2000  }
.Ltmp3:
0x71: {  	[sflag:s8] =	ssyncset.done $0x0;
	(pc) =	sbr.rel @!p1 .LBB2_8-.Ltmp3, $4  }
0x72: {  	s11 =	simm.s32 $0x2C00;
	[sflag:s8] =	ssyncadd.s32 $0xFFFFE000  }
0x73: {  	[spmem:s2] =	stream.indirect.scatter.add.f32 [tilespmem:s6], [sflag:$0x2], $0x40, s11, s5, $0xb8;
	[tilespmem:$0x13800] =	vst v63  }
0x74: {  	_ =	swait.ge [sflag:s31], $0x2000  }
0x75: {  	s12 =	sadd.s32 $0xFFFFFFFF, s12;
	[sflag:s31] =	ssyncset.done $0x0  }
.LBB2_7:
0x76: {  	[sflag:s31] =	ssyncadd.s32 $0xFFFFE000;
	s10 =	sadd.s32 $0x80, s10;
	s11 =	sadd.s32 $0x80, s11  }
0x77: {  	[tilespmem:s6], [sflag:$0x1] =	stream.indirect.gather [hbm4b:s4+s5], $0x40, s10, s5, $0xb8;
	[tilespmem:$0x13800] =	vst v63  }
0x78: {  	p1 =	sne.s32 s12, $0x1;
	s12 =	sadd.s32 $0xFFFFFFFF, s12;
	_ =	swait.ge [sflag:s8], $0x2000  }
.Ltmp4:
0x79: {  	[sflag:s8] =	ssyncset.done $0x0;
	(pc) =	sbr.rel @p1 .LBB2_7-.Ltmp4, $4  }
0x7a: {  	[sflag:s8] =	ssyncadd.s32 $0xFFFFE000  }
0x7b: {  	[spmem:s2] =	stream.indirect.scatter.add.f32 [tilespmem:s6], [sflag:$0x2], $0x40, s11, s5, $0xb8;
	[tilespmem:$0x13800] =	vst v63  }
0x7c: {  	_ =	swait.ge [sflag:s31], $0x2000  }
0x7d: {  	[sflag:s31] =	ssyncset.done $0x0  }
.LBB2_8:
0x7e: {  	[sflag:s31] =	ssyncadd.s32 $0xFFFFE000  }
0x7f: {  	[bflag:$0x0] =	sbarrier.arrive $0xFFFF  }
0x80: {  	[tilespmem:s1], [sflag:$0x2] =	stream.linear.gather [spmem:s7], $0x2000, $0x38;
	[tilespmem:$0x13800] =	vst v63  }
0x81: {  	_ =	swait.ge [sflag:s31], $0x2000  }
0x82: {  	[sflag:s31] =	ssyncset.done $0x0  }
0x83: {  	[sflag:s31] =	ssyncadd.s32 $0xFFFFE000  }
0x84: {  	[hbm4b:s20+s3] =	stream.linear.scatter [tilespmem:s1], [sflag:$0x2], $0x2000, $0x38;
	[tilespmem:$0x13800] =	vst v63  }
0x85: {  	_ =	swait.ge [sflag:s31], $0x2000  }
0x86: {  	[sflag:s31] =	ssyncset.done $0x0  }
0x87: {  	[sflag:s31] =	ssyncadd.s32 $0xFFFFE000  }
0x88: {  	[tilespmem:s1], [sflag:$0x2] =	stream.linear.gather [spmem:s26], $0x2000, $0x38;
	[tilespmem:$0x13800] =	vst v63  }
0x89: {  	_ =	swait.ge [sflag:s31], $0x2000  }
0x8a: {  	[sflag:s31] =	ssyncset.done $0x0  }
0x8b: {  	[sflag:s31] =	ssyncadd.s32 $0xFFFFE000  }
0x8c: {  	[hbm4b:s21+s3] =	stream.linear.scatter [tilespmem:s1], [sflag:$0x2], $0x2000, $0x38;
	[tilespmem:$0x13800] =	vst v63  }
0x8d: {  	_ =	swait.ge [sflag:s31], $0x2000  }
0x8e: {  	[sflag:s31] =	ssyncset.done $0x0  }
0x8f: {  	[sflag:s31] =	ssyncadd.s32 $0xFFFFE000  }
0x90: {  	[tilespmem:s1], [sflag:$0x2] =	stream.linear.gather [spmem:s28], $0x2000, $0x38;
	[tilespmem:$0x13800] =	vst v63  }
0x91: {  	_ =	swait.ge [sflag:s31], $0x2000  }
0x92: {  	[sflag:s31] =	ssyncset.done $0x0  }
0x93: {  	[sflag:s31] =	ssyncadd.s32 $0xFFFFE000  }
0x94: {  	[hbm4b:s22+s3] =	stream.linear.scatter [tilespmem:s1], [sflag:$0x2], $0x2000, $0x38;
	[tilespmem:$0x13800] =	vst v63  }
0x95: {  	_ =	swait.ge [sflag:s31], $0x2000  }
0x96: {  	[sflag:s31] =	ssyncset.done $0x0  }
0x97: {  	[sflag:s31] =	ssyncadd.s32 $0xFFFFE000  }
0x98: {  	[tilespmem:s1], [sflag:$0x2] =	stream.linear.gather [spmem:s29], $0x2000, $0x38;
	[tilespmem:$0x13800] =	vst v63  }
0x99: {  	_ =	swait.ge [sflag:s31], $0x2000  }
0x9a: {  	[sflag:s31] =	ssyncset.done $0x0  }
0x9b: {  	[sflag:s31] =	ssyncadd.s32 $0xFFFFE000  }
0x9c: {  	[hbm4b:s23+s3] =	stream.linear.scatter [tilespmem:s1], [sflag:$0x2], $0x2000, $0x38;
	[tilespmem:$0x13800] =	vst v63  }
0x9d: {  	_ =	swait.ge [sflag:s31], $0x2000  }
0x9e: {  	[sflag:s31] =	ssyncset.done $0x0  }
0x9f: {  	[sflag:s31] =	ssyncadd.s32 $0xFFFFE000  }
0xa0: {  	[tilespmem:s1], [sflag:$0x2] =	stream.linear.gather [spmem:s30], $0x2000, $0x38;
	[tilespmem:$0x13800] =	vst v63  }
0xa1: {  	s9 =	sadd.s32 $0x1, s9;
	_ =	swait.ge [sflag:s31], $0x2000  }
0xa2: {  	p1 =	sne.s32 s9, s25;
	[sflag:s31] =	ssyncset.done $0x0  }
.Ltmp5:
0xa3: {  	[sflag:s31] =	ssyncadd.s32 $0xFFFFE000;
	(pc) =	sbr.rel @p1 .LBB2_1-.Ltmp5, $4  }
0xa4: {  	[hbm4b:s24+s3] =	stream.linear.scatter [tilespmem:s1], [sflag:$0x2], $0x2000, $0x38;
	[tilespmem:$0x13800] =	vst v63  }
0xa5: {  	_ =	swait.ge [sflag:s31], $0x2000  }
0xa6: {  	[sflag:s31] =	ssyncset.done $0x0  }
0xa7: {  	[sflag:s31] =	ssyncadd.s32 $0xFFFFE000  }
0xa8: {  	_ =	sfence.sel $0x180000  }
0xa9: {  	[bflag:$0x0] =	sbarrier.arrive $0xFFFF  }
0xaa: {  	_ =	strace $0x9000004D  }
0xab: {  	s0 =	stileid.u32;
	[bflag:$0x2] =	sbarrier.arrive $0xFFFF  }
0xac: {  	p0 =	sne.s32 s0, $0x0;
	s0 =	rddreg [dreg:$0x2]  }
0xad: {  	s0 =	sadd.s32 @!p0 $0x100000, s0  }
0xae: {  	[sflag:s0] =	ssyncadd.tile.s32 @!p0 $0x1;
	_ =	shalt  }
.Lfunc_end2:
_tile_overlayer_lowered:
.L_overlay_start_2:
0xaf: {  	(tag) =	ssettag $0x2  }
0xb0: {  	s0 =	rddreg [dreg:$0x0];
	s2 =	stileid.u32  }
0xb1: {  	s1 =	rddreg [dreg:$0x1];
	p0 =	sne.s32 s2, $0x0  }
0xb2: {  	s3 =	rddreg [dreg:$0x2];
	[bflag:$0x3] =	sbarrier.arrive $0xFFFF;
	s2 =	simm.s32 @!p0 $0x1C02  }
0xb3: {  	[timem:s3], [sflag:s2] =	dma.local @!p0 [hbm:s0], s1  }
0xb4: {  	s0 =	simm.s32 @!p0 $0x2  }
0xb5: {  	_ =	swait.ge @!p0 [sflag:s0], s1  }
0xb6: {  	s1 =	ssub.s32 @!p0 $0x0, s1;
	[sflag:s0] =	ssyncset.done @!p0 $0x0  }
0xb7: {  	[sflag:s0] =	ssyncadd.s32 @!p0 s1  }
0xb8: {  	[bflag:$0x3] =	sbarrier.arrive $0xFFFF  }
0xb9: {  	_ =	shalt  }

// kernel: kernel.8.cloned.1.call-start
scs
__scs_entry_jumppad:
0x0: {  	(pc) =	sbr.rel $0x88, $3  }
0x1: {  	(tag) =	ssettag $0x0;
	lr =	simm.s32 $0x1  }
0x2: {  	[smem:$0x3F97] =	sst lr;
	_ =	strace $0xD0000000  }
0x3: {  	_ = 	snop  }
0x4: {  	_ = 	snop  }
0x5: {  	_ = 	snop  }
0x6: {  	_ = 	snop  }
0x7: {  	_ = 	snop  }
__scs_overlays_trampoline_lowered:
0x8: {  	[smem:$0x3FA6] =	sst s0  }
0x9: {  	[smem:$0x3FA7] =	sst s1  }
0xa: {  	[smem:$0x3FA8] =	sst s2  }
0xb: {  	[smem:$0x3FA9] =	sst s3  }
0xc: {  	[smem:$0x3FAA] =	sst s4  }
0xd: {  	[smem:$0x3FAB] =	sst s5  }
0xe: {  	[smem:$0x3FAC] =	sst s6  }
0xf: {  	[smem:$0x3FAD] =	sst s7  }
0x10: {  	[smem:$0x3FAE] =	sst s8  }
0x11: {  	[smem:$0x3FAF] =	sst s9;
	s0 =	simm.s32 @!p0 $0x0  }
0x12: {  	s1 =	sld [smem:$0x3F95];
	s0 =	simm.s32 @p0 $0x1  }
0x13: {  	[smem:$0x3FB0] =	sst s0;
	s0 =	simm.s32 @!p1 $0x0  }
0x14: {  	s2 =	sld [smem:$0x3F94];
	s0 =	simm.s32 @p1 $0x1  }
0x15: {  	[smem:$0x3FB1] =	sst s0;
	s0 =	simm.s32 @!p2 $0x0  }
0x16: {  	s3 =	sld [smem:$0x3FDB];
	s0 =	simm.s32 @p2 $0x1  }
0x17: {  	s4 =	simm.s32 $0x1BF5;
	[smem:$0x3FB3] =	sst s0  }
0x18: {  	s0 =	sld [smem:$0x3F96];
	_ =	swait.ge [sflag:s4], $0x0  }
0x19: {  	s7 =	sld [smem:$0x3F97]  }
0x1a: {  	s8 =	sadd.s32 $0xFFFFE003, lr  }
0x1b: {  	s9 =	sadd.s32 $0xFFFFFEF7, lr;
	s5 =	simm.s32 $0xFFFFFFFF;
	p2 =	slt.u32 s8, $0xFFFFF086  }
0x1c: {  	p1 =	slt.u32 s9, $0xF7A;
	s5 =	simm.s32 @!p2 $0x0  }
0x1d: {  	s5 =	simm.s32 @p1 $0x1;
	p0 =	seq.s32 s7, s2  }
0x1e: {  	s7 =	smul.u32 @!p0 $0xF7A, s2;
	p2 =	seq.s32 @!p0 s5, $0x0  }
0x1f: {  	s9 =	smul.u32 $0xF7A, s1;
	s8 =	simm.s32 @!p0 $0x1BF5;
	p2 =	por !p2, p0  }
0x20: {  	[sflag:s8] =	ssyncset.s32 @!p0 $0xFFFFF086;
	s6 =	sadd.s32 @!p0 s3, s7;
	s7 =	simm.s32 @!p0 $0x108  }
0x21: {  	s3 =	sadd.s32 s3, s9;
	s6 =	sadd.s32 @!p0 $0x88, s6;
	s7 =	simm.s32 @p2 $0x1082  }
0x22: {  	[simem:s7], [sflag:s8] =	dma.local @!p0 [hbm:s6], $0xF7A  }
0x23: {  	s9 =	sor.u32 $0xD0000000, s2;
	s6 =	simm.s32 $0x108;
	_ =	swait.ge @!p0 [sflag:s8], $0x0  }
0x24: {  	s3 =	sadd.s32 $0x88, s3;
	s6 =	simm.s32 @!p1 $0x1082;
	[sflag:s4] =	ssyncset.s32 $0xFFFFF086  }
0x25: {  	[simem:s6], [sflag:s4] =	dma.local [hbm:s3], $0xF7A  }
0x26: {  	[smem:$0x3F97] =	sst s1;
	(tag) =	ssettag s2;
	_ =	strace s9  }
0x27: {  	s1 =	sld [smem:$0x3FA7]  }
0x28: {  	s2 =	sld [smem:$0x3FA8]  }
0x29: {  	s4 =	sld [smem:$0x3FAA]  }
0x2a: {  	p0 =	seq.s32 s5, $0x0;
	s5 =	sld [smem:$0x3FAB]  }
0x2b: {  	s6 =	sld [smem:$0x3FAC]  }
0x2c: {  	s7 =	sld [smem:$0x3FAD]  }
0x2d: {  	s3 =	simm.s32 $0x108;
	s8 =	sld [smem:$0x3FAE]  }
0x2e: {  	s3 =	simm.s32 @!p0 $0x1082;
	s9 =	sld [smem:$0x3FAF]  }
0x2f: {  	lr =	sadd.s32 s0, s3;
	s0 =	sld [smem:$0x3FA6]  }
0x30: {  	s3 =	sld [smem:$0x3FA9]  }
0x31: {  	[smem:$0x3FB2] =	sst s10  }
0x32: {  	s10 =	sld [smem:$0x3FB0];
	_ =	sdelay $0x3  }
0x33: {  	p0 =	seq.s32 s10, $0x1;
	s10 =	sld [smem:$0x3FB2];
	_ =	sdelay $0x3  }
0x34: {  	[smem:$0x3FB2] =	sst s10  }
0x35: {  	s10 =	sld [smem:$0x3FB1];
	_ =	sdelay $0x3  }
0x36: {  	p1 =	seq.s32 s10, $0x1;
	s10 =	sld [smem:$0x3FB2];
	_ =	sdelay $0x3  }
0x37: {  	[smem:$0x3FB2] =	sst s10  }
0x38: {  	s10 =	sld [smem:$0x3FB3]  }
0x39: {  	_ = 	snop;
	(pc) =	sbr.ind lr, $3  }
0x3a: {  	_ = 	snop  }
0x3b: {  	_ = 	snop  }
0x3c: {  	p2 =	seq.s32 s10, $0x1;
	s10 =	sld [smem:$0x3FB2]  }
0x3d: {  	_ =	shalt  }
0x3e: {  	_ =	shalt  }
0x3f: {  	_ =	shalt  }
0x40: {  	_ =	shalt  }
0x41: {  	_ =	shalt  }
0x42: {  	_ =	shalt  }
0x43: {  	_ =	shalt  }
0x44: {  	_ =	shalt  }
0x45: {  	_ =	shalt  }
0x46: {  	_ =	shalt  }
0x47: {  	_ =	shalt  }
0x48: {  	_ =	shalt  }
0x49: {  	_ =	shalt  }
0x4a: {  	_ =	shalt  }
0x4b: {  	_ =	shalt  }
0x4c: {  	_ =	shalt  }
0x4d: {  	_ =	shalt  }
0x4e: {  	_ =	shalt  }
0x4f: {  	_ =	shalt  }
0x50: {  	_ =	shalt  }
0x51: {  	_ =	shalt  }
0x52: {  	_ =	shalt  }
0x53: {  	_ =	shalt  }
0x54: {  	_ =	shalt  }
0x55: {  	_ =	shalt  }
0x56: {  	_ =	shalt  }
0x57: {  	_ =	shalt  }
0x58: {  	_ =	shalt  }
0x59: {  	_ =	shalt  }
0x5a: {  	_ =	shalt  }
0x5b: {  	_ =	shalt  }
0x5c: {  	_ =	shalt  }
0x5d: {  	_ =	shalt  }
0x5e: {  	_ =	shalt  }
0x5f: {  	_ =	shalt  }
0x60: {  	_ =	shalt  }
0x61: {  	_ =	shalt  }
0x62: {  	_ =	shalt  }
0x63: {  	_ =	shalt  }
0x64: {  	_ =	shalt  }
0x65: {  	_ =	shalt  }
0x66: {  	_ =	shalt  }
0x67: {  	_ =	shalt  }
0x68: {  	_ =	shalt  }
0x69: {  	_ =	shalt  }
0x6a: {  	_ =	shalt  }
0x6b: {  	_ =	shalt  }
0x6c: {  	_ =	shalt  }
0x6d: {  	_ =	shalt  }
0x6e: {  	_ =	shalt  }
0x6f: {  	_ =	shalt  }
0x70: {  	_ =	shalt  }
0x71: {  	_ =	shalt  }
0x72: {  	_ =	shalt  }
0x73: {  	_ =	shalt  }
0x74: {  	_ =	shalt  }
0x75: {  	_ =	shalt  }
0x76: {  	_ =	shalt  }
0x77: {  	_ =	shalt  }
0x78: {  	_ =	shalt  }
0x79: {  	_ =	shalt  }
0x7a: {  	_ =	shalt  }
0x7b: {  	_ =	shalt  }
0x7c: {  	_ =	shalt  }
0x7d: {  	_ =	shalt  }
0x7e: {  	_ =	shalt  }
0x7f: {  	_ =	shalt  }
0x80: {  	_ =	shalt  }
0x81: {  	_ =	shalt  }
0x82: {  	_ =	shalt  }
0x83: {  	_ =	shalt  }
0x84: {  	_ =	shalt  }
0x85: {  	_ =	shalt  }
0x86: {  	_ =	shalt  }
0x87: {  	_ =	shalt  }
.Lfunc_end0:
.L_simem_size_0:
called_computation_lowered:
.L_overlay_start_0:
0x88: {  	s2 =	sld [smem:$0x3FD9]  }
0x89: {  	s3 =	sld [smem:$0x3FFE];
	_ =	sdelay $0x1  }
0x8a: {  	s1 =	srdreg.scid  }
0x8b: {  	s0 =	sand.u32 $0x1, s1  }
0x8c: {  	s17 =	sshll.u32 s0, $0xA;
	s2 =	sadd.s32 s3, s2  }
0x8d: {  	s2 =	sadd.s32 s2, s17  }
0x8e: {  	[smem:$0x3FBE] =	sst s2  }
0x8f: {  	_ = 	snop  }
0x90: {  	s2 =	sld [smem:$0x3FD0];
	(tm) =	ssettm $0x1  }
0x91: {  	s18 =	sld [smem:$0x3FFB];
	_ =	sdelay $0x3  }
0x92: {  	_ =	strace s18  }
0x93: {  	s3 =	sld [smem:$0x3FFC];
	_ =	sdelay $0x3  }
0x94: {  	_ =	strace s3  }
0x95: {  	s3 =	sld [smem:$0x3FFD];
	_ =	sdelay $0x3  }
0x96: {  	_ =	strace s3  }
0x97: {  	_ =	strace $0x8FFFFFFF  }
0x98: {  	s19 =	sld [smem:$0x3FDB];
	_ =	sdelay $0x1  }
0x99: {  	s4 =	simm.s32 $_scs_section_size  }
0x9a: {  	s5 =	simm.s32 $_size__tile_overlayer_lowered;
	s6 =	simm.s32 $_tile_overlayer_lowered  }
0x9b: {  	s22 =	simm.s32 $0x1BFF;
	s21 =	sshll.u32 s6, $0x1;
	s3 =	sadd.s32 s4, s19  }
0x9c: {  	s7 =	simm.s32 $0x0;
	s20 =	sshll.u32 s5, $0x1;
	s5 =	sadd.s32 s21, s3  }
0x9d: {  	[timem:s7], [sflag:s22] =	dma.local [hbm:s5], s20  }
0x9e: {  	_ =	swait.ge [sflag:s22], s20  }
0x9f: {  	s4 =	ssub.s32 $0x0, s20;
	[sflag:s22] =	ssyncset.done $0x0  }
0xa0: {  	[sflag:s22] =	ssyncadd.s32 s4;
	_ =	sdelay $0x1  }
0xa1: {  	s23 =	simm.s32 $0x1B8B  }
0xa2: {  	_ =	swait.ge [sflag:s23], $0x1  }
0xa3: {  	[sflag:s23] =	ssyncset.done $0x0  }
0xa4: {  	s25 =	simm.s32 $0x1B8E;
	s24 =	sld [smem:$0x3FFE];
	[sflag:s23] =	ssyncadd.s32 $0xFFFFFFFF  }
0xa5: {  	s26 =	simm.s32 $execute0_lowered;
	[smem:$0x3FD2] =	sst s25  }
0xa6: {  	s5 =	sshll.u32 s26, $0x1;
	_ =	strace $0x80000046;
	[dreg:$0x1] =	wrdreg $0xFFFFFFFF  }
0xa7: {  	s28 =	simm.s32 $_size_execute0_lowered;
	s3 =	sadd.s32 s3, s5;
	[dreg:$0x0] =	wrdreg $0x0  }
0xa8: {  	s5 =	sshll.u32 s28, $0x1;
	[dreg:$0x2] =	wrdreg s3  }
0xa9: {  	[dreg:$0x3] =	wrdreg s5  }
0xaa: {  	[dreg:$0x4] =	wrdreg $0xC0  }
0xab: {  	_ =	task [dreg:s7], $0x5FFFF  }
0xac: {  	[dreg:$0x1] =	wrdreg $0xFFFFFFFF  }
0xad: {  	[dreg:$0x0] =	wrdreg $0x60  }
0xae: {  	[dreg:$0x2] =	wrdreg s24  }
0xaf: {  	[dreg:$0x3] =	wrdreg s2  }
0xb0: {  	[dreg:$0x4] =	wrdreg $0x2F000  }
0xb1: {  	[dreg:$0x5] =	wrdreg $0x9  }
0xb2: {  	_ =	task.clear_ibuf [dreg:s7], $0x6FFFF;
	_ =	strace $0x90000046  }
0xb3: {  	s29 =	simm.s32 $0x9;
	_ =	strace $0x80000048  }
0xb4: {  	_ =	swait.ge [sflag:s29], $0x1  }
0xb5: {  	[sflag:s29] =	ssyncadd.s32 $0xFFFFFFFF  }
0xb6: {  	_ =	strace $0x90000048  }
0xb7: {  	_ =	sfence  }
0xb8: {  	s30 =	sld [smem:$0x0];
	_ =	sdelay $0x2  }
0xb9: {  	s31 =	sshll.u32 s1, $0xD;
	s1 =	sshrl.u32 s1, $0x2  }
0xba: {  	s3 =	sand.u32 $0x4000, s31;
	s1 =	sadd.s32 s1, s30  }
0xbb: {  	s0 =	sor.u32 s3, s0;
	s1 =	sshll.u32 s1, $0x11  }
0xbc: {  	s0 =	sor.u32 s1, s0  }
0xbd: {  	s0 =	sadd.s32 $0x8F2B, s0  }
0xbe: {  	[sflag:s0] =	ssyncadd.remote.s32 $0x1  }
0xbf: {  	_ =	sfence.sel $0xFFFF  }
0xc0: {  	[dreg:$0x0] =	wrdreg $0xFFFFFFFF;
	(pc) =	sbr.abs _section_cstart, $3  }
0xc1: {  	[dreg:$0x1] =	wrdreg $0xFFFFFFFF  }
0xc2: {  	_ =	task.clear_ibuf [dreg:s7], $0x2FFFF;
	_ =	strace $0x9FFFFFFF  }
0xc3: {  	(tm) =	ssettm $0x7FFFFFFF  }
tec
execute0_lowered:
.L_overlay_start_1:
0x0: {  	(tag) =	ssettag $0x1  }
0x1: {  	s4 =	rddreg [dreg:$0x0]  }
0x2: {  	s8 =	rddreg [dreg:$0x1]  }
0x3: {  	s2 =	rddreg [dreg:$0x2]  }
0x4: {  	s0 =	rddreg [dreg:$0x3];
	s3 =	simm.s32 $0x0;
	s1 =	stileid.u32  }
0x5: {  	s5 =	srdreg.scid;
	s13 =	simm.s32 $0x2C00;
	s6 =	smul.u32 $0x2280, s1  }
0x6: {  	s14 =	simm.s32 $0x0;
	[smem:$0x7FF] =	sst s3;
	s28 =	smul.u32 $0x580, s1  }
0x7: {  	s10 =	sand.u32 $0x1, s5;
	s7 =	sadd.s32 $0x1A00, s4;
	s9 =	smul.u32 $0x280, s1  }
0x8: {  	_ =	strace $0x80000047;
	s29 =	ssub.s32 $0x2, s10;
	s12 =	smul.u32 $0x2800, s10  }
0x9: {  	p0 =	seq.s32 s10, $0x0;
	s11 =	sshrl.u32 s29, $0x1;
	s6 =	sshrl.u32 s6, $0x3  }
0xa: {  	s5 =	sadd.s32 s7, s28;
	s11 =	ssub.s32 s29, s11;
	s30 =	sadd.s32 s7, s6  }
0xb: {  	s12 =	sadd.s32 s9, s12;
	s6 =	sadd.s32 s9, s2;
	s7 =	simm.s32 $0x58  }
0xc: {  	s4 =	sadd.s32 $0x5800, s30;
	s31 =	sshrl.u32 s12, $0x3;
	s7 =	simm.s32 @!p0 $0x45  }
0xd: {  	s9 =	smax.u32 s11, $0x1;
	p0 =	sne.s32 s10, $0x0;
	s10 =	simm.s32 $0x2C80  }
0xe: {  	v0 =	vimm.f32 $1.000000000e+00;
	v1 =	vimm.f32 $0.0e+00;
	s11 =	simm.s32 $0x1;
	s12 =	simm.s32 $0x80;
	s8 =	sadd.s32 s8, s31  }
.LBB2_1:
0xf: {  	s15 =	simm.s32 @p0 $0x0  }
0x10: {  	[tilespmem:s15], [sflag:$0x1] =	stream.linear.gather @p0 [hbm4b:s4+s15], $0x2280, $0x38;
	[tilespmem:$0x3180] =	vst v63  }
0x11: {  	s15 =	simm.s32 @p0 $0x1  }
0x12: {  	_ =	swait.ge @p0 [sflag:s15], $0x2280  }
0x13: {  	[sflag:s15] =	ssyncset.done @p0 $0x0  }
0x14: {  	[sflag:s15] =	ssyncadd.s32 @p0 $0xFFFFDD80;
	s15 =	simm.s32 @!p0 $0x0  }
0x15: {  	[tilespmem:s15], [sflag:$0x1] =	stream.linear.gather @!p0 [hbm4b:s5+s15], $0x2C00, $0x38;
	[tilespmem:$0x3180] =	vst v63  }
0x16: {  	s15 =	simm.s32 @!p0 $0x1  }
0x17: {  	_ =	swait.ge @!p0 [sflag:s15], $0x2C00  }
0x18: {  	[sflag:s15] =	ssyncset.done @!p0 $0x0  }
0x19: {  	[sflag:s15] =	ssyncadd.s32 @!p0 $0xFFFFD400  }
0x1a: {  	[tilespmem:$0x2C00] =	vst v0  }
0x1b: {  	[tilespmem:$0x2C10] =	vst v0  }
0x1c: {  	[tilespmem:$0x2C20] =	vst v0  }
0x1d: {  	[tilespmem:$0x2C30] =	vst v0  }
0x1e: {  	[tilespmem:$0x2C40] =	vst v0  }
0x1f: {  	[tilespmem:$0x2C50] =	vst v0  }
0x20: {  	[tilespmem:$0x2C60] =	vst v0  }
0x21: {  	[tilespmem:$0x2C70] =	vst v0  }
0x22: {  	[tilespmem:$0x2C80] =	vst v1  }
0x23: {  	[tilespmem:$0x2C90] =	vst v1  }
0x24: {  	[tilespmem:$0x2CA0] =	vst v1  }
0x25: {  	[tilespmem:$0x2CB0] =	vst v1  }
0x26: {  	[tilespmem:$0x2CC0] =	vst v1  }
0x27: {  	[tilespmem:$0x2CD0] =	vst v1  }
0x28: {  	[tilespmem:$0x2CE0] =	vst v1  }
0x29: {  	[tilespmem:$0x2CF0] =	vst v1  }
0x2a: {  	[tilespmem:$0x2D00] =	vst v1  }
0x2b: {  	[tilespmem:$0x2D10] =	vst v1  }
0x2c: {  	[tilespmem:$0x2D20] =	vst v1  }
0x2d: {  	[tilespmem:$0x2D30] =	vst v1  }
0x2e: {  	[tilespmem:$0x2D40] =	vst v1  }
0x2f: {  	[tilespmem:$0x2D50] =	vst v1  }
0x30: {  	[tilespmem:$0x2D60] =	vst v1  }
0x31: {  	[tilespmem:$0x2D70] =	vst v1  }
0x32: {  	[tilespmem:$0x2D80] =	vst v1  }
0x33: {  	[tilespmem:$0x2D90] =	vst v1  }
0x34: {  	[tilespmem:$0x2DA0] =	vst v1  }
0x35: {  	[tilespmem:$0x2DB0] =	vst v1  }
0x36: {  	[tilespmem:$0x2DC0] =	vst v1  }
0x37: {  	[tilespmem:$0x2DD0] =	vst v1  }
0x38: {  	[tilespmem:$0x2DE0] =	vst v1  }
0x39: {  	[tilespmem:$0x2DF0] =	vst v1  }
0x3a: {  	[tilespmem:$0x2E00] =	vst v1  }
0x3b: {  	[tilespmem:$0x2E10] =	vst v1  }
0x3c: {  	[tilespmem:$0x2E20] =	vst v1  }
0x3d: {  	[tilespmem:$0x2E30] =	vst v1  }
0x3e: {  	[tilespmem:$0x2E40] =	vst v1  }
0x3f: {  	[tilespmem:$0x2E50] =	vst v1  }
0x40: {  	[tilespmem:$0x2E60] =	vst v1  }
0x41: {  	[tilespmem:$0x2E70] =	vst v1  }
0x42: {  	[tilespmem:$0x2E80] =	vst v1  }
0x43: {  	[tilespmem:$0x2E90] =	vst v1  }
0x44: {  	[tilespmem:$0x2EA0] =	vst v1  }
0x45: {  	[tilespmem:$0x2EB0] =	vst v1  }
0x46: {  	[tilespmem:$0x2EC0] =	vst v1  }
0x47: {  	[tilespmem:$0x2ED0] =	vst v1  }
0x48: {  	[tilespmem:$0x2EE0] =	vst v1  }
0x49: {  	[tilespmem:$0x2EF0] =	vst v1  }
0x4a: {  	[spmem:s6] =	stream.linear.scatter [tilespmem:s10], [sflag:$0x1], $0x280, $0x38;
	[tilespmem:$0x3180] =	vst v63  }
0x4b: {  	_ =	swait.ge [sflag:s11], $0x280  }
0x4c: {  	p1 =	sne.s32 s7, $0x1;
	[sflag:s11] =	ssyncset.done $0x0  }
.Ltmp0:
0x4d: {  	[sflag:s11] =	ssyncadd.s32 $0xFFFFFD80;
	(pc) =	sbr.rel @!p1 .LBB2_3-.Ltmp0, $4  }
0x4e: {  	[bflag:$0x0] =	sbarrier.arrive $0xFFFF  }
0x4f: {  	[spmem:s2] =	stream.indirect.scatter.add.f32 [tilespmem:s13], [sflag:$0x1], $0x1, s3, s12, $0xb8;
	[tilespmem:$0x3180] =	vst v63  }
0x50: {  	_ =	swait.ge [sflag:s11], $0x80  }
0x51: {  	s16 =	simm.s32 $0x0;
	s15 =	sadd.s32 $0xFFFFFFFF, s7;
	[sflag:s11] =	ssyncset.done $0x0  }
.LBB2_2:
0x52: {  	p1 =	sne.s32 s15, $0x1;
	[sflag:s11] =	ssyncadd.s32 $0xFFFFFF80;
	s16 =	sadd.s32 $0x80, s16  }
.Ltmp1:
0x53: {  	s15 =	sadd.s32 $0xFFFFFFFF, s15;
	(pc) =	sbr.rel @p1 .LBB2_2-.Ltmp1, $4  }
0x54: {  	_ = 	snop  }
0x55: {  	[spmem:s2] =	stream.indirect.scatter.add.f32 [tilespmem:s13], [sflag:$0x1], $0x1, s16, s12, $0xb8;
	[tilespmem:$0x3180] =	vst v63  }
0x56: {  	_ =	swait.ge [sflag:s11], $0x80  }
0x57: {  	[sflag:s11] =	ssyncset.done $0x0  }
.LBB2_3:
0x58: {  	[sflag:s11] =	ssyncadd.s32 $0xFFFFFF80  }
0x59: {  	[bflag:$0x0] =	sbarrier.arrive $0xFFFF  }
0x5a: {  	[tilespmem:s10], [sflag:$0x1] =	stream.linear.gather [spmem:s6], $0x280, $0x38;
	[tilespmem:$0x3180] =	vst v63  }
0x5b: {  	s14 =	sadd.s32 $0x1, s14;
	_ =	swait.ge [sflag:s11], $0x280  }
0x5c: {  	p1 =	sne.s32 s14, s9;
	[sflag:s11] =	ssyncset.done $0x0  }
.Ltmp2:
0x5d: {  	[sflag:s11] =	ssyncadd.s32 $0xFFFFFD80;
	(pc) =	sbr.rel @p1 .LBB2_1-.Ltmp2, $4  }
0x5e: {  	[hbm4b:s8+s3] =	stream.linear.scatter [tilespmem:s10], [sflag:$0x1], $0x280, $0x38;
	[tilespmem:$0x3180] =	vst v63  }
0x5f: {  	_ =	swait.ge [sflag:s11], $0x280  }
0x60: {  	[sflag:s11] =	ssyncset.done $0x0  }
0x61: {  	[sflag:s11] =	ssyncadd.s32 $0xFFFFFD80  }
0x62: {  	_ =	sfence.sel $0x180000  }
0x63: {  	[bflag:$0x0] =	sbarrier.arrive $0xFFFF  }
0x64: {  	p0 =	sne.s32 s1, $0x0;
	_ =	strace $0x90000047  }
0x65: {  	s0 =	sadd.s32 @!p0 $0x100000, s0;
	[bflag:$0x2] =	sbarrier.arrive $0xFFFF  }
0x66: {  	[sflag:s0] =	ssyncadd.tile.s32 @!p0 $0x1;
	_ =	shalt  }
.Lfunc_end2:
_tile_overlayer_lowered:
.L_overlay_start_2:
0x67: {  	(tag) =	ssettag $0x2  }
0x68: {  	s0 =	rddreg [dreg:$0x0];
	s2 =	stileid.u32  }
0x69: {  	s1 =	rddreg [dreg:$0x1];
	p0 =	sne.s32 s2, $0x0  }
0x6a: {  	s3 =	rddreg [dreg:$0x2];
	[bflag:$0x3] =	sbarrier.arrive $0xFFFF;
	s2 =	simm.s32 @!p0 $0x1C01  }
0x6b: {  	[timem:s3], [sflag:s2] =	dma.local @!p0 [hbm:s0], s1  }
0x6c: {  	s0 =	simm.s32 @!p0 $0x1  }
0x6d: {  	_ =	swait.ge @!p0 [sflag:s0], s1  }
0x6e: {  	s1 =	ssub.s32 @!p0 $0x0, s1;
	[sflag:s0] =	ssyncset.done @!p0 $0x0  }
0x6f: {  	[sflag:s0] =	ssyncadd.s32 @!p0 s1  }
0x70: {  	[bflag:$0x3] =	sbarrier.arrive $0xFFFF  }
0x71: {  	_ =	shalt  }

</sc_bundles>
